<compile_context>
chip_gen: v7x
topology: tpu7x:2x2x1
jax: 0.10.2.dev20260603
libtpu: 0.0.44.dev20260713+nightly
codegen_flags: <defaults>
</compile_context>

<pallas_src>
import functools

import jax
import jax.numpy as jnp
from jax import lax
from jax.experimental import pallas as pl
from jax.experimental.pallas import tpu as pltpu
from jax.experimental.pallas import tpu_sc as plsc

B, S, D = 1, 2048, 768
E, K, F = 8, 2, 3072
TBLK = 512
NTB = S // TBLK
BLK = 256
NA = S * K
NSLOT = NA + E * BLK
NBLK = NSLOT // BLK
NBLK_PAD = 32
FBLK = 768
NF = F // FBLK

NC, NS, L = 2, 16, 16
NW = NC * NS



def _route_body(x_ref, wr_ref, a1_ref, a2_ref, w1_ref, w2_ref, r1_ref,
                r2_ref, cnt_ref, xb16_ref, run_ref):
    t = pl.program_id(0)

    @pl.when(t == 0)
    def _init():
        run_ref[...] = jnp.zeros((1, E), jnp.int32)

    xb = x_ref[...]
    logits = jax.lax.dot_general(
        xb, wr_ref[...], (((1,), (1,)), ((), ())),
        preferred_element_type=jnp.float32)
    a1 = jnp.argmax(logits, axis=1)
    m1 = jnp.max(logits, axis=1)
    eids = jax.lax.broadcasted_iota(jnp.int32, (TBLK, E), 1)
    oh1 = eids == a1[:, None]
    masked = jnp.where(oh1, -jnp.inf, logits)
    a2 = jnp.argmax(masked, axis=1)
    m2 = jnp.max(masked, axis=1)
    oh2 = eids == a2[:, None]
    q = jnp.exp(m2 - m1)
    w_top1 = 1.0 / (1.0 + q)
    w_top2 = q / (1.0 + q)

    oh1f = oh1.astype(jnp.float32)
    oh2f = oh2.astype(jnp.float32)
    ohs = oh1f + oh2f
    rows = jax.lax.broadcasted_iota(jnp.int32, (TBLK, TBLK), 0)
    cols = jax.lax.broadcasted_iota(jnp.int32, (TBLK, TBLK), 1)
    tril = (rows > cols).astype(jnp.float32)
    excl = jax.lax.dot_general(tril, ohs, (((1,), (0,)), ((), ())),
                               preferred_element_type=jnp.float32)
    run = run_ref[...]
    r1 = (jnp.sum(excl * oh1f, axis=1).astype(jnp.int32)
          + jnp.sum(jnp.where(oh1, run, 0), axis=1))
    r2 = (jnp.sum(excl * oh2f, axis=1).astype(jnp.int32)
          + jnp.sum(jnp.where(oh2, run, 0), axis=1))

    a1_ref[...] = a1.reshape(1, 1, TBLK)
    a2_ref[...] = a2.reshape(1, 1, TBLK)
    w1_ref[...] = w_top1.reshape(1, 1, TBLK)
    w2_ref[...] = w_top2.reshape(1, 1, TBLK)
    r1_ref[...] = r1.reshape(1, 1, TBLK)
    r2_ref[...] = r2.reshape(1, 1, TBLK)

    run_ref[...] = run + jnp.sum(ohs, axis=0, keepdims=True).astype(jnp.int32)
    cnt_ref[...] = run_ref[...]
    xb16_ref[...] = xb.astype(jnp.bfloat16)


def _route(x2, Wr):
    i32 = jnp.int32
    f32 = jnp.float32
    outs = pl.pallas_call(
        _route_body,
        grid=(NTB,),
        in_specs=[
            pl.BlockSpec((TBLK, D), lambda t: (t, 0)),
            pl.BlockSpec((E, D), lambda t: (0, 0)),
        ],
        out_specs=[
            pl.BlockSpec((1, 1, TBLK), lambda t: (t, 0, 0)),
            pl.BlockSpec((1, 1, TBLK), lambda t: (t, 0, 0)),
            pl.BlockSpec((1, 1, TBLK), lambda t: (t, 0, 0)),
            pl.BlockSpec((1, 1, TBLK), lambda t: (t, 0, 0)),
            pl.BlockSpec((1, 1, TBLK), lambda t: (t, 0, 0)),
            pl.BlockSpec((1, 1, TBLK), lambda t: (t, 0, 0)),
            pl.BlockSpec((1, E), lambda t: (0, 0)),
            pl.BlockSpec((TBLK, D), lambda t: (t, 0)),
        ],
        out_shape=[
            jax.ShapeDtypeStruct((NTB, 1, TBLK), i32),
            jax.ShapeDtypeStruct((NTB, 1, TBLK), i32),
            jax.ShapeDtypeStruct((NTB, 1, TBLK), f32),
            jax.ShapeDtypeStruct((NTB, 1, TBLK), f32),
            jax.ShapeDtypeStruct((NTB, 1, TBLK), i32),
            jax.ShapeDtypeStruct((NTB, 1, TBLK), i32),
            jax.ShapeDtypeStruct((1, E), i32),
            jax.ShapeDtypeStruct((S, D), jnp.bfloat16),
        ],
        scratch_shapes=[pltpu.VMEM((1, E), i32)],
        compiler_params=pltpu.CompilerParams(
            dimension_semantics=("arbitrary",),
        ),
    )(x2, Wr)
    return outs



@functools.cache
def _sc_mesh():
    return plsc.VectorSubcoreMesh(core_axis_name="c", subcore_axis_name="s")


@functools.cache
def _make_dispatch():
    return functools.partial(
        pl.kernel,
        out_type=[
            jax.ShapeDtypeStruct((NSLOT,), jnp.int32),
            jax.ShapeDtypeStruct((NSLOT,), jnp.float32),
            jax.ShapeDtypeStruct((S,), jnp.int32),
            jax.ShapeDtypeStruct((S,), jnp.int32),
            jax.ShapeDtypeStruct((NBLK_PAD,), jnp.int32),
            jax.ShapeDtypeStruct((NBLK_PAD,), jnp.int32),
        ],
        mesh=_sc_mesh(),
        scratch_types=[
            pltpu.VMEM((S,), jnp.int32),
            pltpu.VMEM((S,), jnp.int32),
            pltpu.VMEM((S,), jnp.int32),
            pltpu.VMEM((S,), jnp.int32),
            pltpu.VMEM((S,), jnp.float32),
            pltpu.VMEM((S,), jnp.float32),
            pltpu.VMEM((16,), jnp.int32),
            pltpu.VMEM((16,), jnp.int32),
            pltpu.VMEM((16,), jnp.int32),
            pltpu.VMEM((16,), jnp.int32),
            pltpu.VMEM((NSLOT,), jnp.int32),
            pltpu.VMEM((NSLOT,), jnp.float32),
            pltpu.VMEM((S,), jnp.int32),
            pltpu.VMEM((S,), jnp.int32),
            pltpu.VMEM((NBLK_PAD,), jnp.int32),
            pltpu.VMEM((NBLK_PAD,), jnp.int32),
        ],
        compiler_params=pltpu.CompilerParams(needs_layout_passes=False),
    )(_dispatch_body)


def _dispatch_sc(*args):
    return _make_dispatch()(*args)


def _dispatch_body(a1_hbm, a2_hbm, r1_hbm, r2_hbm, w1_hbm, w2_hbm, cnt_hbm,
                 src_hbm, wsl_hbm, p1_hbm, p2_hbm, bex_hbm, nr_hbm,
                 a1v, a2v, r1v, r2v, w1v, w2v, cntv, padv, offv, csv,
                 srcv, wslv, p1v, p2v, bexv, nrv):
    wid = lax.axis_index("s") * NC + lax.axis_index("c")

    @pl.when(wid == 0)
    def _work():
        pltpu.sync_copy(a1_hbm, a1v)
        pltpu.sync_copy(a2_hbm, a2v)
        pltpu.sync_copy(r1_hbm, r1v)
        pltpu.sync_copy(r2_hbm, r2v)
        pltpu.sync_copy(w1_hbm, w1v)
        pltpu.sync_copy(w2_hbm, w2v)
        pltpu.sync_copy(cnt_hbm, cntv)

        lane = lax.iota(jnp.int32, 16)
        counts = cntv[...]
        padded = (counts + (BLK - 1)) & (-BLK)
        padv[...] = padded
        cs = plsc.cumsum(padded)
        offs = cs - padded
        offv[...] = offs
        csv[...] = cs
        off_sp = [jnp.sum(jnp.where(lane == e, offs, 0)) for e in range(E)]
        cs_sp = [jnp.sum(jnp.where(lane == e, cs, 0)) for e in range(E)]
        end_sp = [jnp.sum(jnp.where(lane == e, offs + counts, 0))
                  for e in range(E)]

        zi = jnp.zeros((16,), jnp.int32)
        zf = jnp.zeros((16,), jnp.float32)

        def zero_body(i, _):
            srcv[pl.ds(i * 16, 16)] = zi
            wslv[pl.ds(i * 16, 16)] = zf
            return _

        lax.fori_loop(0, NSLOT // 16, zero_body, None)

        def _sel(idx16, scalars):
            acc = jnp.zeros((16,), jnp.int32)
            for e in range(E):
                acc = acc + jnp.where(idx16 == e, scalars[e], 0)
            return acc

        def asg_body(c, _):
            base = c * 16
            tok = base + lane
            a1c = a1v[pl.ds(base, 16)]
            p1 = _sel(a1c, off_sp) + r1v[pl.ds(base, 16)]
            plsc.store_scatter(srcv, [p1], tok)
            plsc.store_scatter(wslv, [p1], w1v[pl.ds(base, 16)])
            p1v[pl.ds(base, 16)] = p1
            a2c = a2v[pl.ds(base, 16)]
            p2 = _sel(a2c, off_sp) + r2v[pl.ds(base, 16)]
            plsc.store_scatter(srcv, [p2], tok)
            plsc.store_scatter(wslv, [p2], w2v[pl.ds(base, 16)])
            p2v[pl.ds(base, 16)] = p2
            return _

        lax.fori_loop(0, S // 16, asg_body, None)

        for bi in range(NBLK_PAD // 16):
            sb = (lane + bi * 16) * BLK
            be = jnp.zeros((16,), jnp.int32)
            for e in range(E):
                be = be + jnp.where(cs_sp[e] <= sb, 1, 0)
            be = jnp.minimum(be, E - 1)
            bexv[pl.ds(bi * 16, 16)] = be
            endb = _sel(be, end_sp)
            nrv[pl.ds(bi * 16, 16)] = jnp.clip(endb - sb, 0, BLK)

        pltpu.sync_copy(srcv, src_hbm)
        pltpu.sync_copy(wslv, wsl_hbm)
        pltpu.sync_copy(p1v, p1_hbm)
        pltpu.sync_copy(p2v, p2_hbm)
        pltpu.sync_copy(bexv, bex_hbm)
        pltpu.sync_copy(nrv, nr_hbm)



_G_PER_W = NSLOT // NW
_G_CH = 32
_G_NCH = _G_PER_W // _G_CH
_G_NBUF = 4


@functools.cache
def _make_gather():
    return functools.partial(
        pl.kernel,
        out_type=jax.ShapeDtypeStruct((NSLOT, D), jnp.float32),
        mesh=_sc_mesh(),
        scratch_types=(
            [pltpu.VMEM((_G_PER_W,), jnp.int32)]
            + [pltpu.VMEM((_G_CH, D), jnp.float32)] * _G_NBUF
            + [pltpu.SemaphoreType.DMA] * (2 * _G_NBUF)
        ),
        compiler_params=pltpu.CompilerParams(needs_layout_passes=False),
    )(_gather_body)


def _gather_sc(*args):
    return _make_gather()(*args)


def _gather_body(x_hbm, src_hbm, xbuf_hbm, idxv, *bufs_sems):
    bufs = bufs_sems[:_G_NBUF]
    gsems = bufs_sems[_G_NBUF:2 * _G_NBUF]
    wsems = bufs_sems[2 * _G_NBUF:]
    wid = lax.axis_index("s") * NC + lax.axis_index("c")
    base = wid * _G_PER_W
    pltpu.sync_copy(src_hbm.at[pl.ds(base, _G_PER_W)], idxv)
    gathers = [None] * _G_NCH
    writes = [None] * _G_NCH
    waited = set()
    for c in range(_G_NCH):
        b = c % _G_NBUF
        if c >= _G_NBUF:
            writes[c - _G_NBUF].wait()
            waited.add(c - _G_NBUF)
        gathers[c] = pltpu.async_copy(
            x_hbm.at[idxv.at[pl.ds(c * _G_CH, _G_CH)]], bufs[b], gsems[b])
        d = c - (_G_NBUF - 1)
        if d >= 0:
            gathers[d].wait()
            writes[d] = pltpu.async_copy(
                bufs[d % _G_NBUF],
                xbuf_hbm.at[pl.ds(base + d * _G_CH, _G_CH)],
                wsems[d % _G_NBUF])
    for d in range(_G_NCH):
        if writes[d] is None:
            gathers[d].wait()
            writes[d] = pltpu.async_copy(
                bufs[d % _G_NBUF],
                xbuf_hbm.at[pl.ds(base + d * _G_CH, _G_CH)],
                wsems[d % _G_NBUF])
    for d in range(_G_NCH):
        if d not in waited:
            writes[d].wait()




def _ffn_body(bex_ref, nr_ref, x_ref, src_ref, wsl_ref, w1_ref, w2_ref,
              w3_ref, y_ref, xv, xsem):
    b = pl.program_id(0)
    nreal = nr_ref[b]

    @pl.when(b == 0)
    def _stage_x():
        cp = pltpu.make_async_copy(x_ref, xv, xsem)
        cp.start()
        cp.wait()

    @pl.when(nreal > 0)
    def _compute():
        src_b = src_ref[0, 0, :]
        tids = jax.lax.broadcasted_iota(jnp.int32, (BLK, S), 1)
        sel = (tids == src_b[:, None]).astype(jnp.bfloat16)
        xb = jax.lax.dot_general(sel, xv[...], (((1,), (0,)), ((), ())),
                                 preferred_element_type=jnp.float32)
        w1 = w1_ref[0]
        w3 = w3_ref[0]
        w2 = w2_ref[0]
        h1 = jax.lax.dot_general(xb, w1, (((1,), (1,)), ((), ())),
                                 preferred_element_type=jnp.float32)
        h3 = jax.lax.dot_general(xb, w3, (((1,), (1,)), ((), ())),
                                 preferred_element_type=jnp.float32)
        h = (h1 * jax.nn.sigmoid(h1)) * h3
        y = jax.lax.dot_general(h, w2, (((1,), (1,)), ((), ())),
                                preferred_element_type=jnp.float32)
        y_ref[...] = wsl_ref[0, 0, :][:, None] * y


def _ffn(bex, nr, x2, src3, wsl3, W1, W2, W3):
    grid_spec = pltpu.PrefetchScalarGridSpec(
        num_scalar_prefetch=2,
        grid=(NBLK,),
        in_specs=[
            pl.BlockSpec(memory_space=pl.ANY),
            pl.BlockSpec((1, 1, BLK), lambda b, bex, nr: (b, 0, 0)),
            pl.BlockSpec((1, 1, BLK), lambda b, bex, nr: (b, 0, 0)),
            pl.BlockSpec((1, F, D), lambda b, bex, nr: (bex[b], 0, 0)),
            pl.BlockSpec((1, D, F), lambda b, bex, nr: (bex[b], 0, 0)),
            pl.BlockSpec((1, F, D), lambda b, bex, nr: (bex[b], 0, 0)),
        ],
        out_specs=pl.BlockSpec((BLK, D), lambda b, bex, nr: (b, 0)),
        scratch_shapes=[
            pltpu.VMEM((S, D), jnp.bfloat16),
            pltpu.SemaphoreType.DMA,
        ],
    )
    return pl.pallas_call(
        _ffn_body,
        grid_spec=grid_spec,
        out_shape=jax.ShapeDtypeStruct((NSLOT, D), jnp.float32),
        compiler_params=pltpu.CompilerParams(
            dimension_semantics=("arbitrary",),
            vmem_limit_bytes=110 * 1024 * 1024,
        ),
    )(bex, nr, x2, src3, wsl3, W1, W2, W3)



_C_PER_W = S // NW
_C_CH = 32
_C_NCH = _C_PER_W // _C_CH


@functools.cache
def _make_combine():
    return functools.partial(
        pl.kernel,
        out_type=jax.ShapeDtypeStruct((S, D), jnp.float32),
        mesh=_sc_mesh(),
        scratch_types=(
            [pltpu.VMEM((_C_PER_W,), jnp.int32)] * 2
            + [pltpu.VMEM((_C_CH, D), jnp.float32)] * (2 * _C_NCH)
            + [pltpu.SemaphoreType.DMA] * (2 * _C_NCH)
            + [pltpu.SemaphoreType.DMA]
        ),
        compiler_params=pltpu.CompilerParams(needs_layout_passes=False),
    )(_combine_body)


def _combine_sc(*args):
    return _make_combine()(*args)


def _combine_body(y_hbm, p1_hbm, p2_hbm, out_hbm, i1v, i2v, *rest):
    r1 = rest[:_C_NCH]
    r2 = rest[_C_NCH:2 * _C_NCH]
    sems = rest[2 * _C_NCH:4 * _C_NCH]
    wsem = rest[4 * _C_NCH]
    wid = lax.axis_index("s") * NC + lax.axis_index("c")
    base = wid * _C_PER_W
    pltpu.sync_copy(p1_hbm.at[pl.ds(base, _C_PER_W)], i1v)
    pltpu.sync_copy(p2_hbm.at[pl.ds(base, _C_PER_W)], i2v)
    cps = []
    for ci in range(_C_NCH):
        sl = pl.ds(ci * _C_CH, _C_CH)
        cps.append((
            pltpu.async_copy(y_hbm.at[i1v.at[sl]], r1[ci], sems[2 * ci]),
            pltpu.async_copy(y_hbm.at[i2v.at[sl]], r2[ci], sems[2 * ci + 1]),
        ))
    writes = []
    for ci in range(_C_NCH):
        cps[ci][0].wait()
        cps[ci][1].wait()

        def add_body(i, _, ci=ci):
            for j in range(D // 16):
                sl = pl.ds(j * 16, 16)
                r1[ci][i, sl] = r1[ci][i, sl] + r2[ci][i, sl]
            return _

        lax.fori_loop(0, _C_CH, add_body, None)
        writes.append(pltpu.async_copy(
            r1[ci], out_hbm.at[pl.ds(base + ci * _C_CH, _C_CH)], wsem))
    for w in writes:
        w.wait()




def kernel(x, Wr, W1, W2, W3):
    x2 = x.reshape(S, D)
    a1, a2, w1, w2, r1, r2, cnt, x16 = _route(x2, Wr)
    cnt16 = jnp.concatenate([cnt.reshape(E), jnp.zeros((16 - E,), jnp.int32)])
    src, wsl, p1, p2, bex, nr = _dispatch_sc(
        a1.reshape(S), a2.reshape(S), r1.reshape(S), r2.reshape(S),
        w1.reshape(S), w2.reshape(S), cnt16)
    ybuf = _ffn(bex, nr, x16, src.reshape(NBLK, 1, BLK),
                wsl.reshape(NBLK, 1, BLK), W1, W2, W3)
    out = _combine_sc(ybuf, p1, p2)
    return out.reshape(x.shape)

# --- scband reference (transcript-rebuilt; emitter-appended) ---
"""Pipeline reference for scband-hyper-mo-elayer-38001870635035 (READ-ONLY COPY).

The authoritative reference and input builder live on the scoring server;
editing this copy changes nothing except your own understanding.
"""

import jax, jax.numpy as jnp
import numpy as np

B, S, D_MODEL = 1, 2048, 768
N_EXPERTS, TOP_K, D_FF = 8, 2, 3072


def setup_inputs(seed: int = 0) -> dict:
    key = jax.random.key(seed)
    ks = jax.random.split(key, 5)
    x = jax.random.normal(ks[0], (B, S, D_MODEL), dtype=jnp.float32)
    Wr = jax.random.normal(ks[1], (N_EXPERTS, D_MODEL), dtype=jnp.float32) * 0.02
    W1 = jax.random.normal(ks[2], (N_EXPERTS, D_FF, D_MODEL), dtype=jnp.float32) * 0.02
    W2 = jax.random.normal(ks[3], (N_EXPERTS, D_MODEL, D_FF), dtype=jnp.float32) * 0.02
    W3 = jax.random.normal(ks[4], (N_EXPERTS, D_FF, D_MODEL), dtype=jnp.float32) * 0.02
    return {"x": x, "Wr": Wr, "W1": W1, "W2": W2, "W3": W3}


def reference(x, Wr, W1, W2, W3):
    # Router: nn.Linear(d_model, n_experts, bias=False)
    orig_shape = x.shape
    flat_x = x.reshape(-1, x.shape[-1])  # [T, D]
    router_logits = flat_x @ Wr.T  # [T, E]
    weights, indices = jax.lax.top_k(router_logits, TOP_K)  # [T, K]
    weights = jax.nn.softmax(weights, axis=-1)
    # Build per-token combine weights over experts (equivalent to the
    # torch masked per-expert accumulation loop)
    combine = jnp.zeros((flat_x.shape[0], N_EXPERTS), dtype=flat_x.dtype)
    for k in range(TOP_K):
        combine = combine + jax.nn.one_hot(indices[:, k], N_EXPERTS, dtype=flat_x.dtype) * weights[:, k:k + 1]
    out = jnp.zeros_like(flat_x)
    for e in range(N_EXPERTS):
        # HyperExpert: w2(silu(w1(x)) * w3(x))
        h = jax.nn.silu(flat_x @ W1[e].T) * (flat_x @ W3[e].T)
        out = out + combine[:, e:e + 1] * (h @ W2[e].T)
    return out.reshape(orig_shape)

if __name__ == "__main__":
    import jax
    _d = setup_inputs()
    print(jax.jit(kernel)(*tuple(_d.values())))

</pallas_src>

<mosaic_0001>
#map = affine_map<(d0, d1) -> (0, 0)>
#map1 = affine_map<(d0, d1) -> (0)>
module attributes {stable_mosaic.version = 14 : i64} {
  func.func @_combine_body(%arg0: i32, %arg1: i32, %arg2: memref<6144x768xf32, #tpu.memory_space<hbm>>, %arg3: memref<2048xi32, #tpu.memory_space<hbm>>, %arg4: memref<2048xi32, #tpu.memory_space<hbm>>, %arg5: memref<2048x768xf32, #tpu.memory_space<hbm>>, %arg6: memref<64xi32, #tpu.memory_space<vmem>>, %arg7: memref<64xi32, #tpu.memory_space<vmem>>, %arg8: memref<32x768xf32, #tpu.memory_space<vmem>>, %arg9: memref<32x768xf32, #tpu.memory_space<vmem>>, %arg10: memref<32x768xf32, #tpu.memory_space<vmem>>, %arg11: memref<32x768xf32, #tpu.memory_space<vmem>>, %arg12: memref<!tpu.dma_semaphore, #tpu.memory_space<semaphore_mem>>, %arg13: memref<!tpu.dma_semaphore, #tpu.memory_space<semaphore_mem>>, %arg14: memref<!tpu.dma_semaphore, #tpu.memory_space<semaphore_mem>>, %arg15: memref<!tpu.dma_semaphore, #tpu.memory_space<semaphore_mem>>, %arg16: memref<!tpu.dma_semaphore, #tpu.memory_space<semaphore_mem>>) attributes {dimension_semantics = [#tpu.dimension_semantics<core_parallel>, #tpu.dimension_semantics<subcore_parallel>], iteration_bounds = array<i64: 2, 16>, scalar_prefetch = 0 : i64, scratch_operands = 11 : i64, tpu.core_type = #tpu.core_type<sc_vector_subcore>, window_params = [{transform_indices = #map}, {transform_indices = #map1}, {transform_indices = #map1}, {transform_indices = #map}]} {
    %mul3A = arith.constant 2 : i32
    %mul3A_0 = arith.muli %arg1, %mul3A : i32
    %add3A = arith.addi %mul3A_0, %arg0 : i32
    %mul3A_1 = arith.constant 64 : i32
    %mul3A_2 = arith.muli %add3A, %mul3A_1 : i32
    "tpu.region"() ({
      %run_scoped3A = tpu.sem_alloc : memref<!tpu.dma_semaphore, #tpu.memory_space<semaphore_mem>>
      %dma_start3A_70 = tpu.memref_slice %arg3[%mul3A_2] : memref<2048xi32, #tpu.memory_space<hbm>> -> memref<64xi32, #tpu.memory_space<hbm>>
      %dma_start3A_71 = tpu.memref_slice %arg3[%mul3A_2] : memref<2048xi32, #tpu.memory_space<hbm>> -> memref<64xi32, #tpu.memory_space<hbm>>
      tpu.enqueue_dma source(%dma_start3A_71 : memref<64xi32, #tpu.memory_space<hbm>>) target(%arg6 : memref<64xi32, #tpu.memory_space<vmem>>) target_semaphore(%run_scoped3A : memref<!tpu.dma_semaphore, #tpu.memory_space<semaphore_mem>>)
      %dma_wait3A_72 = tpu.memref_slice %arg3[%mul3A_2] : memref<2048xi32, #tpu.memory_space<hbm>> -> memref<64xi32, #tpu.memory_space<hbm>>
      %dma_wait3A_73 = tpu.memref_slice %arg3[%mul3A_2] : memref<2048xi32, #tpu.memory_space<hbm>> -> memref<64xi32, #tpu.memory_space<hbm>>
      tpu.wait_dma2 semaphore(%run_scoped3A : memref<!tpu.dma_semaphore, #tpu.memory_space<semaphore_mem>>) src(%dma_wait3A_73 : memref<64xi32, #tpu.memory_space<hbm>>) dst(%arg6 : memref<64xi32, #tpu.memory_space<vmem>>)
      tpu.yield
    }) : () -> ()
    "tpu.region"() ({
      %run_scoped3A = tpu.sem_alloc : memref<!tpu.dma_semaphore, #tpu.memory_space<semaphore_mem>>
      %dma_start3A_70 = tpu.memref_slice %arg4[%mul3A_2] : memref<2048xi32, #tpu.memory_space<hbm>> -> memref<64xi32, #tpu.memory_space<hbm>>
      %dma_start3A_71 = tpu.memref_slice %arg4[%mul3A_2] : memref<2048xi32, #tpu.memory_space<hbm>> -> memref<64xi32, #tpu.memory_space<hbm>>
      tpu.enqueue_dma source(%dma_start3A_71 : memref<64xi32, #tpu.memory_space<hbm>>) target(%arg7 : memref<64xi32, #tpu.memory_space<vmem>>) target_semaphore(%run_scoped3A : memref<!tpu.dma_semaphore, #tpu.memory_space<semaphore_mem>>)
      %dma_wait3A_72 = tpu.memref_slice %arg4[%mul3A_2] : memref<2048xi32, #tpu.memory_space<hbm>> -> memref<64xi32, #tpu.memory_space<hbm>>
      %dma_wait3A_73 = tpu.memref_slice %arg4[%mul3A_2] : memref<2048xi32, #tpu.memory_space<hbm>> -> memref<64xi32, #tpu.memory_space<hbm>>
      tpu.wait_dma2 semaphore(%run_scoped3A : memref<!tpu.dma_semaphore, #tpu.memory_space<semaphore_mem>>) src(%dma_wait3A_73 : memref<64xi32, #tpu.memory_space<hbm>>) dst(%arg7 : memref<64xi32, #tpu.memory_space<vmem>>)
      tpu.yield
    }) : () -> ()
    %dma_start3A = arith.constant 0 : i32
    %dma_start3A_3 = tpu.memref_slice %arg6[%dma_start3A] : memref<64xi32, #tpu.memory_space<vmem>> -> memref<32xi32, #tpu.memory_space<vmem>>
    %dma_start3A_4 = arith.constant 0 : i32
    %dma_start3A_5 = arith.constant 0 : i32
    %dma_start3A_6 = tpu.memref_slice %arg2[%dma_start3A_4, %dma_start3A_5] : memref<6144x768xf32, #tpu.memory_space<hbm>> -> memref<6144x768xf32, #tpu.memory_space<hbm>>
    tpu.enqueue_indirect_dma source(%dma_start3A_6 : memref<6144x768xf32, #tpu.memory_space<hbm>>) target(%arg8 : memref<32x768xf32, #tpu.memory_space<vmem>>) offsets(%dma_start3A_3 : memref<32xi32, #tpu.memory_space<vmem>>) semaphore(%arg12 : memref<!tpu.dma_semaphore, #tpu.memory_space<semaphore_mem>>)
    %dma_start3A_7 = arith.constant 0 : i32
    %dma_start3A_8 = tpu.memref_slice %arg7[%dma_start3A_7] : memref<64xi32, #tpu.memory_space<vmem>> -> memref<32xi32, #tpu.memory_space<vmem>>
    %dma_start3A_9 = arith.constant 0 : i32
    %dma_start3A_10 = arith.constant 0 : i32
    %dma_start3A_11 = tpu.memref_slice %arg2[%dma_start3A_9, %dma_start3A_10] : memref<6144x768xf32, #tpu.memory_space<hbm>> -> memref<6144x768xf32, #tpu.memory_space<hbm>>
    tpu.enqueue_indirect_dma source(%dma_start3A_11 : memref<6144x768xf32, #tpu.memory_space<hbm>>) target(%arg10 : memref<32x768xf32, #tpu.memory_space<vmem>>) offsets(%dma_start3A_8 : memref<32xi32, #tpu.memory_space<vmem>>) semaphore(%arg13 : memref<!tpu.dma_semaphore, #tpu.memory_space<semaphore_mem>>)
    %dma_start3A_12 = arith.constant 32 : i32
    %dma_start3A_13 = tpu.memref_slice %arg6[%dma_start3A_12] : memref<64xi32, #tpu.memory_space<vmem>> -> memref<32xi32, #tpu.memory_space<vmem>>
    %dma_start3A_14 = arith.constant 0 : i32
    %dma_start3A_15 = arith.constant 0 : i32
    %dma_start3A_16 = tpu.memref_slice %arg2[%dma_start3A_14, %dma_start3A_15] : memref<6144x768xf32, #tpu.memory_space<hbm>> -> memref<6144x768xf32, #tpu.memory_space<hbm>>
    tpu.enqueue_indirect_dma source(%dma_start3A_16 : memref<6144x768xf32, #tpu.memory_space<hbm>>) target(%arg9 : memref<32x768xf32, #tpu.memory_space<vmem>>) offsets(%dma_start3A_13 : memref<32xi32, #tpu.memory_space<vmem>>) semaphore(%arg14 : memref<!tpu.dma_semaphore, #tpu.memory_space<semaphore_mem>>)
    %dma_start3A_17 = arith.constant 32 : i32
    %dma_start3A_18 = tpu.memref_slice %arg7[%dma_start3A_17] : memref<64xi32, #tpu.memory_space<vmem>> -> memref<32xi32, #tpu.memory_space<vmem>>
    %dma_start3A_19 = arith.constant 0 : i32
    %dma_start3A_20 = arith.constant 0 : i32
    %dma_start3A_21 = tpu.memref_slice %arg2[%dma_start3A_19, %dma_start3A_20] : memref<6144x768xf32, #tpu.memory_space<hbm>> -> memref<6144x768xf32, #tpu.memory_space<hbm>>
    tpu.enqueue_indirect_dma source(%dma_start3A_21 : memref<6144x768xf32, #tpu.memory_space<hbm>>) target(%arg11 : memref<32x768xf32, #tpu.memory_space<vmem>>) offsets(%dma_start3A_18 : memref<32xi32, #tpu.memory_space<vmem>>) semaphore(%arg15 : memref<!tpu.dma_semaphore, #tpu.memory_space<semaphore_mem>>)
    %dma_wait3A = arith.constant 0 : i32
    %dma_wait3A_22 = tpu.memref_slice %arg6[%dma_wait3A] : memref<64xi32, #tpu.memory_space<vmem>> -> memref<32xi32, #tpu.memory_space<vmem>>
    %dma_wait3A_23 = arith.constant 0 : i32
    %dma_wait3A_24 = arith.constant 0 : i32
    %dma_wait3A_25 = tpu.memref_slice %arg2[%dma_wait3A_23, %dma_wait3A_24] : memref<6144x768xf32, #tpu.memory_space<hbm>> -> memref<6144x768xf32, #tpu.memory_space<hbm>>
    tpu.wait_indirect_dma semaphore(%arg12 : memref<!tpu.dma_semaphore, #tpu.memory_space<semaphore_mem>>) src(%dma_wait3A_25 : memref<6144x768xf32, #tpu.memory_space<hbm>>) dst(%arg8 : memref<32x768xf32, #tpu.memory_space<vmem>>)
    %dma_wait3A_26 = arith.constant 0 : i32
    %dma_wait3A_27 = tpu.memref_slice %arg7[%dma_wait3A_26] : memref<64xi32, #tpu.memory_space<vmem>> -> memref<32xi32, #tpu.memory_space<vmem>>
    %dma_wait3A_28 = arith.constant 0 : i32
    %dma_wait3A_29 = arith.constant 0 : i32
    %dma_wait3A_30 = tpu.memref_slice %arg2[%dma_wait3A_28, %dma_wait3A_29] : memref<6144x768xf32, #tpu.memory_space<hbm>> -> memref<6144x768xf32, #tpu.memory_space<hbm>>
    tpu.wait_indirect_dma semaphore(%arg13 : memref<!tpu.dma_semaphore, #tpu.memory_space<semaphore_mem>>) src(%dma_wait3A_30 : memref<6144x768xf32, #tpu.memory_space<hbm>>) dst(%arg10 : memref<32x768xf32, #tpu.memory_space<vmem>>)
    %scan3A = arith.constant 0 : i32
    %scan3A_31 = arith.constant 32 : i32
    %scan3A_32 = arith.addi %scan3A, %scan3A_31 : i32
    %scan3A_33 = arith.constant 1 : i32
    scf.for %scan3A_70 = %scan3A to %scan3A_32 step %scan3A_33  : i32 {
      %get3A = arith.index_cast %scan3A_70 : i32 to index
      %get3A_71 = arith.constant 0 : index
      %get3A_72 = tpu.vector_load %arg8[%get3A, %get3A_71] {strides = array<i32>} : memref<32x768xf32, #tpu.memory_space<vmem>>, vector<16xf32>,
      %get3A_73 = arith.index_cast %scan3A_70 : i32 to index
      %get3A_74 = arith.constant 0 : index
      %get3A_75 = tpu.vector_load %arg10[%get3A_73, %get3A_74] {strides = array<i32>} : memref<32x768xf32, #tpu.memory_space<vmem>>, vector<16xf32>,
      %add3A_76 = arith.addf %get3A_72, %get3A_75 : vector<16xf32>
      %swap3A = arith.index_cast %scan3A_70 : i32 to index
      %swap3A_77 = arith.constant 0 : index
      %swap3A_78 = tpu.vector_load %arg8[%swap3A, %swap3A_77] {strides = array<i32>} : memref<32x768xf32, #tpu.memory_space<vmem>>, vector<16xf32>,
      tpu.vector_store %arg8[%swap3A, %swap3A_77], %add3A_76 {strides = array<i32>} : memref<32x768xf32, #tpu.memory_space<vmem>>, vector<16xf32>,
      %get3A_79 = arith.index_cast %scan3A_70 : i32 to index
      %get3A_80 = arith.constant 16 : index
      %get3A_81 = tpu.vector_load %arg8[%get3A_79, %get3A_80] {strides = array<i32>} : memref<32x768xf32, #tpu.memory_space<vmem>>, vector<16xf32>,
      %get3A_82 = arith.index_cast %scan3A_70 : i32 to index
      %get3A_83 = arith.constant 16 : index
      %get3A_84 = tpu.vector_load %arg10[%get3A_82, %get3A_83] {strides = array<i32>} : memref<32x768xf32, #tpu.memory_space<vmem>>, vector<16xf32>,
      %add3A_85 = arith.addf %get3A_81, %get3A_84 : vector<16xf32>
      %swap3A_86 = arith.index_cast %scan3A_70 : i32 to index
      %swap3A_87 = arith.constant 16 : index
      %swap3A_88 = tpu.vector_load %arg8[%swap3A_86, %swap3A_87] {strides = array<i32>} : memref<32x768xf32, #tpu.memory_space<vmem>>, vector<16xf32>,
      tpu.vector_store %arg8[%swap3A_86, %swap3A_87], %add3A_85 {strides = array<i32>} : memref<32x768xf32, #tpu.memory_space<vmem>>, vector<16xf32>,
      %get3A_89 = arith.index_cast %scan3A_70 : i32 to index
      %get3A_90 = arith.constant 32 : index
      %get3A_91 = tpu.vector_load %arg8[%get3A_89, %get3A_90] {strides = array<i32>} : memref<32x768xf32, #tpu.memory_space<vmem>>, vector<16xf32>,
      %get3A_92 = arith.index_cast %scan3A_70 : i32 to index
      %get3A_93 = arith.constant 32 : index
      %get3A_94 = tpu.vector_load %arg10[%get3A_92, %get3A_93] {strides = array<i32>} : memref<32x768xf32, #tpu.memory_space<vmem>>, vector<16xf32>,
      %add3A_95 = arith.addf %get3A_91, %get3A_94 : vector<16xf32>
      %swap3A_96 = arith.index_cast %scan3A_70 : i32 to index
      %swap3A_97 = arith.constant 32 : index
      %swap3A_98 = tpu.vector_load %arg8[%swap3A_96, %swap3A_97] {strides = array<i32>} : memref<32x768xf32, #tpu.memory_space<vmem>>, vector<16xf32>,
      tpu.vector_store %arg8[%swap3A_96, %swap3A_97], %add3A_95 {strides = array<i32>} : memref<32x768xf32, #tpu.memory_space<vmem>>, vector<16xf32>,
      %get3A_99 = arith.index_cast %scan3A_70 : i32 to index
      %get3A_100 = arith.constant 48 : index
      %get3A_101 = tpu.vector_load %arg8[%get3A_99, %get3A_100] {strides = array<i32>} : memref<32x768xf32, #tpu.memory_space<vmem>>, vector<16xf32>,
      %get3A_102 = arith.index_cast %scan3A_70 : i32 to index
      %get3A_103 = arith.constant 48 : index
      %get3A_104 = tpu.vector_load %arg10[%get3A_102, %get3A_103] {strides = array<i32>} : memref<32x768xf32, #tpu.memory_space<vmem>>, vector<16xf32>,
      %add3A_105 = arith.addf %get3A_101, %get3A_104 : vector<16xf32>
      %swap3A_106 = arith.index_cast %scan3A_70 : i32 to index
      %swap3A_107 = arith.constant 48 : index
      %swap3A_108 = tpu.vector_load %arg8[%swap3A_106, %swap3A_107] {strides = array<i32>} : memref<32x768xf32, #tpu.memory_space<vmem>>, vector<16xf32>,
      tpu.vector_store %arg8[%swap3A_106, %swap3A_107], %add3A_105 {strides = array<i32>} : memref<32x768xf32, #tpu.memory_space<vmem>>, vector<16xf32>,
      %get3A_109 = arith.index_cast %scan3A_70 : i32 to index
      %get3A_110 = arith.constant 64 : index
      %get3A_111 = tpu.vector_load %arg8[%get3A_109, %get3A_110] {strides = array<i32>} : memref<32x768xf32, #tpu.memory_space<vmem>>, vector<16xf32>,
      %get3A_112 = arith.index_cast %scan3A_70 : i32 to index
      %get3A_113 = arith.constant 64 : index
      %get3A_114 = tpu.vector_load %arg10[%get3A_112, %get3A_113] {strides = array<i32>} : memref<32x768xf32, #tpu.memory_space<vmem>>, vector<16xf32>,
      %add3A_115 = arith.addf %get3A_111, %get3A_114 : vector<16xf32>
      %swap3A_116 = arith.index_cast %scan3A_70 : i32 to index
      %swap3A_117 = arith.constant 64 : index
      %swap3A_118 = tpu.vector_load %arg8[%swap3A_116, %swap3A_117] {strides = array<i32>} : memref<32x768xf32, #tpu.memory_space<vmem>>, vector<16xf32>,
      tpu.vector_store %arg8[%swap3A_116, %swap3A_117], %add3A_115 {strides = array<i32>} : memref<32x768xf32, #tpu.memory_space<vmem>>, vector<16xf32>,
      %get3A_119 = arith.index_cast %scan3A_70 : i32 to index
      %get3A_120 = arith.constant 80 : index
      %get3A_121 = tpu.vector_load %arg8[%get3A_119, %get3A_120] {strides = array<i32>} : memref<32x768xf32, #tpu.memory_space<vmem>>, vector<16xf32>,
      %get3A_122 = arith.index_cast %scan3A_70 : i32 to index
      %get3A_123 = arith.constant 80 : index
      %get3A_124 = tpu.vector_load %arg10[%get3A_122, %get3A_123] {strides = array<i32>} : memref<32x768xf32, #tpu.memory_space<vmem>>, vector<16xf32>,
      %add3A_125 = arith.addf %get3A_121, %get3A_124 : vector<16xf32>
      %swap3A_126 = arith.index_cast %scan3A_70 : i32 to index
      %swap3A_127 = arith.constant 80 : index
      %swap3A_128 = tpu.vector_load %arg8[%swap3A_126, %swap3A_127] {strides = array<i32>} : memref<32x768xf32, #tpu.memory_space<vmem>>, vector<16xf32>,
      tpu.vector_store %arg8[%swap3A_126, %swap3A_127], %add3A_125 {strides = array<i32>} : memref<32x768xf32, #tpu.memory_space<vmem>>, vector<16xf32>,
      %get3A_129 = arith.index_cast %scan3A_70 : i32 to index
      %get3A_130 = arith.constant 96 : index
      %get3A_131 = tpu.vector_load %arg8[%get3A_129, %get3A_130] {strides = array<i32>} : memref<32x768xf32, #tpu.memory_space<vmem>>, vector<16xf32>,
      %get3A_132 = arith.index_cast %scan3A_70 : i32 to index
      %get3A_133 = arith.constant 96 : index
      %get3A_134 = tpu.vector_load %arg10[%get3A_132, %get3A_133] {strides = array<i32>} : memref<32x768xf32, #tpu.memory_space<vmem>>, vector<16xf32>,
      %add3A_135 = arith.addf %get3A_131, %get3A_134 : vector<16xf32>
      %swap3A_136 = arith.index_cast %scan3A_70 : i32 to index
      %swap3A_137 = arith.constant 96 : index
      %swap3A_138 = tpu.vector_load %arg8[%swap3A_136, %swap3A_137] {strides = array<i32>} : memref<32x768xf32, #tpu.memory_space<vmem>>, vector<16xf32>,
      tpu.vector_store %arg8[%swap3A_136, %swap3A_137], %add3A_135 {strides = array<i32>} : memref<32x768xf32, #tpu.memory_space<vmem>>, vector<16xf32>,
      %get3A_139 = arith.index_cast %scan3A_70 : i32 to index
      %get3A_140 = arith.constant 112 : index
      %get3A_141 = tpu.vector_load %arg8[%get3A_139, %get3A_140] {strides = array<i32>} : memref<32x768xf32, #tpu.memory_space<vmem>>, vector<16xf32>,
      %get3A_142 = arith.index_cast %scan3A_70 : i32 to index
      %get3A_143 = arith.constant 112 : index
      %get3A_144 = tpu.vector_load %arg10[%get3A_142, %get3A_143] {strides = array<i32>} : memref<32x768xf32, #tpu.memory_space<vmem>>, vector<16xf32>,
      %add3A_145 = arith.addf %get3A_141, %get3A_144 : vector<16xf32>
      %swap3A_146 = arith.index_cast %scan3A_70 : i32 to index
      %swap3A_147 = arith.constant 112 : index
      %swap3A_148 = tpu.vector_load %arg8[%swap3A_146, %swap3A_147] {strides = array<i32>} : memref<32x768xf32, #tpu.memory_space<vmem>>, vector<16xf32>,
      tpu.vector_store %arg8[%swap3A_146, %swap3A_147], %add3A_145 {strides = array<i32>} : memref<32x768xf32, #tpu.memory_space<vmem>>, vector<16xf32>,
      %get3A_149 = arith.index_cast %scan3A_70 : i32 to index
      %get3A_150 = arith.constant 128 : index
      %get3A_151 = tpu.vector_load %arg8[%get3A_149, %get3A_150] {strides = array<i32>} : memref<32x768xf32, #tpu.memory_space<vmem>>, vector<16xf32>,
      %get3A_152 = arith.index_cast %scan3A_70 : i32 to index
      %get3A_153 = arith.constant 128 : index
      %get3A_154 = tpu.vector_load %arg10[%get3A_152, %get3A_153] {strides = array<i32>} : memref<32x768xf32, #tpu.memory_space<vmem>>, vector<16xf32>,
      %add3A_155 = arith.addf %get3A_151, %get3A_154 : vector<16xf32>
      %swap3A_156 = arith.index_cast %scan3A_70 : i32 to index
      %swap3A_157 = arith.constant 128 : index
      %swap3A_158 = tpu.vector_load %arg8[%swap3A_156, %swap3A_157] {strides = array<i32>} : memref<32x768xf32, #tpu.memory_space<vmem>>, vector<16xf32>,
      tpu.vector_store %arg8[%swap3A_156, %swap3A_157], %add3A_155 {strides = array<i32>} : memref<32x768xf32, #tpu.memory_space<vmem>>, vector<16xf32>,
      %get3A_159 = arith.index_cast %scan3A_70 : i32 to index
      %get3A_160 = arith.constant 144 : index
      %get3A_161 = tpu.vector_load %arg8[%get3A_159, %get3A_160] {strides = array<i32>} : memref<32x768xf32, #tpu.memory_space<vmem>>, vector<16xf32>,
      %get3A_162 = arith.index_cast %scan3A_70 : i32 to index
      %get3A_163 = arith.constant 144 : index
      %get3A_164 = tpu.vector_load %arg10[%get3A_162, %get3A_163] {strides = array<i32>} : memref<32x768xf32, #tpu.memory_space<vmem>>, vector<16xf32>,
      %add3A_165 = arith.addf %get3A_161, %get3A_164 : vector<16xf32>
      %swap3A_166 = arith.index_cast %scan3A_70 : i32 to index
      %swap3A_167 = arith.constant 144 : index
      %swap3A_168 = tpu.vector_load %arg8[%swap3A_166, %swap3A_167] {strides = array<i32>} : memref<32x768xf32, #tpu.memory_space<vmem>>, vector<16xf32>,
      tpu.vector_store %arg8[%swap3A_166, %swap3A_167], %add3A_165 {strides = array<i32>} : memref<32x768xf32, #tpu.memory_space<vmem>>, vector<16xf32>,
      %get3A_169 = arith.index_cast %scan3A_70 : i32 to index
      %get3A_170 = arith.constant 160 : index
      %get3A_171 = tpu.vector_load %arg8[%get3A_169, %get3A_170] {strides = array<i32>} : memref<32x768xf32, #tpu.memory_space<vmem>>, vector<16xf32>,
      %get3A_172 = arith.index_cast %scan3A_70 : i32 to index
      %get3A_173 = arith.constant 160 : index
      %get3A_174 = tpu.vector_load %arg10[%get3A_172, %get3A_173] {strides = array<i32>} : memref<32x768xf32, #tpu.memory_space<vmem>>, vector<16xf32>,
      %add3A_175 = arith.addf %get3A_171, %get3A_174 : vector<16xf32>
      %swap3A_176 = arith.index_cast %scan3A_70 : i32 to index
      %swap3A_177 = arith.constant 160 : index
      %swap3A_178 = tpu.vector_load %arg8[%swap3A_176, %swap3A_177] {strides = array<i32>} : memref<32x768xf32, #tpu.memory_space<vmem>>, vector<16xf32>,
      tpu.vector_store %arg8[%swap3A_176, %swap3A_177], %add3A_175 {strides = array<i32>} : memref<32x768xf32, #tpu.memory_space<vmem>>, vector<16xf32>,
      %get3A_179 = arith.index_cast %scan3A_70 : i32 to index
      %get3A_180 = arith.constant 176 : index
      %get3A_181 = tpu.vector_load %arg8[%get3A_179, %get3A_180] {strides = array<i32>} : memref<32x768xf32, #tpu.memory_space<vmem>>, vector<16xf32>,
      %get3A_182 = arith.index_cast %scan3A_70 : i32 to index
      %get3A_183 = arith.constant 176 : index
      %get3A_184 = tpu.vector_load %arg10[%get3A_182, %get3A_183] {strides = array<i32>} : memref<32x768xf32, #tpu.memory_space<vmem>>, vector<16xf32>,
      %add3A_185 = arith.addf %get3A_181, %get3A_184 : vector<16xf32>
      %swap3A_186 = arith.index_cast %scan3A_70 : i32 to index
      %swap3A_187 = arith.constant 176 : index
      %swap3A_188 = tpu.vector_load %arg8[%swap3A_186, %swap3A_187] {strides = array<i32>} : memref<32x768xf32, #tpu.memory_space<vmem>>, vector<16xf32>,
      tpu.vector_store %arg8[%swap3A_186, %swap3A_187], %add3A_185 {strides = array<i32>} : memref<32x768xf32, #tpu.memory_space<vmem>>, vector<16xf32>,
      %get3A_189 = arith.index_cast %scan3A_70 : i32 to index
      %get3A_190 = arith.constant 192 : index
      %get3A_191 = tpu.vector_load %arg8[%get3A_189, %get3A_190] {strides = array<i32>} : memref<32x768xf32, #tpu.memory_space<vmem>>, vector<16xf32>,
      %get3A_192 = arith.index_cast %scan3A_70 : i32 to index
      %get3A_193 = arith.constant 192 : index
      %get3A_194 = tpu.vector_load %arg10[%get3A_192, %get3A_193] {strides = array<i32>} : memref<32x768xf32, #tpu.memory_space<vmem>>, vector<16xf32>,
      %add3A_195 = arith.addf %get3A_191, %get3A_194 : vector<16xf32>
      %swap3A_196 = arith.index_cast %scan3A_70 : i32 to index
      %swap3A_197 = arith.constant 192 : index
      %swap3A_198 = tpu.vector_load %arg8[%swap3A_196, %swap3A_197] {strides = array<i32>} : memref<32x768xf32, #tpu.memory_space<vmem>>, vector<16xf32>,
      tpu.vector_store %arg8[%swap3A_196, %swap3A_197], %add3A_195 {strides = array<i32>} : memref<32x768xf32, #tpu.memory_space<vmem>>, vector<16xf32>,
      %get3A_199 = arith.index_cast %scan3A_70 : i32 to index
      %get3A_200 = arith.constant 208 : index
      %get3A_201 = tpu.vector_load %arg8[%get3A_199, %get3A_200] {strides = array<i32>} : memref<32x768xf32, #tpu.memory_space<vmem>>, vector<16xf32>,
      %get3A_202 = arith.index_cast %scan3A_70 : i32 to index
      %get3A_203 = arith.constant 208 : index
      %get3A_204 = tpu.vector_load %arg10[%get3A_202, %get3A_203] {strides = array<i32>} : memref<32x768xf32, #tpu.memory_space<vmem>>, vector<16xf32>,
      %add3A_205 = arith.addf %get3A_201, %get3A_204 : vector<16xf32>
      %swap3A_206 = arith.index_cast %scan3A_70 : i32 to index
      %swap3A_207 = arith.constant 208 : index
      %swap3A_208 = tpu.vector_load %arg8[%swap3A_206, %swap3A_207] {strides = array<i32>} : memref<32x768xf32, #tpu.memory_space<vmem>>, vector<16xf32>,
      tpu.vector_store %arg8[%swap3A_206, %swap3A_207], %add3A_205 {strides = array<i32>} : memref<32x768xf32, #tpu.memory_space<vmem>>, vector<16xf32>,
      %get3A_209 = arith.index_cast %scan3A_70 : i32 to index
      %get3A_210 = arith.constant 224 : index
      %get3A_211 = tpu.vector_load %arg8[%get3A_209, %get3A_210] {strides = array<i32>} : memref<32x768xf32, #tpu.memory_space<vmem>>, vector<16xf32>,
      %get3A_212 = arith.index_cast %scan3A_70 : i32 to index
      %get3A_213 = arith.constant 224 : index
      %get3A_214 = tpu.vector_load %arg10[%get3A_212, %get3A_213] {strides = array<i32>} : memref<32x768xf32, #tpu.memory_space<vmem>>, vector<16xf32>,
      %add3A_215 = arith.addf %get3A_211, %get3A_214 : vector<16xf32>
      %swap3A_216 = arith.index_cast %scan3A_70 : i32 to index
      %swap3A_217 = arith.constant 224 : index
      %swap3A_218 = tpu.vector_load %arg8[%swap3A_216, %swap3A_217] {strides = array<i32>} : memref<32x768xf32, #tpu.memory_space<vmem>>, vector<16xf32>,
      tpu.vector_store %arg8[%swap3A_216, %swap3A_217], %add3A_215 {strides = array<i32>} : memref<32x768xf32, #tpu.memory_space<vmem>>, vector<16xf32>,
      %get3A_219 = arith.index_cast %scan3A_70 : i32 to index
      %get3A_220 = arith.constant 240 : index
      %get3A_221 = tpu.vector_load %arg8[%get3A_219, %get3A_220] {strides = array<i32>} : memref<32x768xf32, #tpu.memory_space<vmem>>, vector<16xf32>,
      %get3A_222 = arith.index_cast %scan3A_70 : i32 to index
      %get3A_223 = arith.constant 240 : index
      %get3A_224 = tpu.vector_load %arg10[%get3A_222, %get3A_223] {strides = array<i32>} : memref<32x768xf32, #tpu.memory_space<vmem>>, vector<16xf32>,
      %add3A_225 = arith.addf %get3A_221, %get3A_224 : vector<16xf32>
      %swap3A_226 = arith.index_cast %scan3A_70 : i32 to index
      %swap3A_227 = arith.constant 240 : index
      %swap3A_228 = tpu.vector_load %arg8[%swap3A_226, %swap3A_227] {strides = array<i32>} : memref<32x768xf32, #tpu.memory_space<vmem>>, vector<16xf32>,
      tpu.vector_store %arg8[%swap3A_226, %swap3A_227], %add3A_225 {strides = array<i32>} : memref<32x768xf32, #tpu.memory_space<vmem>>, vector<16xf32>,
      %get3A_229 = arith.index_cast %scan3A_70 : i32 to index
      %get3A_230 = arith.constant 256 : index
      %get3A_231 = tpu.vector_load %arg8[%get3A_229, %get3A_230] {strides = array<i32>} : memref<32x768xf32, #tpu.memory_space<vmem>>, vector<16xf32>,
      %get3A_232 = arith.index_cast %scan3A_70 : i32 to index
      %get3A_233 = arith.constant 256 : index
      %get3A_234 = tpu.vector_load %arg10[%get3A_232, %get3A_233] {strides = array<i32>} : memref<32x768xf32, #tpu.memory_space<vmem>>, vector<16xf32>,
      %add3A_235 = arith.addf %get3A_231, %get3A_234 : vector<16xf32>
      %swap3A_236 = arith.index_cast %scan3A_70 : i32 to index
      %swap3A_237 = arith.constant 256 : index
      %swap3A_238 = tpu.vector_load %arg8[%swap3A_236, %swap3A_237] {strides = array<i32>} : memref<32x768xf32, #tpu.memory_space<vmem>>, vector<16xf32>,
      tpu.vector_store %arg8[%swap3A_236, %swap3A_237], %add3A_235 {strides = array<i32>} : memref<32x768xf32, #tpu.memory_space<vmem>>, vector<16xf32>,
      %get3A_239 = arith.index_cast %scan3A_70 : i32 to index
      %get3A_240 = arith.constant 272 : index
      %get3A_241 = tpu.vector_load %arg8[%get3A_239, %get3A_240] {strides = array<i32>} : memref<32x768xf32, #tpu.memory_space<vmem>>, vector<16xf32>,
      %get3A_242 = arith.index_cast %scan3A_70 : i32 to index
      %get3A_243 = arith.constant 272 : index
      %get3A_244 = tpu.vector_load %arg10[%get3A_242, %get3A_243] {strides = array<i32>} : memref<32x768xf32, #tpu.memory_space<vmem>>, vector<16xf32>,
      %add3A_245 = arith.addf %get3A_241, %get3A_244 : vector<16xf32>
      %swap3A_246 = arith.index_cast %scan3A_70 : i32 to index
      %swap3A_247 = arith.constant 272 : index
      %swap3A_248 = tpu.vector_load %arg8[%swap3A_246, %swap3A_247] {strides = array<i32>} : memref<32x768xf32, #tpu.memory_space<vmem>>, vector<16xf32>,
      tpu.vector_store %arg8[%swap3A_246, %swap3A_247], %add3A_245 {strides = array<i32>} : memref<32x768xf32, #tpu.memory_space<vmem>>, vector<16xf32>,
      %get3A_249 = arith.index_cast %scan3A_70 : i32 to index
      %get3A_250 = arith.constant 288 : index
      %get3A_251 = tpu.vector_load %arg8[%get3A_249, %get3A_250] {strides = array<i32>} : memref<32x768xf32, #tpu.memory_space<vmem>>, vector<16xf32>,
      %get3A_252 = arith.index_cast %scan3A_70 : i32 to index
      %get3A_253 = arith.constant 288 : index
      %get3A_254 = tpu.vector_load %arg10[%get3A_252, %get3A_253] {strides = array<i32>} : memref<32x768xf32, #tpu.memory_space<vmem>>, vector<16xf32>,
      %add3A_255 = arith.addf %get3A_251, %get3A_254 : vector<16xf32>
      %swap3A_256 = arith.index_cast %scan3A_70 : i32 to index
      %swap3A_257 = arith.constant 288 : index
      %swap3A_258 = tpu.vector_load %arg8[%swap3A_256, %swap3A_257] {strides = array<i32>} : memref<32x768xf32, #tpu.memory_space<vmem>>, vector<16xf32>,
      tpu.vector_store %arg8[%swap3A_256, %swap3A_257], %add3A_255 {strides = array<i32>} : memref<32x768xf32, #tpu.memory_space<vmem>>, vector<16xf32>,
      %get3A_259 = arith.index_cast %scan3A_70 : i32 to index
      %get3A_260 = arith.constant 304 : index
      %get3A_261 = tpu.vector_load %arg8[%get3A_259, %get3A_260] {strides = array<i32>} : memref<32x768xf32, #tpu.memory_space<vmem>>, vector<16xf32>,
      %get3A_262 = arith.index_cast %scan3A_70 : i32 to index
      %get3A_263 = arith.constant 304 : index
      %get3A_264 = tpu.vector_load %arg10[%get3A_262, %get3A_263] {strides = array<i32>} : memref<32x768xf32, #tpu.memory_space<vmem>>, vector<16xf32>,
      %add3A_265 = arith.addf %get3A_261, %get3A_264 : vector<16xf32>
      %swap3A_266 = arith.index_cast %scan3A_70 : i32 to index
      %swap3A_267 = arith.constant 304 : index
      %swap3A_268 = tpu.vector_load %arg8[%swap3A_266, %swap3A_267] {strides = array<i32>} : memref<32x768xf32, #tpu.memory_space<vmem>>, vector<16xf32>,
      tpu.vector_store %arg8[%swap3A_266, %swap3A_267], %add3A_265 {strides = array<i32>} : memref<32x768xf32, #tpu.memory_space<vmem>>, vector<16xf32>,
      %get3A_269 = arith.index_cast %scan3A_70 : i32 to index
      %get3A_270 = arith.constant 320 : index
      %get3A_271 = tpu.vector_load %arg8[%get3A_269, %get3A_270] {strides = array<i32>} : memref<32x768xf32, #tpu.memory_space<vmem>>, vector<16xf32>,
      %get3A_272 = arith.index_cast %scan3A_70 : i32 to index
      %get3A_273 = arith.constant 320 : index
      %get3A_274 = tpu.vector_load %arg10[%get3A_272, %get3A_273] {strides = array<i32>} : memref<32x768xf32, #tpu.memory_space<vmem>>, vector<16xf32>,
      %add3A_275 = arith.addf %get3A_271, %get3A_274 : vector<16xf32>
      %swap3A_276 = arith.index_cast %scan3A_70 : i32 to index
      %swap3A_277 = arith.constant 320 : index
      %swap3A_278 = tpu.vector_load %arg8[%swap3A_276, %swap3A_277] {strides = array<i32>} : memref<32x768xf32, #tpu.memory_space<vmem>>, vector<16xf32>,
      tpu.vector_store %arg8[%swap3A_276, %swap3A_277], %add3A_275 {strides = array<i32>} : memref<32x768xf32, #tpu.memory_space<vmem>>, vector<16xf32>,
      %get3A_279 = arith.index_cast %scan3A_70 : i32 to index
      %get3A_280 = arith.constant 336 : index
      %get3A_281 = tpu.vector_load %arg8[%get3A_279, %get3A_280] {strides = array<i32>} : memref<32x768xf32, #tpu.memory_space<vmem>>, vector<16xf32>,
      %get3A_282 = arith.index_cast %scan3A_70 : i32 to index
      %get3A_283 = arith.constant 336 : index
      %get3A_284 = tpu.vector_load %arg10[%get3A_282, %get3A_283] {strides = array<i32>} : memref<32x768xf32, #tpu.memory_space<vmem>>, vector<16xf32>,
      %add3A_285 = arith.addf %get3A_281, %get3A_284 : vector<16xf32>
      %swap3A_286 = arith.index_cast %scan3A_70 : i32 to index
      %swap3A_287 = arith.constant 336 : index
      %swap3A_288 = tpu.vector_load %arg8[%swap3A_286, %swap3A_287] {strides = array<i32>} : memref<32x768xf32, #tpu.memory_space<vmem>>, vector<16xf32>,
      tpu.vector_store %arg8[%swap3A_286, %swap3A_287], %add3A_285 {strides = array<i32>} : memref<32x768xf32, #tpu.memory_space<vmem>>, vector<16xf32>,
      %get3A_289 = arith.index_cast %scan3A_70 : i32 to index
      %get3A_290 = arith.constant 352 : index
      %get3A_291 = tpu.vector_load %arg8[%get3A_289, %get3A_290] {strides = array<i32>} : memref<32x768xf32, #tpu.memory_space<vmem>>, vector<16xf32>,
      %get3A_292 = arith.index_cast %scan3A_70 : i32 to index
      %get3A_293 = arith.constant 352 : index
      %get3A_294 = tpu.vector_load %arg10[%get3A_292, %get3A_293] {strides = array<i32>} : memref<32x768xf32, #tpu.memory_space<vmem>>, vector<16xf32>,
      %add3A_295 = arith.addf %get3A_291, %get3A_294 : vector<16xf32>
      %swap3A_296 = arith.index_cast %scan3A_70 : i32 to index
      %swap3A_297 = arith.constant 352 : index
      %swap3A_298 = tpu.vector_load %arg8[%swap3A_296, %swap3A_297] {strides = array<i32>} : memref<32x768xf32, #tpu.memory_space<vmem>>, vector<16xf32>,
      tpu.vector_store %arg8[%swap3A_296, %swap3A_297], %add3A_295 {strides = array<i32>} : memref<32x768xf32, #tpu.memory_space<vmem>>, vector<16xf32>,
      %get3A_299 = arith.index_cast %scan3A_70 : i32 to index
      %get3A_300 = arith.constant 368 : index
      %get3A_301 = tpu.vector_load %arg8[%get3A_299, %get3A_300] {strides = array<i32>} : memref<32x768xf32, #tpu.memory_space<vmem>>, vector<16xf32>,
      %get3A_302 = arith.index_cast %scan3A_70 : i32 to index
      %get3A_303 = arith.constant 368 : index
      %get3A_304 = tpu.vector_load %arg10[%get3A_302, %get3A_303] {strides = array<i32>} : memref<32x768xf32, #tpu.memory_space<vmem>>, vector<16xf32>,
      %add3A_305 = arith.addf %get3A_301, %get3A_304 : vector<16xf32>
      %swap3A_306 = arith.index_cast %scan3A_70 : i32 to index
      %swap3A_307 = arith.constant 368 : index
      %swap3A_308 = tpu.vector_load %arg8[%swap3A_306, %swap3A_307] {strides = array<i32>} : memref<32x768xf32, #tpu.memory_space<vmem>>, vector<16xf32>,
      tpu.vector_store %arg8[%swap3A_306, %swap3A_307], %add3A_305 {strides = array<i32>} : memref<32x768xf32, #tpu.memory_space<vmem>>, vector<16xf32>,
      %get3A_309 = arith.index_cast %scan3A_70 : i32 to index
      %get3A_310 = arith.constant 384 : index
      %get3A_311 = tpu.vector_load %arg8[%get3A_309, %get3A_310] {strides = array<i32>} : memref<32x768xf32, #tpu.memory_space<vmem>>, vector<16xf32>,
      %get3A_312 = arith.index_cast %scan3A_70 : i32 to index
      %get3A_313 = arith.constant 384 : index
      %get3A_314 = tpu.vector_load %arg10[%get3A_312, %get3A_313] {strides = array<i32>} : memref<32x768xf32, #tpu.memory_space<vmem>>, vector<16xf32>,
      %add3A_315 = arith.addf %get3A_311, %get3A_314 : vector<16xf32>
      %swap3A_316 = arith.index_cast %scan3A_70 : i32 to index
      %swap3A_317 = arith.constant 384 : index
      %swap3A_318 = tpu.vector_load %arg8[%swap3A_316, %swap3A_317] {strides = array<i32>} : memref<32x768xf32, #tpu.memory_space<vmem>>, vector<16xf32>,
      tpu.vector_store %arg8[%swap3A_316, %swap3A_317], %add3A_315 {strides = array<i32>} : memref<32x768xf32, #tpu.memory_space<vmem>>, vector<16xf32>,
      %get3A_319 = arith.index_cast %scan3A_70 : i32 to index
      %get3A_320 = arith.constant 400 : index
      %get3A_321 = tpu.vector_load %arg8[%get3A_319, %get3A_320] {strides = array<i32>} : memref<32x768xf32, #tpu.memory_space<vmem>>, vector<16xf32>,
      %get3A_322 = arith.index_cast %scan3A_70 : i32 to index
      %get3A_323 = arith.constant 400 : index
      %get3A_324 = tpu.vector_load %arg10[%get3A_322, %get3A_323] {strides = array<i32>} : memref<32x768xf32, #tpu.memory_space<vmem>>, vector<16xf32>,
      %add3A_325 = arith.addf %get3A_321, %get3A_324 : vector<16xf32>
      %swap3A_326 = arith.index_cast %scan3A_70 : i32 to index
      %swap3A_327 = arith.constant 400 : index
      %swap3A_328 = tpu.vector_load %arg8[%swap3A_326, %swap3A_327] {strides = array<i32>} : memref<32x768xf32, #tpu.memory_space<vmem>>, vector<16xf32>,
      tpu.vector_store %arg8[%swap3A_326, %swap3A_327], %add3A_325 {strides = array<i32>} : memref<32x768xf32, #tpu.memory_space<vmem>>, vector<16xf32>,
      %get3A_329 = arith.index_cast %scan3A_70 : i32 to index
      %get3A_330 = arith.constant 416 : index
      %get3A_331 = tpu.vector_load %arg8[%get3A_329, %get3A_330] {strides = array<i32>} : memref<32x768xf32, #tpu.memory_space<vmem>>, vector<16xf32>,
      %get3A_332 = arith.index_cast %scan3A_70 : i32 to index
      %get3A_333 = arith.constant 416 : index
      %get3A_334 = tpu.vector_load %arg10[%get3A_332, %get3A_333] {strides = array<i32>} : memref<32x768xf32, #tpu.memory_space<vmem>>, vector<16xf32>,
      %add3A_335 = arith.addf %get3A_331, %get3A_334 : vector<16xf32>
      %swap3A_336 = arith.index_cast %scan3A_70 : i32 to index
      %swap3A_337 = arith.constant 416 : index
      %swap3A_338 = tpu.vector_load %arg8[%swap3A_336, %swap3A_337] {strides = array<i32>} : memref<32x768xf32, #tpu.memory_space<vmem>>, vector<16xf32>,
      tpu.vector_store %arg8[%swap3A_336, %swap3A_337], %add3A_335 {strides = array<i32>} : memref<32x768xf32, #tpu.memory_space<vmem>>, vector<16xf32>,
      %get3A_339 = arith.index_cast %scan3A_70 : i32 to index
      %get3A_340 = arith.constant 432 : index
      %get3A_341 = tpu.vector_load %arg8[%get3A_339, %get3A_340] {strides = array<i32>} : memref<32x768xf32, #tpu.memory_space<vmem>>, vector<16xf32>,
      %get3A_342 = arith.index_cast %scan3A_70 : i32 to index
      %get3A_343 = arith.constant 432 : index
      %get3A_344 = tpu.vector_load %arg10[%get3A_342, %get3A_343] {strides = array<i32>} : memref<32x768xf32, #tpu.memory_space<vmem>>, vector<16xf32>,
      %add3A_345 = arith.addf %get3A_341, %get3A_344 : vector<16xf32>
      %swap3A_346 = arith.index_cast %scan3A_70 : i32 to index
      %swap3A_347 = arith.constant 432 : index
      %swap3A_348 = tpu.vector_load %arg8[%swap3A_346, %swap3A_347] {strides = array<i32>} : memref<32x768xf32, #tpu.memory_space<vmem>>, vector<16xf32>,
      tpu.vector_store %arg8[%swap3A_346, %swap3A_347], %add3A_345 {strides = array<i32>} : memref<32x768xf32, #tpu.memory_space<vmem>>, vector<16xf32>,
      %get3A_349 = arith.index_cast %scan3A_70 : i32 to index
      %get3A_350 = arith.constant 448 : index
      %get3A_351 = tpu.vector_load %arg8[%get3A_349, %get3A_350] {strides = array<i32>} : memref<32x768xf32, #tpu.memory_space<vmem>>, vector<16xf32>,
      %get3A_352 = arith.index_cast %scan3A_70 : i32 to index
      %get3A_353 = arith.constant 448 : index
      %get3A_354 = tpu.vector_load %arg10[%get3A_352, %get3A_353] {strides = array<i32>} : memref<32x768xf32, #tpu.memory_space<vmem>>, vector<16xf32>,
      %add3A_355 = arith.addf %get3A_351, %get3A_354 : vector<16xf32>
      %swap3A_356 = arith.index_cast %scan3A_70 : i32 to index
      %swap3A_357 = arith.constant 448 : index
      %swap3A_358 = tpu.vector_load %arg8[%swap3A_356, %swap3A_357] {strides = array<i32>} : memref<32x768xf32, #tpu.memory_space<vmem>>, vector<16xf32>,
      tpu.vector_store %arg8[%swap3A_356, %swap3A_357], %add3A_355 {strides = array<i32>} : memref<32x768xf32, #tpu.memory_space<vmem>>, vector<16xf32>,
      %get3A_359 = arith.index_cast %scan3A_70 : i32 to index
      %get3A_360 = arith.constant 464 : index
      %get3A_361 = tpu.vector_load %arg8[%get3A_359, %get3A_360] {strides = array<i32>} : memref<32x768xf32, #tpu.memory_space<vmem>>, vector<16xf32>,
      %get3A_362 = arith.index_cast %scan3A_70 : i32 to index
      %get3A_363 = arith.constant 464 : index
      %get3A_364 = tpu.vector_load %arg10[%get3A_362, %get3A_363] {strides = array<i32>} : memref<32x768xf32, #tpu.memory_space<vmem>>, vector<16xf32>,
      %add3A_365 = arith.addf %get3A_361, %get3A_364 : vector<16xf32>
      %swap3A_366 = arith.index_cast %scan3A_70 : i32 to index
      %swap3A_367 = arith.constant 464 : index
      %swap3A_368 = tpu.vector_load %arg8[%swap3A_366, %swap3A_367] {strides = array<i32>} : memref<32x768xf32, #tpu.memory_space<vmem>>, vector<16xf32>,
      tpu.vector_store %arg8[%swap3A_366, %swap3A_367], %add3A_365 {strides = array<i32>} : memref<32x768xf32, #tpu.memory_space<vmem>>, vector<16xf32>,
      %get3A_369 = arith.index_cast %scan3A_70 : i32 to index
      %get3A_370 = arith.constant 480 : index
      %get3A_371 = tpu.vector_load %arg8[%get3A_369, %get3A_370] {strides = array<i32>} : memref<32x768xf32, #tpu.memory_space<vmem>>, vector<16xf32>,
      %get3A_372 = arith.index_cast %scan3A_70 : i32 to index
      %get3A_373 = arith.constant 480 : index
      %get3A_374 = tpu.vector_load %arg10[%get3A_372, %get3A_373] {strides = array<i32>} : memref<32x768xf32, #tpu.memory_space<vmem>>, vector<16xf32>,
      %add3A_375 = arith.addf %get3A_371, %get3A_374 : vector<16xf32>
      %swap3A_376 = arith.index_cast %scan3A_70 : i32 to index
      %swap3A_377 = arith.constant 480 : index
      %swap3A_378 = tpu.vector_load %arg8[%swap3A_376, %swap3A_377] {strides = array<i32>} : memref<32x768xf32, #tpu.memory_space<vmem>>, vector<16xf32>,
      tpu.vector_store %arg8[%swap3A_376, %swap3A_377], %add3A_375 {strides = array<i32>} : memref<32x768xf32, #tpu.memory_space<vmem>>, vector<16xf32>,
      %get3A_379 = arith.index_cast %scan3A_70 : i32 to index
      %get3A_380 = arith.constant 496 : index
      %get3A_381 = tpu.vector_load %arg8[%get3A_379, %get3A_380] {strides = array<i32>} : memref<32x768xf32, #tpu.memory_space<vmem>>, vector<16xf32>,
      %get3A_382 = arith.index_cast %scan3A_70 : i32 to index
      %get3A_383 = arith.constant 496 : index
      %get3A_384 = tpu.vector_load %arg10[%get3A_382, %get3A_383] {strides = array<i32>} : memref<32x768xf32, #tpu.memory_space<vmem>>, vector<16xf32>,
      %add3A_385 = arith.addf %get3A_381, %get3A_384 : vector<16xf32>
      %swap3A_386 = arith.index_cast %scan3A_70 : i32 to index
      %swap3A_387 = arith.constant 496 : index
      %swap3A_388 = tpu.vector_load %arg8[%swap3A_386, %swap3A_387] {strides = array<i32>} : memref<32x768xf32, #tpu.memory_space<vmem>>, vector<16xf32>,
      tpu.vector_store %arg8[%swap3A_386, %swap3A_387], %add3A_385 {strides = array<i32>} : memref<32x768xf32, #tpu.memory_space<vmem>>, vector<16xf32>,
      %get3A_389 = arith.index_cast %scan3A_70 : i32 to index
      %get3A_390 = arith.constant 512 : index
      %get3A_391 = tpu.vector_load %arg8[%get3A_389, %get3A_390] {strides = array<i32>} : memref<32x768xf32, #tpu.memory_space<vmem>>, vector<16xf32>,
      %get3A_392 = arith.index_cast %scan3A_70 : i32 to index
      %get3A_393 = arith.constant 512 : index
      %get3A_394 = tpu.vector_load %arg10[%get3A_392, %get3A_393] {strides = array<i32>} : memref<32x768xf32, #tpu.memory_space<vmem>>, vector<16xf32>,
      %add3A_395 = arith.addf %get3A_391, %get3A_394 : vector<16xf32>
      %swap3A_396 = arith.index_cast %scan3A_70 : i32 to index
      %swap3A_397 = arith.constant 512 : index
      %swap3A_398 = tpu.vector_load %arg8[%swap3A_396, %swap3A_397] {strides = array<i32>} : memref<32x768xf32, #tpu.memory_space<vmem>>, vector<16xf32>,
      tpu.vector_store %arg8[%swap3A_396, %swap3A_397], %add3A_395 {strides = array<i32>} : memref<32x768xf32, #tpu.memory_space<vmem>>, vector<16xf32>,
      %get3A_399 = arith.index_cast %scan3A_70 : i32 to index
      %get3A_400 = arith.constant 528 : index
      %get3A_401 = tpu.vector_load %arg8[%get3A_399, %get3A_400] {strides = array<i32>} : memref<32x768xf32, #tpu.memory_space<vmem>>, vector<16xf32>,
      %get3A_402 = arith.index_cast %scan3A_70 : i32 to index
      %get3A_403 = arith.constant 528 : index
      %get3A_404 = tpu.vector_load %arg10[%get3A_402, %get3A_403] {strides = array<i32>} : memref<32x768xf32, #tpu.memory_space<vmem>>, vector<16xf32>,
      %add3A_405 = arith.addf %get3A_401, %get3A_404 : vector<16xf32>
      %swap3A_406 = arith.index_cast %scan3A_70 : i32 to index
      %swap3A_407 = arith.constant 528 : index
      %swap3A_408 = tpu.vector_load %arg8[%swap3A_406, %swap3A_407] {strides = array<i32>} : memref<32x768xf32, #tpu.memory_space<vmem>>, vector<16xf32>,
      tpu.vector_store %arg8[%swap3A_406, %swap3A_407], %add3A_405 {strides = array<i32>} : memref<32x768xf32, #tpu.memory_space<vmem>>, vector<16xf32>,
      %get3A_409 = arith.index_cast %scan3A_70 : i32 to index
      %get3A_410 = arith.constant 544 : index
      %get3A_411 = tpu.vector_load %arg8[%get3A_409, %get3A_410] {strides = array<i32>} : memref<32x768xf32, #tpu.memory_space<vmem>>, vector<16xf32>,
      %get3A_412 = arith.index_cast %scan3A_70 : i32 to index
      %get3A_413 = arith.constant 544 : index
      %get3A_414 = tpu.vector_load %arg10[%get3A_412, %get3A_413] {strides = array<i32>} : memref<32x768xf32, #tpu.memory_space<vmem>>, vector<16xf32>,
      %add3A_415 = arith.addf %get3A_411, %get3A_414 : vector<16xf32>
      %swap3A_416 = arith.index_cast %scan3A_70 : i32 to index
      %swap3A_417 = arith.constant 544 : index
      %swap3A_418 = tpu.vector_load %arg8[%swap3A_416, %swap3A_417] {strides = array<i32>} : memref<32x768xf32, #tpu.memory_space<vmem>>, vector<16xf32>,
      tpu.vector_store %arg8[%swap3A_416, %swap3A_417], %add3A_415 {strides = array<i32>} : memref<32x768xf32, #tpu.memory_space<vmem>>, vector<16xf32>,
      %get3A_419 = arith.index_cast %scan3A_70 : i32 to index
      %get3A_420 = arith.constant 560 : index
      %get3A_421 = tpu.vector_load %arg8[%get3A_419, %get3A_420] {strides = array<i32>} : memref<32x768xf32, #tpu.memory_space<vmem>>, vector<16xf32>,
      %get3A_422 = arith.index_cast %scan3A_70 : i32 to index
      %get3A_423 = arith.constant 560 : index
      %get3A_424 = tpu.vector_load %arg10[%get3A_422, %get3A_423] {strides = array<i32>} : memref<32x768xf32, #tpu.memory_space<vmem>>, vector<16xf32>,
      %add3A_425 = arith.addf %get3A_421, %get3A_424 : vector<16xf32>
      %swap3A_426 = arith.index_cast %scan3A_70 : i32 to index
      %swap3A_427 = arith.constant 560 : index
      %swap3A_428 = tpu.vector_load %arg8[%swap3A_426, %swap3A_427] {strides = array<i32>} : memref<32x768xf32, #tpu.memory_space<vmem>>, vector<16xf32>,
      tpu.vector_store %arg8[%swap3A_426, %swap3A_427], %add3A_425 {strides = array<i32>} : memref<32x768xf32, #tpu.memory_space<vmem>>, vector<16xf32>,
      %get3A_429 = arith.index_cast %scan3A_70 : i32 to index
      %get3A_430 = arith.constant 576 : index
      %get3A_431 = tpu.vector_load %arg8[%get3A_429, %get3A_430] {strides = array<i32>} : memref<32x768xf32, #tpu.memory_space<vmem>>, vector<16xf32>,
      %get3A_432 = arith.index_cast %scan3A_70 : i32 to index
      %get3A_433 = arith.constant 576 : index
      %get3A_434 = tpu.vector_load %arg10[%get3A_432, %get3A_433] {strides = array<i32>} : memref<32x768xf32, #tpu.memory_space<vmem>>, vector<16xf32>,
      %add3A_435 = arith.addf %get3A_431, %get3A_434 : vector<16xf32>
      %swap3A_436 = arith.index_cast %scan3A_70 : i32 to index
      %swap3A_437 = arith.constant 576 : index
      %swap3A_438 = tpu.vector_load %arg8[%swap3A_436, %swap3A_437] {strides = array<i32>} : memref<32x768xf32, #tpu.memory_space<vmem>>, vector<16xf32>,
      tpu.vector_store %arg8[%swap3A_436, %swap3A_437], %add3A_435 {strides = array<i32>} : memref<32x768xf32, #tpu.memory_space<vmem>>, vector<16xf32>,
      %get3A_439 = arith.index_cast %scan3A_70 : i32 to index
      %get3A_440 = arith.constant 592 : index
      %get3A_441 = tpu.vector_load %arg8[%get3A_439, %get3A_440] {strides = array<i32>} : memref<32x768xf32, #tpu.memory_space<vmem>>, vector<16xf32>,
      %get3A_442 = arith.index_cast %scan3A_70 : i32 to index
      %get3A_443 = arith.constant 592 : index
      %get3A_444 = tpu.vector_load %arg10[%get3A_442, %get3A_443] {strides = array<i32>} : memref<32x768xf32, #tpu.memory_space<vmem>>, vector<16xf32>,
      %add3A_445 = arith.addf %get3A_441, %get3A_444 : vector<16xf32>
      %swap3A_446 = arith.index_cast %scan3A_70 : i32 to index
      %swap3A_447 = arith.constant 592 : index
      %swap3A_448 = tpu.vector_load %arg8[%swap3A_446, %swap3A_447] {strides = array<i32>} : memref<32x768xf32, #tpu.memory_space<vmem>>, vector<16xf32>,
      tpu.vector_store %arg8[%swap3A_446, %swap3A_447], %add3A_445 {strides = array<i32>} : memref<32x768xf32, #tpu.memory_space<vmem>>, vector<16xf32>,
      %get3A_449 = arith.index_cast %scan3A_70 : i32 to index
      %get3A_450 = arith.constant 608 : index
      %get3A_451 = tpu.vector_load %arg8[%get3A_449, %get3A_450] {strides = array<i32>} : memref<32x768xf32, #tpu.memory_space<vmem>>, vector<16xf32>,
      %get3A_452 = arith.index_cast %scan3A_70 : i32 to index
      %get3A_453 = arith.constant 608 : index
      %get3A_454 = tpu.vector_load %arg10[%get3A_452, %get3A_453] {strides = array<i32>} : memref<32x768xf32, #tpu.memory_space<vmem>>, vector<16xf32>,
      %add3A_455 = arith.addf %get3A_451, %get3A_454 : vector<16xf32>
      %swap3A_456 = arith.index_cast %scan3A_70 : i32 to index
      %swap3A_457 = arith.constant 608 : index
      %swap3A_458 = tpu.vector_load %arg8[%swap3A_456, %swap3A_457] {strides = array<i32>} : memref<32x768xf32, #tpu.memory_space<vmem>>, vector<16xf32>,
      tpu.vector_store %arg8[%swap3A_456, %swap3A_457], %add3A_455 {strides = array<i32>} : memref<32x768xf32, #tpu.memory_space<vmem>>, vector<16xf32>,
      %get3A_459 = arith.index_cast %scan3A_70 : i32 to index
      %get3A_460 = arith.constant 624 : index
      %get3A_461 = tpu.vector_load %arg8[%get3A_459, %get3A_460] {strides = array<i32>} : memref<32x768xf32, #tpu.memory_space<vmem>>, vector<16xf32>,
      %get3A_462 = arith.index_cast %scan3A_70 : i32 to index
      %get3A_463 = arith.constant 624 : index
      %get3A_464 = tpu.vector_load %arg10[%get3A_462, %get3A_463] {strides = array<i32>} : memref<32x768xf32, #tpu.memory_space<vmem>>, vector<16xf32>,
      %add3A_465 = arith.addf %get3A_461, %get3A_464 : vector<16xf32>
      %swap3A_466 = arith.index_cast %scan3A_70 : i32 to index
      %swap3A_467 = arith.constant 624 : index
      %swap3A_468 = tpu.vector_load %arg8[%swap3A_466, %swap3A_467] {strides = array<i32>} : memref<32x768xf32, #tpu.memory_space<vmem>>, vector<16xf32>,
      tpu.vector_store %arg8[%swap3A_466, %swap3A_467], %add3A_465 {strides = array<i32>} : memref<32x768xf32, #tpu.memory_space<vmem>>, vector<16xf32>,
      %get3A_469 = arith.index_cast %scan3A_70 : i32 to index
      %get3A_470 = arith.constant 640 : index
      %get3A_471 = tpu.vector_load %arg8[%get3A_469, %get3A_470] {strides = array<i32>} : memref<32x768xf32, #tpu.memory_space<vmem>>, vector<16xf32>,
      %get3A_472 = arith.index_cast %scan3A_70 : i32 to index
      %get3A_473 = arith.constant 640 : index
      %get3A_474 = tpu.vector_load %arg10[%get3A_472, %get3A_473] {strides = array<i32>} : memref<32x768xf32, #tpu.memory_space<vmem>>, vector<16xf32>,
      %add3A_475 = arith.addf %get3A_471, %get3A_474 : vector<16xf32>
      %swap3A_476 = arith.index_cast %scan3A_70 : i32 to index
      %swap3A_477 = arith.constant 640 : index
      %swap3A_478 = tpu.vector_load %arg8[%swap3A_476, %swap3A_477] {strides = array<i32>} : memref<32x768xf32, #tpu.memory_space<vmem>>, vector<16xf32>,
      tpu.vector_store %arg8[%swap3A_476, %swap3A_477], %add3A_475 {strides = array<i32>} : memref<32x768xf32, #tpu.memory_space<vmem>>, vector<16xf32>,
      %get3A_479 = arith.index_cast %scan3A_70 : i32 to index
      %get3A_480 = arith.constant 656 : index
      %get3A_481 = tpu.vector_load %arg8[%get3A_479, %get3A_480] {strides = array<i32>} : memref<32x768xf32, #tpu.memory_space<vmem>>, vector<16xf32>,
      %get3A_482 = arith.index_cast %scan3A_70 : i32 to index
      %get3A_483 = arith.constant 656 : index
      %get3A_484 = tpu.vector_load %arg10[%get3A_482, %get3A_483] {strides = array<i32>} : memref<32x768xf32, #tpu.memory_space<vmem>>, vector<16xf32>,
      %add3A_485 = arith.addf %get3A_481, %get3A_484 : vector<16xf32>
      %swap3A_486 = arith.index_cast %scan3A_70 : i32 to index
      %swap3A_487 = arith.constant 656 : index
      %swap3A_488 = tpu.vector_load %arg8[%swap3A_486, %swap3A_487] {strides = array<i32>} : memref<32x768xf32, #tpu.memory_space<vmem>>, vector<16xf32>,
      tpu.vector_store %arg8[%swap3A_486, %swap3A_487], %add3A_485 {strides = array<i32>} : memref<32x768xf32, #tpu.memory_space<vmem>>, vector<16xf32>,
      %get3A_489 = arith.index_cast %scan3A_70 : i32 to index
      %get3A_490 = arith.constant 672 : index
      %get3A_491 = tpu.vector_load %arg8[%get3A_489, %get3A_490] {strides = array<i32>} : memref<32x768xf32, #tpu.memory_space<vmem>>, vector<16xf32>,
      %get3A_492 = arith.index_cast %scan3A_70 : i32 to index
      %get3A_493 = arith.constant 672 : index
      %get3A_494 = tpu.vector_load %arg10[%get3A_492, %get3A_493] {strides = array<i32>} : memref<32x768xf32, #tpu.memory_space<vmem>>, vector<16xf32>,
      %add3A_495 = arith.addf %get3A_491, %get3A_494 : vector<16xf32>
      %swap3A_496 = arith.index_cast %scan3A_70 : i32 to index
      %swap3A_497 = arith.constant 672 : index
      %swap3A_498 = tpu.vector_load %arg8[%swap3A_496, %swap3A_497] {strides = array<i32>} : memref<32x768xf32, #tpu.memory_space<vmem>>, vector<16xf32>,
      tpu.vector_store %arg8[%swap3A_496, %swap3A_497], %add3A_495 {strides = array<i32>} : memref<32x768xf32, #tpu.memory_space<vmem>>, vector<16xf32>,
      %get3A_499 = arith.index_cast %scan3A_70 : i32 to index
      %get3A_500 = arith.constant 688 : index
      %get3A_501 = tpu.vector_load %arg8[%get3A_499, %get3A_500] {strides = array<i32>} : memref<32x768xf32, #tpu.memory_space<vmem>>, vector<16xf32>,
      %get3A_502 = arith.index_cast %scan3A_70 : i32 to index
      %get3A_503 = arith.constant 688 : index
      %get3A_504 = tpu.vector_load %arg10[%get3A_502, %get3A_503] {strides = array<i32>} : memref<32x768xf32, #tpu.memory_space<vmem>>, vector<16xf32>,
      %add3A_505 = arith.addf %get3A_501, %get3A_504 : vector<16xf32>
      %swap3A_506 = arith.index_cast %scan3A_70 : i32 to index
      %swap3A_507 = arith.constant 688 : index
      %swap3A_508 = tpu.vector_load %arg8[%swap3A_506, %swap3A_507] {strides = array<i32>} : memref<32x768xf32, #tpu.memory_space<vmem>>, vector<16xf32>,
      tpu.vector_store %arg8[%swap3A_506, %swap3A_507], %add3A_505 {strides = array<i32>} : memref<32x768xf32, #tpu.memory_space<vmem>>, vector<16xf32>,
      %get3A_509 = arith.index_cast %scan3A_70 : i32 to index
      %get3A_510 = arith.constant 704 : index
      %get3A_511 = tpu.vector_load %arg8[%get3A_509, %get3A_510] {strides = array<i32>} : memref<32x768xf32, #tpu.memory_space<vmem>>, vector<16xf32>,
      %get3A_512 = arith.index_cast %scan3A_70 : i32 to index
      %get3A_513 = arith.constant 704 : index
      %get3A_514 = tpu.vector_load %arg10[%get3A_512, %get3A_513] {strides = array<i32>} : memref<32x768xf32, #tpu.memory_space<vmem>>, vector<16xf32>,
      %add3A_515 = arith.addf %get3A_511, %get3A_514 : vector<16xf32>
      %swap3A_516 = arith.index_cast %scan3A_70 : i32 to index
      %swap3A_517 = arith.constant 704 : index
      %swap3A_518 = tpu.vector_load %arg8[%swap3A_516, %swap3A_517] {strides = array<i32>} : memref<32x768xf32, #tpu.memory_space<vmem>>, vector<16xf32>,
      tpu.vector_store %arg8[%swap3A_516, %swap3A_517], %add3A_515 {strides = array<i32>} : memref<32x768xf32, #tpu.memory_space<vmem>>, vector<16xf32>,
      %get3A_519 = arith.index_cast %scan3A_70 : i32 to index
      %get3A_520 = arith.constant 720 : index
      %get3A_521 = tpu.vector_load %arg8[%get3A_519, %get3A_520] {strides = array<i32>} : memref<32x768xf32, #tpu.memory_space<vmem>>, vector<16xf32>,
      %get3A_522 = arith.index_cast %scan3A_70 : i32 to index
      %get3A_523 = arith.constant 720 : index
      %get3A_524 = tpu.vector_load %arg10[%get3A_522, %get3A_523] {strides = array<i32>} : memref<32x768xf32, #tpu.memory_space<vmem>>, vector<16xf32>,
      %add3A_525 = arith.addf %get3A_521, %get3A_524 : vector<16xf32>
      %swap3A_526 = arith.index_cast %scan3A_70 : i32 to index
      %swap3A_527 = arith.constant 720 : index
      %swap3A_528 = tpu.vector_load %arg8[%swap3A_526, %swap3A_527] {strides = array<i32>} : memref<32x768xf32, #tpu.memory_space<vmem>>, vector<16xf32>,
      tpu.vector_store %arg8[%swap3A_526, %swap3A_527], %add3A_525 {strides = array<i32>} : memref<32x768xf32, #tpu.memory_space<vmem>>, vector<16xf32>,
      %get3A_529 = arith.index_cast %scan3A_70 : i32 to index
      %get3A_530 = arith.constant 736 : index
      %get3A_531 = tpu.vector_load %arg8[%get3A_529, %get3A_530] {strides = array<i32>} : memref<32x768xf32, #tpu.memory_space<vmem>>, vector<16xf32>,
      %get3A_532 = arith.index_cast %scan3A_70 : i32 to index
      %get3A_533 = arith.constant 736 : index
      %get3A_534 = tpu.vector_load %arg10[%get3A_532, %get3A_533] {strides = array<i32>} : memref<32x768xf32, #tpu.memory_space<vmem>>, vector<16xf32>,
      %add3A_535 = arith.addf %get3A_531, %get3A_534 : vector<16xf32>
      %swap3A_536 = arith.index_cast %scan3A_70 : i32 to index
      %swap3A_537 = arith.constant 736 : index
      %swap3A_538 = tpu.vector_load %arg8[%swap3A_536, %swap3A_537] {strides = array<i32>} : memref<32x768xf32, #tpu.memory_space<vmem>>, vector<16xf32>,
      tpu.vector_store %arg8[%swap3A_536, %swap3A_537], %add3A_535 {strides = array<i32>} : memref<32x768xf32, #tpu.memory_space<vmem>>, vector<16xf32>,
      %get3A_539 = arith.index_cast %scan3A_70 : i32 to index
      %get3A_540 = arith.constant 752 : index
      %get3A_541 = tpu.vector_load %arg8[%get3A_539, %get3A_540] {strides = array<i32>} : memref<32x768xf32, #tpu.memory_space<vmem>>, vector<16xf32>,
      %get3A_542 = arith.index_cast %scan3A_70 : i32 to index
      %get3A_543 = arith.constant 752 : index
      %get3A_544 = tpu.vector_load %arg10[%get3A_542, %get3A_543] {strides = array<i32>} : memref<32x768xf32, #tpu.memory_space<vmem>>, vector<16xf32>,
      %add3A_545 = arith.addf %get3A_541, %get3A_544 : vector<16xf32>
      %swap3A_546 = arith.index_cast %scan3A_70 : i32 to index
      %swap3A_547 = arith.constant 752 : index
      %swap3A_548 = tpu.vector_load %arg8[%swap3A_546, %swap3A_547] {strides = array<i32>} : memref<32x768xf32, #tpu.memory_space<vmem>>, vector<16xf32>,
      tpu.vector_store %arg8[%swap3A_546, %swap3A_547], %add3A_545 {strides = array<i32>} : memref<32x768xf32, #tpu.memory_space<vmem>>, vector<16xf32>,
    }
    %scan3A_34 = arith.constant 32 : i32
    %add3A_35 = arith.constant 0 : i32
    %add3A_36 = arith.addi %mul3A_2, %add3A_35 : i32
    %dma_start3A_37 = arith.constant 0 : i32
    %dma_start3A_38 = tpu.memref_slice %arg5[%add3A_36, %dma_start3A_37] : memref<2048x768xf32, #tpu.memory_space<hbm>> -> memref<32x768xf32, #tpu.memory_space<hbm>>
    %dma_start3A_39 = arith.constant 0 : i32
    %dma_start3A_40 = tpu.memref_slice %arg5[%add3A_36, %dma_start3A_39] : memref<2048x768xf32, #tpu.memory_space<hbm>> -> memref<32x768xf32, #tpu.memory_space<hbm>>
    tpu.enqueue_dma source(%arg8 : memref<32x768xf32, #tpu.memory_space<vmem>>) target(%dma_start3A_40 : memref<32x768xf32, #tpu.memory_space<hbm>>) target_semaphore(%arg16 : memref<!tpu.dma_semaphore, #tpu.memory_space<semaphore_mem>>)
    %dma_wait3A_41 = arith.constant 32 : i32
    %dma_wait3A_42 = tpu.memref_slice %arg6[%dma_wait3A_41] : memref<64xi32, #tpu.memory_space<vmem>> -> memref<32xi32, #tpu.memory_space<vmem>>
    %dma_wait3A_43 = arith.constant 0 : i32
    %dma_wait3A_44 = arith.constant 0 : i32
    %dma_wait3A_45 = tpu.memref_slice %arg2[%dma_wait3A_43, %dma_wait3A_44] : memref<6144x768xf32, #tpu.memory_space<hbm>> -> memref<6144x768xf32, #tpu.memory_space<hbm>>
    tpu.wait_indirect_dma semaphore(%arg14 : memref<!tpu.dma_semaphore, #tpu.memory_space<semaphore_mem>>) src(%dma_wait3A_45 : memref<6144x768xf32, #tpu.memory_space<hbm>>) dst(%arg9 : memref<32x768xf32, #tpu.memory_space<vmem>>)
    %dma_wait3A_46 = arith.constant 32 : i32
    %dma_wait3A_47 = tpu.memref_slice %arg7[%dma_wait3A_46] : memref<64xi32, #tpu.memory_space<vmem>> -> memref<32xi32, #tpu.memory_space<vmem>>
    %dma_wait3A_48 = arith.constant 0 : i32
    %dma_wait3A_49 = arith.constant 0 : i32
    %dma_wait3A_50 = tpu.memref_slice %arg2[%dma_wait3A_48, %dma_wait3A_49] : memref<6144x768xf32, #tpu.memory_space<hbm>> -> memref<6144x768xf32, #tpu.memory_space<hbm>>
    tpu.wait_indirect_dma semaphore(%arg15 : memref<!tpu.dma_semaphore, #tpu.memory_space<semaphore_mem>>) src(%dma_wait3A_50 : memref<6144x768xf32, #tpu.memory_space<hbm>>) dst(%arg11 : memref<32x768xf32, #tpu.memory_space<vmem>>)
    %scan3A_51 = arith.constant 0 : i32
    %scan3A_52 = arith.constant 32 : i32
    %scan3A_53 = arith.addi %scan3A_51, %scan3A_52 : i32
    %scan3A_54 = arith.constant 1 : i32
    scf.for %scan3A_70 = %scan3A_51 to %scan3A_53 step %scan3A_54  : i32 {
      %get3A = arith.index_cast %scan3A_70 : i32 to index
      %get3A_71 = arith.constant 0 : index
      %get3A_72 = tpu.vector_load %arg9[%get3A, %get3A_71] {strides = array<i32>} : memref<32x768xf32, #tpu.memory_space<vmem>>, vector<16xf32>,
      %get3A_73 = arith.index_cast %scan3A_70 : i32 to index
      %get3A_74 = arith.constant 0 : index
      %get3A_75 = tpu.vector_load %arg11[%get3A_73, %get3A_74] {strides = array<i32>} : memref<32x768xf32, #tpu.memory_space<vmem>>, vector<16xf32>,
      %add3A_76 = arith.addf %get3A_72, %get3A_75 : vector<16xf32>
      %swap3A = arith.index_cast %scan3A_70 : i32 to index
      %swap3A_77 = arith.constant 0 : index
      %swap3A_78 = tpu.vector_load %arg9[%swap3A, %swap3A_77] {strides = array<i32>} : memref<32x768xf32, #tpu.memory_space<vmem>>, vector<16xf32>,
      tpu.vector_store %arg9[%swap3A, %swap3A_77], %add3A_76 {strides = array<i32>} : memref<32x768xf32, #tpu.memory_space<vmem>>, vector<16xf32>,
      %get3A_79 = arith.index_cast %scan3A_70 : i32 to index
      %get3A_80 = arith.constant 16 : index
      %get3A_81 = tpu.vector_load %arg9[%get3A_79, %get3A_80] {strides = array<i32>} : memref<32x768xf32, #tpu.memory_space<vmem>>, vector<16xf32>,
      %get3A_82 = arith.index_cast %scan3A_70 : i32 to index
      %get3A_83 = arith.constant 16 : index
      %get3A_84 = tpu.vector_load %arg11[%get3A_82, %get3A_83] {strides = array<i32>} : memref<32x768xf32, #tpu.memory_space<vmem>>, vector<16xf32>,
      %add3A_85 = arith.addf %get3A_81, %get3A_84 : vector<16xf32>
      %swap3A_86 = arith.index_cast %scan3A_70 : i32 to index
      %swap3A_87 = arith.constant 16 : index
      %swap3A_88 = tpu.vector_load %arg9[%swap3A_86, %swap3A_87] {strides = array<i32>} : memref<32x768xf32, #tpu.memory_space<vmem>>, vector<16xf32>,
      tpu.vector_store %arg9[%swap3A_86, %swap3A_87], %add3A_85 {strides = array<i32>} : memref<32x768xf32, #tpu.memory_space<vmem>>, vector<16xf32>,
      %get3A_89 = arith.index_cast %scan3A_70 : i32 to index
      %get3A_90 = arith.constant 32 : index
      %get3A_91 = tpu.vector_load %arg9[%get3A_89, %get3A_90] {strides = array<i32>} : memref<32x768xf32, #tpu.memory_space<vmem>>, vector<16xf32>,
      %get3A_92 = arith.index_cast %scan3A_70 : i32 to index
      %get3A_93 = arith.constant 32 : index
      %get3A_94 = tpu.vector_load %arg11[%get3A_92, %get3A_93] {strides = array<i32>} : memref<32x768xf32, #tpu.memory_space<vmem>>, vector<16xf32>,
      %add3A_95 = arith.addf %get3A_91, %get3A_94 : vector<16xf32>
      %swap3A_96 = arith.index_cast %scan3A_70 : i32 to index
      %swap3A_97 = arith.constant 32 : index
      %swap3A_98 = tpu.vector_load %arg9[%swap3A_96, %swap3A_97] {strides = array<i32>} : memref<32x768xf32, #tpu.memory_space<vmem>>, vector<16xf32>,
      tpu.vector_store %arg9[%swap3A_96, %swap3A_97], %add3A_95 {strides = array<i32>} : memref<32x768xf32, #tpu.memory_space<vmem>>, vector<16xf32>,
      %get3A_99 = arith.index_cast %scan3A_70 : i32 to index
      %get3A_100 = arith.constant 48 : index
      %get3A_101 = tpu.vector_load %arg9[%get3A_99, %get3A_100] {strides = array<i32>} : memref<32x768xf32, #tpu.memory_space<vmem>>, vector<16xf32>,
      %get3A_102 = arith.index_cast %scan3A_70 : i32 to index
      %get3A_103 = arith.constant 48 : index
      %get3A_104 = tpu.vector_load %arg11[%get3A_102, %get3A_103] {strides = array<i32>} : memref<32x768xf32, #tpu.memory_space<vmem>>, vector<16xf32>,
      %add3A_105 = arith.addf %get3A_101, %get3A_104 : vector<16xf32>
      %swap3A_106 = arith.index_cast %scan3A_70 : i32 to index
      %swap3A_107 = arith.constant 48 : index
      %swap3A_108 = tpu.vector_load %arg9[%swap3A_106, %swap3A_107] {strides = array<i32>} : memref<32x768xf32, #tpu.memory_space<vmem>>, vector<16xf32>,
      tpu.vector_store %arg9[%swap3A_106, %swap3A_107], %add3A_105 {strides = array<i32>} : memref<32x768xf32, #tpu.memory_space<vmem>>, vector<16xf32>,
      %get3A_109 = arith.index_cast %scan3A_70 : i32 to index
      %get3A_110 = arith.constant 64 : index
      %get3A_111 = tpu.vector_load %arg9[%get3A_109, %get3A_110] {strides = array<i32>} : memref<32x768xf32, #tpu.memory_space<vmem>>, vector<16xf32>,
      %get3A_112 = arith.index_cast %scan3A_70 : i32 to index
      %get3A_113 = arith.constant 64 : index
      %get3A_114 = tpu.vector_load %arg11[%get3A_112, %get3A_113] {strides = array<i32>} : memref<32x768xf32, #tpu.memory_space<vmem>>, vector<16xf32>,
      %add3A_115 = arith.addf %get3A_111, %get3A_114 : vector<16xf32>
      %swap3A_116 = arith.index_cast %scan3A_70 : i32 to index
      %swap3A_117 = arith.constant 64 : index
      %swap3A_118 = tpu.vector_load %arg9[%swap3A_116, %swap3A_117] {strides = array<i32>} : memref<32x768xf32, #tpu.memory_space<vmem>>, vector<16xf32>,
      tpu.vector_store %arg9[%swap3A_116, %swap3A_117], %add3A_115 {strides = array<i32>} : memref<32x768xf32, #tpu.memory_space<vmem>>, vector<16xf32>,
      %get3A_119 = arith.index_cast %scan3A_70 : i32 to index
      %get3A_120 = arith.constant 80 : index
      %get3A_121 = tpu.vector_load %arg9[%get3A_119, %get3A_120] {strides = array<i32>} : memref<32x768xf32, #tpu.memory_space<vmem>>, vector<16xf32>,
      %get3A_122 = arith.index_cast %scan3A_70 : i32 to index
      %get3A_123 = arith.constant 80 : index
      %get3A_124 = tpu.vector_load %arg11[%get3A_122, %get3A_123] {strides = array<i32>} : memref<32x768xf32, #tpu.memory_space<vmem>>, vector<16xf32>,
      %add3A_125 = arith.addf %get3A_121, %get3A_124 : vector<16xf32>
      %swap3A_126 = arith.index_cast %scan3A_70 : i32 to index
      %swap3A_127 = arith.constant 80 : index
      %swap3A_128 = tpu.vector_load %arg9[%swap3A_126, %swap3A_127] {strides = array<i32>} : memref<32x768xf32, #tpu.memory_space<vmem>>, vector<16xf32>,
      tpu.vector_store %arg9[%swap3A_126, %swap3A_127], %add3A_125 {strides = array<i32>} : memref<32x768xf32, #tpu.memory_space<vmem>>, vector<16xf32>,
      %get3A_129 = arith.index_cast %scan3A_70 : i32 to index
      %get3A_130 = arith.constant 96 : index
      %get3A_131 = tpu.vector_load %arg9[%get3A_129, %get3A_130] {strides = array<i32>} : memref<32x768xf32, #tpu.memory_space<vmem>>, vector<16xf32>,
      %get3A_132 = arith.index_cast %scan3A_70 : i32 to index
      %get3A_133 = arith.constant 96 : index
      %get3A_134 = tpu.vector_load %arg11[%get3A_132, %get3A_133] {strides = array<i32>} : memref<32x768xf32, #tpu.memory_space<vmem>>, vector<16xf32>,
      %add3A_135 = arith.addf %get3A_131, %get3A_134 : vector<16xf32>
      %swap3A_136 = arith.index_cast %scan3A_70 : i32 to index
      %swap3A_137 = arith.constant 96 : index
      %swap3A_138 = tpu.vector_load %arg9[%swap3A_136, %swap3A_137] {strides = array<i32>} : memref<32x768xf32, #tpu.memory_space<vmem>>, vector<16xf32>,
      tpu.vector_store %arg9[%swap3A_136, %swap3A_137], %add3A_135 {strides = array<i32>} : memref<32x768xf32, #tpu.memory_space<vmem>>, vector<16xf32>,
      %get3A_139 = arith.index_cast %scan3A_70 : i32 to index
      %get3A_140 = arith.constant 112 : index
      %get3A_141 = tpu.vector_load %arg9[%get3A_139, %get3A_140] {strides = array<i32>} : memref<32x768xf32, #tpu.memory_space<vmem>>, vector<16xf32>,
      %get3A_142 = arith.index_cast %scan3A_70 : i32 to index
      %get3A_143 = arith.constant 112 : index
      %get3A_144 = tpu.vector_load %arg11[%get3A_142, %get3A_143] {strides = array<i32>} : memref<32x768xf32, #tpu.memory_space<vmem>>, vector<16xf32>,
      %add3A_145 = arith.addf %get3A_141, %get3A_144 : vector<16xf32>
      %swap3A_146 = arith.index_cast %scan3A_70 : i32 to index
      %swap3A_147 = arith.constant 112 : index
      %swap3A_148 = tpu.vector_load %arg9[%swap3A_146, %swap3A_147] {strides = array<i32>} : memref<32x768xf32, #tpu.memory_space<vmem>>, vector<16xf32>,
      tpu.vector_store %arg9[%swap3A_146, %swap3A_147], %add3A_145 {strides = array<i32>} : memref<32x768xf32, #tpu.memory_space<vmem>>, vector<16xf32>,
      %get3A_149 = arith.index_cast %scan3A_70 : i32 to index
      %get3A_150 = arith.constant 128 : index
      %get3A_151 = tpu.vector_load %arg9[%get3A_149, %get3A_150] {strides = array<i32>} : memref<32x768xf32, #tpu.memory_space<vmem>>, vector<16xf32>,
      %get3A_152 = arith.index_cast %scan3A_70 : i32 to index
      %get3A_153 = arith.constant 128 : index
      %get3A_154 = tpu.vector_load %arg11[%get3A_152, %get3A_153] {strides = array<i32>} : memref<32x768xf32, #tpu.memory_space<vmem>>, vector<16xf32>,
      %add3A_155 = arith.addf %get3A_151, %get3A_154 : vector<16xf32>
      %swap3A_156 = arith.index_cast %scan3A_70 : i32 to index
      %swap3A_157 = arith.constant 128 : index
      %swap3A_158 = tpu.vector_load %arg9[%swap3A_156, %swap3A_157] {strides = array<i32>} : memref<32x768xf32, #tpu.memory_space<vmem>>, vector<16xf32>,
      tpu.vector_store %arg9[%swap3A_156, %swap3A_157], %add3A_155 {strides = array<i32>} : memref<32x768xf32, #tpu.memory_space<vmem>>, vector<16xf32>,
      %get3A_159 = arith.index_cast %scan3A_70 : i32 to index
      %get3A_160 = arith.constant 144 : index
      %get3A_161 = tpu.vector_load %arg9[%get3A_159, %get3A_160] {strides = array<i32>} : memref<32x768xf32, #tpu.memory_space<vmem>>, vector<16xf32>,
      %get3A_162 = arith.index_cast %scan3A_70 : i32 to index
      %get3A_163 = arith.constant 144 : index
      %get3A_164 = tpu.vector_load %arg11[%get3A_162, %get3A_163] {strides = array<i32>} : memref<32x768xf32, #tpu.memory_space<vmem>>, vector<16xf32>,
      %add3A_165 = arith.addf %get3A_161, %get3A_164 : vector<16xf32>
      %swap3A_166 = arith.index_cast %scan3A_70 : i32 to index
      %swap3A_167 = arith.constant 144 : index
      %swap3A_168 = tpu.vector_load %arg9[%swap3A_166, %swap3A_167] {strides = array<i32>} : memref<32x768xf32, #tpu.memory_space<vmem>>, vector<16xf32>,
      tpu.vector_store %arg9[%swap3A_166, %swap3A_167], %add3A_165 {strides = array<i32>} : memref<32x768xf32, #tpu.memory_space<vmem>>, vector<16xf32>,
      %get3A_169 = arith.index_cast %scan3A_70 : i32 to index
      %get3A_170 = arith.constant 160 : index
      %get3A_171 = tpu.vector_load %arg9[%get3A_169, %get3A_170] {strides = array<i32>} : memref<32x768xf32, #tpu.memory_space<vmem>>, vector<16xf32>,
      %get3A_172 = arith.index_cast %scan3A_70 : i32 to index
      %get3A_173 = arith.constant 160 : index
      %get3A_174 = tpu.vector_load %arg11[%get3A_172, %get3A_173] {strides = array<i32>} : memref<32x768xf32, #tpu.memory_space<vmem>>, vector<16xf32>,
      %add3A_175 = arith.addf %get3A_171, %get3A_174 : vector<16xf32>
      %swap3A_176 = arith.index_cast %scan3A_70 : i32 to index
      %swap3A_177 = arith.constant 160 : index
      %swap3A_178 = tpu.vector_load %arg9[%swap3A_176, %swap3A_177] {strides = array<i32>} : memref<32x768xf32, #tpu.memory_space<vmem>>, vector<16xf32>,
      tpu.vector_store %arg9[%swap3A_176, %swap3A_177], %add3A_175 {strides = array<i32>} : memref<32x768xf32, #tpu.memory_space<vmem>>, vector<16xf32>,
      %get3A_179 = arith.index_cast %scan3A_70 : i32 to index
      %get3A_180 = arith.constant 176 : index
      %get3A_181 = tpu.vector_load %arg9[%get3A_179, %get3A_180] {strides = array<i32>} : memref<32x768xf32, #tpu.memory_space<vmem>>, vector<16xf32>,
      %get3A_182 = arith.index_cast %scan3A_70 : i32 to index
      %get3A_183 = arith.constant 176 : index
      %get3A_184 = tpu.vector_load %arg11[%get3A_182, %get3A_183] {strides = array<i32>} : memref<32x768xf32, #tpu.memory_space<vmem>>, vector<16xf32>,
      %add3A_185 = arith.addf %get3A_181, %get3A_184 : vector<16xf32>
      %swap3A_186 = arith.index_cast %scan3A_70 : i32 to index
      %swap3A_187 = arith.constant 176 : index
      %swap3A_188 = tpu.vector_load %arg9[%swap3A_186, %swap3A_187] {strides = array<i32>} : memref<32x768xf32, #tpu.memory_space<vmem>>, vector<16xf32>,
      tpu.vector_store %arg9[%swap3A_186, %swap3A_187], %add3A_185 {strides = array<i32>} : memref<32x768xf32, #tpu.memory_space<vmem>>, vector<16xf32>,
      %get3A_189 = arith.index_cast %scan3A_70 : i32 to index
      %get3A_190 = arith.constant 192 : index
      %get3A_191 = tpu.vector_load %arg9[%get3A_189, %get3A_190] {strides = array<i32>} : memref<32x768xf32, #tpu.memory_space<vmem>>, vector<16xf32>,
      %get3A_192 = arith.index_cast %scan3A_70 : i32 to index
      %get3A_193 = arith.constant 192 : index
      %get3A_194 = tpu.vector_load %arg11[%get3A_192, %get3A_193] {strides = array<i32>} : memref<32x768xf32, #tpu.memory_space<vmem>>, vector<16xf32>,
      %add3A_195 = arith.addf %get3A_191, %get3A_194 : vector<16xf32>
      %swap3A_196 = arith.index_cast %scan3A_70 : i32 to index
      %swap3A_197 = arith.constant 192 : index
      %swap3A_198 = tpu.vector_load %arg9[%swap3A_196, %swap3A_197] {strides = array<i32>} : memref<32x768xf32, #tpu.memory_space<vmem>>, vector<16xf32>,
      tpu.vector_store %arg9[%swap3A_196, %swap3A_197], %add3A_195 {strides = array<i32>} : memref<32x768xf32, #tpu.memory_space<vmem>>, vector<16xf32>,
      %get3A_199 = arith.index_cast %scan3A_70 : i32 to index
      %get3A_200 = arith.constant 208 : index
      %get3A_201 = tpu.vector_load %arg9[%get3A_199, %get3A_200] {strides = array<i32>} : memref<32x768xf32, #tpu.memory_space<vmem>>, vector<16xf32>,
      %get3A_202 = arith.index_cast %scan3A_70 : i32 to index
      %get3A_203 = arith.constant 208 : index
      %get3A_204 = tpu.vector_load %arg11[%get3A_202, %get3A_203] {strides = array<i32>} : memref<32x768xf32, #tpu.memory_space<vmem>>, vector<16xf32>,
      %add3A_205 = arith.addf %get3A_201, %get3A_204 : vector<16xf32>
      %swap3A_206 = arith.index_cast %scan3A_70 : i32 to index
      %swap3A_207 = arith.constant 208 : index
      %swap3A_208 = tpu.vector_load %arg9[%swap3A_206, %swap3A_207] {strides = array<i32>} : memref<32x768xf32, #tpu.memory_space<vmem>>, vector<16xf32>,
      tpu.vector_store %arg9[%swap3A_206, %swap3A_207], %add3A_205 {strides = array<i32>} : memref<32x768xf32, #tpu.memory_space<vmem>>, vector<16xf32>,
      %get3A_209 = arith.index_cast %scan3A_70 : i32 to index
      %get3A_210 = arith.constant 224 : index
      %get3A_211 = tpu.vector_load %arg9[%get3A_209, %get3A_210] {strides = array<i32>} : memref<32x768xf32, #tpu.memory_space<vmem>>, vector<16xf32>,
      %get3A_212 = arith.index_cast %scan3A_70 : i32 to index
      %get3A_213 = arith.constant 224 : index
      %get3A_214 = tpu.vector_load %arg11[%get3A_212, %get3A_213] {strides = array<i32>} : memref<32x768xf32, #tpu.memory_space<vmem>>, vector<16xf32>,
      %add3A_215 = arith.addf %get3A_211, %get3A_214 : vector<16xf32>
      %swap3A_216 = arith.index_cast %scan3A_70 : i32 to index
      %swap3A_217 = arith.constant 224 : index
      %swap3A_218 = tpu.vector_load %arg9[%swap3A_216, %swap3A_217] {strides = array<i32>} : memref<32x768xf32, #tpu.memory_space<vmem>>, vector<16xf32>,
      tpu.vector_store %arg9[%swap3A_216, %swap3A_217], %add3A_215 {strides = array<i32>} : memref<32x768xf32, #tpu.memory_space<vmem>>, vector<16xf32>,
      %get3A_219 = arith.index_cast %scan3A_70 : i32 to index
      %get3A_220 = arith.constant 240 : index
      %get3A_221 = tpu.vector_load %arg9[%get3A_219, %get3A_220] {strides = array<i32>} : memref<32x768xf32, #tpu.memory_space<vmem>>, vector<16xf32>,
      %get3A_222 = arith.index_cast %scan3A_70 : i32 to index
      %get3A_223 = arith.constant 240 : index
      %get3A_224 = tpu.vector_load %arg11[%get3A_222, %get3A_223] {strides = array<i32>} : memref<32x768xf32, #tpu.memory_space<vmem>>, vector<16xf32>,
      %add3A_225 = arith.addf %get3A_221, %get3A_224 : vector<16xf32>
      %swap3A_226 = arith.index_cast %scan3A_70 : i32 to index
      %swap3A_227 = arith.constant 240 : index
      %swap3A_228 = tpu.vector_load %arg9[%swap3A_226, %swap3A_227] {strides = array<i32>} : memref<32x768xf32, #tpu.memory_space<vmem>>, vector<16xf32>,
      tpu.vector_store %arg9[%swap3A_226, %swap3A_227], %add3A_225 {strides = array<i32>} : memref<32x768xf32, #tpu.memory_space<vmem>>, vector<16xf32>,
      %get3A_229 = arith.index_cast %scan3A_70 : i32 to index
      %get3A_230 = arith.constant 256 : index
      %get3A_231 = tpu.vector_load %arg9[%get3A_229, %get3A_230] {strides = array<i32>} : memref<32x768xf32, #tpu.memory_space<vmem>>, vector<16xf32>,
      %get3A_232 = arith.index_cast %scan3A_70 : i32 to index
      %get3A_233 = arith.constant 256 : index
      %get3A_234 = tpu.vector_load %arg11[%get3A_232, %get3A_233] {strides = array<i32>} : memref<32x768xf32, #tpu.memory_space<vmem>>, vector<16xf32>,
      %add3A_235 = arith.addf %get3A_231, %get3A_234 : vector<16xf32>
      %swap3A_236 = arith.index_cast %scan3A_70 : i32 to index
      %swap3A_237 = arith.constant 256 : index
      %swap3A_238 = tpu.vector_load %arg9[%swap3A_236, %swap3A_237] {strides = array<i32>} : memref<32x768xf32, #tpu.memory_space<vmem>>, vector<16xf32>,
      tpu.vector_store %arg9[%swap3A_236, %swap3A_237], %add3A_235 {strides = array<i32>} : memref<32x768xf32, #tpu.memory_space<vmem>>, vector<16xf32>,
      %get3A_239 = arith.index_cast %scan3A_70 : i32 to index
      %get3A_240 = arith.constant 272 : index
      %get3A_241 = tpu.vector_load %arg9[%get3A_239, %get3A_240] {strides = array<i32>} : memref<32x768xf32, #tpu.memory_space<vmem>>, vector<16xf32>,
      %get3A_242 = arith.index_cast %scan3A_70 : i32 to index
      %get3A_243 = arith.constant 272 : index
      %get3A_244 = tpu.vector_load %arg11[%get3A_242, %get3A_243] {strides = array<i32>} : memref<32x768xf32, #tpu.memory_space<vmem>>, vector<16xf32>,
      %add3A_245 = arith.addf %get3A_241, %get3A_244 : vector<16xf32>
      %swap3A_246 = arith.index_cast %scan3A_70 : i32 to index
      %swap3A_247 = arith.constant 272 : index
      %swap3A_248 = tpu.vector_load %arg9[%swap3A_246, %swap3A_247] {strides = array<i32>} : memref<32x768xf32, #tpu.memory_space<vmem>>, vector<16xf32>,
      tpu.vector_store %arg9[%swap3A_246, %swap3A_247], %add3A_245 {strides = array<i32>} : memref<32x768xf32, #tpu.memory_space<vmem>>, vector<16xf32>,
      %get3A_249 = arith.index_cast %scan3A_70 : i32 to index
      %get3A_250 = arith.constant 288 : index
      %get3A_251 = tpu.vector_load %arg9[%get3A_249, %get3A_250] {strides = array<i32>} : memref<32x768xf32, #tpu.memory_space<vmem>>, vector<16xf32>,
      %get3A_252 = arith.index_cast %scan3A_70 : i32 to index
      %get3A_253 = arith.constant 288 : index
      %get3A_254 = tpu.vector_load %arg11[%get3A_252, %get3A_253] {strides = array<i32>} : memref<32x768xf32, #tpu.memory_space<vmem>>, vector<16xf32>,
      %add3A_255 = arith.addf %get3A_251, %get3A_254 : vector<16xf32>
      %swap3A_256 = arith.index_cast %scan3A_70 : i32 to index
      %swap3A_257 = arith.constant 288 : index
      %swap3A_258 = tpu.vector_load %arg9[%swap3A_256, %swap3A_257] {strides = array<i32>} : memref<32x768xf32, #tpu.memory_space<vmem>>, vector<16xf32>,
      tpu.vector_store %arg9[%swap3A_256, %swap3A_257], %add3A_255 {strides = array<i32>} : memref<32x768xf32, #tpu.memory_space<vmem>>, vector<16xf32>,
      %get3A_259 = arith.index_cast %scan3A_70 : i32 to index
      %get3A_260 = arith.constant 304 : index
      %get3A_261 = tpu.vector_load %arg9[%get3A_259, %get3A_260] {strides = array<i32>} : memref<32x768xf32, #tpu.memory_space<vmem>>, vector<16xf32>,
      %get3A_262 = arith.index_cast %scan3A_70 : i32 to index
      %get3A_263 = arith.constant 304 : index
      %get3A_264 = tpu.vector_load %arg11[%get3A_262, %get3A_263] {strides = array<i32>} : memref<32x768xf32, #tpu.memory_space<vmem>>, vector<16xf32>,
      %add3A_265 = arith.addf %get3A_261, %get3A_264 : vector<16xf32>
      %swap3A_266 = arith.index_cast %scan3A_70 : i32 to index
      %swap3A_267 = arith.constant 304 : index
      %swap3A_268 = tpu.vector_load %arg9[%swap3A_266, %swap3A_267] {strides = array<i32>} : memref<32x768xf32, #tpu.memory_space<vmem>>, vector<16xf32>,
      tpu.vector_store %arg9[%swap3A_266, %swap3A_267], %add3A_265 {strides = array<i32>} : memref<32x768xf32, #tpu.memory_space<vmem>>, vector<16xf32>,
      %get3A_269 = arith.index_cast %scan3A_70 : i32 to index
      %get3A_270 = arith.constant 320 : index
      %get3A_271 = tpu.vector_load %arg9[%get3A_269, %get3A_270] {strides = array<i32>} : memref<32x768xf32, #tpu.memory_space<vmem>>, vector<16xf32>,
      %get3A_272 = arith.index_cast %scan3A_70 : i32 to index
      %get3A_273 = arith.constant 320 : index
      %get3A_274 = tpu.vector_load %arg11[%get3A_272, %get3A_273] {strides = array<i32>} : memref<32x768xf32, #tpu.memory_space<vmem>>, vector<16xf32>,
      %add3A_275 = arith.addf %get3A_271, %get3A_274 : vector<16xf32>
      %swap3A_276 = arith.index_cast %scan3A_70 : i32 to index
      %swap3A_277 = arith.constant 320 : index
      %swap3A_278 = tpu.vector_load %arg9[%swap3A_276, %swap3A_277] {strides = array<i32>} : memref<32x768xf32, #tpu.memory_space<vmem>>, vector<16xf32>,
      tpu.vector_store %arg9[%swap3A_276, %swap3A_277], %add3A_275 {strides = array<i32>} : memref<32x768xf32, #tpu.memory_space<vmem>>, vector<16xf32>,
      %get3A_279 = arith.index_cast %scan3A_70 : i32 to index
      %get3A_280 = arith.constant 336 : index
      %get3A_281 = tpu.vector_load %arg9[%get3A_279, %get3A_280] {strides = array<i32>} : memref<32x768xf32, #tpu.memory_space<vmem>>, vector<16xf32>,
      %get3A_282 = arith.index_cast %scan3A_70 : i32 to index
      %get3A_283 = arith.constant 336 : index
      %get3A_284 = tpu.vector_load %arg11[%get3A_282, %get3A_283] {strides = array<i32>} : memref<32x768xf32, #tpu.memory_space<vmem>>, vector<16xf32>,
      %add3A_285 = arith.addf %get3A_281, %get3A_284 : vector<16xf32>
      %swap3A_286 = arith.index_cast %scan3A_70 : i32 to index
      %swap3A_287 = arith.constant 336 : index
      %swap3A_288 = tpu.vector_load %arg9[%swap3A_286, %swap3A_287] {strides = array<i32>} : memref<32x768xf32, #tpu.memory_space<vmem>>, vector<16xf32>,
      tpu.vector_store %arg9[%swap3A_286, %swap3A_287], %add3A_285 {strides = array<i32>} : memref<32x768xf32, #tpu.memory_space<vmem>>, vector<16xf32>,
      %get3A_289 = arith.index_cast %scan3A_70 : i32 to index
      %get3A_290 = arith.constant 352 : index
      %get3A_291 = tpu.vector_load %arg9[%get3A_289, %get3A_290] {strides = array<i32>} : memref<32x768xf32, #tpu.memory_space<vmem>>, vector<16xf32>,
      %get3A_292 = arith.index_cast %scan3A_70 : i32 to index
      %get3A_293 = arith.constant 352 : index
      %get3A_294 = tpu.vector_load %arg11[%get3A_292, %get3A_293] {strides = array<i32>} : memref<32x768xf32, #tpu.memory_space<vmem>>, vector<16xf32>,
      %add3A_295 = arith.addf %get3A_291, %get3A_294 : vector<16xf32>
      %swap3A_296 = arith.index_cast %scan3A_70 : i32 to index
      %swap3A_297 = arith.constant 352 : index
      %swap3A_298 = tpu.vector_load %arg9[%swap3A_296, %swap3A_297] {strides = array<i32>} : memref<32x768xf32, #tpu.memory_space<vmem>>, vector<16xf32>,
      tpu.vector_store %arg9[%swap3A_296, %swap3A_297], %add3A_295 {strides = array<i32>} : memref<32x768xf32, #tpu.memory_space<vmem>>, vector<16xf32>,
      %get3A_299 = arith.index_cast %scan3A_70 : i32 to index
      %get3A_300 = arith.constant 368 : index
      %get3A_301 = tpu.vector_load %arg9[%get3A_299, %get3A_300] {strides = array<i32>} : memref<32x768xf32, #tpu.memory_space<vmem>>, vector<16xf32>,
      %get3A_302 = arith.index_cast %scan3A_70 : i32 to index
      %get3A_303 = arith.constant 368 : index
      %get3A_304 = tpu.vector_load %arg11[%get3A_302, %get3A_303] {strides = array<i32>} : memref<32x768xf32, #tpu.memory_space<vmem>>, vector<16xf32>,
      %add3A_305 = arith.addf %get3A_301, %get3A_304 : vector<16xf32>
      %swap3A_306 = arith.index_cast %scan3A_70 : i32 to index
      %swap3A_307 = arith.constant 368 : index
      %swap3A_308 = tpu.vector_load %arg9[%swap3A_306, %swap3A_307] {strides = array<i32>} : memref<32x768xf32, #tpu.memory_space<vmem>>, vector<16xf32>,
      tpu.vector_store %arg9[%swap3A_306, %swap3A_307], %add3A_305 {strides = array<i32>} : memref<32x768xf32, #tpu.memory_space<vmem>>, vector<16xf32>,
      %get3A_309 = arith.index_cast %scan3A_70 : i32 to index
      %get3A_310 = arith.constant 384 : index
      %get3A_311 = tpu.vector_load %arg9[%get3A_309, %get3A_310] {strides = array<i32>} : memref<32x768xf32, #tpu.memory_space<vmem>>, vector<16xf32>,
      %get3A_312 = arith.index_cast %scan3A_70 : i32 to index
      %get3A_313 = arith.constant 384 : index
      %get3A_314 = tpu.vector_load %arg11[%get3A_312, %get3A_313] {strides = array<i32>} : memref<32x768xf32, #tpu.memory_space<vmem>>, vector<16xf32>,
      %add3A_315 = arith.addf %get3A_311, %get3A_314 : vector<16xf32>
      %swap3A_316 = arith.index_cast %scan3A_70 : i32 to index
      %swap3A_317 = arith.constant 384 : index
      %swap3A_318 = tpu.vector_load %arg9[%swap3A_316, %swap3A_317] {strides = array<i32>} : memref<32x768xf32, #tpu.memory_space<vmem>>, vector<16xf32>,
      tpu.vector_store %arg9[%swap3A_316, %swap3A_317], %add3A_315 {strides = array<i32>} : memref<32x768xf32, #tpu.memory_space<vmem>>, vector<16xf32>,
      %get3A_319 = arith.index_cast %scan3A_70 : i32 to index
      %get3A_320 = arith.constant 400 : index
      %get3A_321 = tpu.vector_load %arg9[%get3A_319, %get3A_320] {strides = array<i32>} : memref<32x768xf32, #tpu.memory_space<vmem>>, vector<16xf32>,
      %get3A_322 = arith.index_cast %scan3A_70 : i32 to index
      %get3A_323 = arith.constant 400 : index
      %get3A_324 = tpu.vector_load %arg11[%get3A_322, %get3A_323] {strides = array<i32>} : memref<32x768xf32, #tpu.memory_space<vmem>>, vector<16xf32>,
      %add3A_325 = arith.addf %get3A_321, %get3A_324 : vector<16xf32>
      %swap3A_326 = arith.index_cast %scan3A_70 : i32 to index
      %swap3A_327 = arith.constant 400 : index
      %swap3A_328 = tpu.vector_load %arg9[%swap3A_326, %swap3A_327] {strides = array<i32>} : memref<32x768xf32, #tpu.memory_space<vmem>>, vector<16xf32>,
      tpu.vector_store %arg9[%swap3A_326, %swap3A_327], %add3A_325 {strides = array<i32>} : memref<32x768xf32, #tpu.memory_space<vmem>>, vector<16xf32>,
      %get3A_329 = arith.index_cast %scan3A_70 : i32 to index
      %get3A_330 = arith.constant 416 : index
      %get3A_331 = tpu.vector_load %arg9[%get3A_329, %get3A_330] {strides = array<i32>} : memref<32x768xf32, #tpu.memory_space<vmem>>, vector<16xf32>,
      %get3A_332 = arith.index_cast %scan3A_70 : i32 to index
      %get3A_333 = arith.constant 416 : index
      %get3A_334 = tpu.vector_load %arg11[%get3A_332, %get3A_333] {strides = array<i32>} : memref<32x768xf32, #tpu.memory_space<vmem>>, vector<16xf32>,
      %add3A_335 = arith.addf %get3A_331, %get3A_334 : vector<16xf32>
      %swap3A_336 = arith.index_cast %scan3A_70 : i32 to index
      %swap3A_337 = arith.constant 416 : index
      %swap3A_338 = tpu.vector_load %arg9[%swap3A_336, %swap3A_337] {strides = array<i32>} : memref<32x768xf32, #tpu.memory_space<vmem>>, vector<16xf32>,
      tpu.vector_store %arg9[%swap3A_336, %swap3A_337], %add3A_335 {strides = array<i32>} : memref<32x768xf32, #tpu.memory_space<vmem>>, vector<16xf32>,
      %get3A_339 = arith.index_cast %scan3A_70 : i32 to index
      %get3A_340 = arith.constant 432 : index
      %get3A_341 = tpu.vector_load %arg9[%get3A_339, %get3A_340] {strides = array<i32>} : memref<32x768xf32, #tpu.memory_space<vmem>>, vector<16xf32>,
      %get3A_342 = arith.index_cast %scan3A_70 : i32 to index
      %get3A_343 = arith.constant 432 : index
      %get3A_344 = tpu.vector_load %arg11[%get3A_342, %get3A_343] {strides = array<i32>} : memref<32x768xf32, #tpu.memory_space<vmem>>, vector<16xf32>,
      %add3A_345 = arith.addf %get3A_341, %get3A_344 : vector<16xf32>
      %swap3A_346 = arith.index_cast %scan3A_70 : i32 to index
      %swap3A_347 = arith.constant 432 : index
      %swap3A_348 = tpu.vector_load %arg9[%swap3A_346, %swap3A_347] {strides = array<i32>} : memref<32x768xf32, #tpu.memory_space<vmem>>, vector<16xf32>,
      tpu.vector_store %arg9[%swap3A_346, %swap3A_347], %add3A_345 {strides = array<i32>} : memref<32x768xf32, #tpu.memory_space<vmem>>, vector<16xf32>,
      %get3A_349 = arith.index_cast %scan3A_70 : i32 to index
      %get3A_350 = arith.constant 448 : index
      %get3A_351 = tpu.vector_load %arg9[%get3A_349, %get3A_350] {strides = array<i32>} : memref<32x768xf32, #tpu.memory_space<vmem>>, vector<16xf32>,
      %get3A_352 = arith.index_cast %scan3A_70 : i32 to index
      %get3A_353 = arith.constant 448 : index
      %get3A_354 = tpu.vector_load %arg11[%get3A_352, %get3A_353] {strides = array<i32>} : memref<32x768xf32, #tpu.memory_space<vmem>>, vector<16xf32>,
      %add3A_355 = arith.addf %get3A_351, %get3A_354 : vector<16xf32>
      %swap3A_356 = arith.index_cast %scan3A_70 : i32 to index
      %swap3A_357 = arith.constant 448 : index
      %swap3A_358 = tpu.vector_load %arg9[%swap3A_356, %swap3A_357] {strides = array<i32>} : memref<32x768xf32, #tpu.memory_space<vmem>>, vector<16xf32>,
      tpu.vector_store %arg9[%swap3A_356, %swap3A_357], %add3A_355 {strides = array<i32>} : memref<32x768xf32, #tpu.memory_space<vmem>>, vector<16xf32>,
      %get3A_359 = arith.index_cast %scan3A_70 : i32 to index
      %get3A_360 = arith.constant 464 : index
      %get3A_361 = tpu.vector_load %arg9[%get3A_359, %get3A_360] {strides = array<i32>} : memref<32x768xf32, #tpu.memory_space<vmem>>, vector<16xf32>,
      %get3A_362 = arith.index_cast %scan3A_70 : i32 to index
      %get3A_363 = arith.constant 464 : index
      %get3A_364 = tpu.vector_load %arg11[%get3A_362, %get3A_363] {strides = array<i32>} : memref<32x768xf32, #tpu.memory_space<vmem>>, vector<16xf32>,
      %add3A_365 = arith.addf %get3A_361, %get3A_364 : vector<16xf32>
      %swap3A_366 = arith.index_cast %scan3A_70 : i32 to index
      %swap3A_367 = arith.constant 464 : index
      %swap3A_368 = tpu.vector_load %arg9[%swap3A_366, %swap3A_367] {strides = array<i32>} : memref<32x768xf32, #tpu.memory_space<vmem>>, vector<16xf32>,
      tpu.vector_store %arg9[%swap3A_366, %swap3A_367], %add3A_365 {strides = array<i32>} : memref<32x768xf32, #tpu.memory_space<vmem>>, vector<16xf32>,
      %get3A_369 = arith.index_cast %scan3A_70 : i32 to index
      %get3A_370 = arith.constant 480 : index
      %get3A_371 = tpu.vector_load %arg9[%get3A_369, %get3A_370] {strides = array<i32>} : memref<32x768xf32, #tpu.memory_space<vmem>>, vector<16xf32>,
      %get3A_372 = arith.index_cast %scan3A_70 : i32 to index
      %get3A_373 = arith.constant 480 : index
      %get3A_374 = tpu.vector_load %arg11[%get3A_372, %get3A_373] {strides = array<i32>} : memref<32x768xf32, #tpu.memory_space<vmem>>, vector<16xf32>,
      %add3A_375 = arith.addf %get3A_371, %get3A_374 : vector<16xf32>
      %swap3A_376 = arith.index_cast %scan3A_70 : i32 to index
      %swap3A_377 = arith.constant 480 : index
      %swap3A_378 = tpu.vector_load %arg9[%swap3A_376, %swap3A_377] {strides = array<i32>} : memref<32x768xf32, #tpu.memory_space<vmem>>, vector<16xf32>,
      tpu.vector_store %arg9[%swap3A_376, %swap3A_377], %add3A_375 {strides = array<i32>} : memref<32x768xf32, #tpu.memory_space<vmem>>, vector<16xf32>,
      %get3A_379 = arith.index_cast %scan3A_70 : i32 to index
      %get3A_380 = arith.constant 496 : index
      %get3A_381 = tpu.vector_load %arg9[%get3A_379, %get3A_380] {strides = array<i32>} : memref<32x768xf32, #tpu.memory_space<vmem>>, vector<16xf32>,
      %get3A_382 = arith.index_cast %scan3A_70 : i32 to index
      %get3A_383 = arith.constant 496 : index
      %get3A_384 = tpu.vector_load %arg11[%get3A_382, %get3A_383] {strides = array<i32>} : memref<32x768xf32, #tpu.memory_space<vmem>>, vector<16xf32>,
      %add3A_385 = arith.addf %get3A_381, %get3A_384 : vector<16xf32>
      %swap3A_386 = arith.index_cast %scan3A_70 : i32 to index
      %swap3A_387 = arith.constant 496 : index
      %swap3A_388 = tpu.vector_load %arg9[%swap3A_386, %swap3A_387] {strides = array<i32>} : memref<32x768xf32, #tpu.memory_space<vmem>>, vector<16xf32>,
      tpu.vector_store %arg9[%swap3A_386, %swap3A_387], %add3A_385 {strides = array<i32>} : memref<32x768xf32, #tpu.memory_space<vmem>>, vector<16xf32>,
      %get3A_389 = arith.index_cast %scan3A_70 : i32 to index
      %get3A_390 = arith.constant 512 : index
      %get3A_391 = tpu.vector_load %arg9[%get3A_389, %get3A_390] {strides = array<i32>} : memref<32x768xf32, #tpu.memory_space<vmem>>, vector<16xf32>,
      %get3A_392 = arith.index_cast %scan3A_70 : i32 to index
      %get3A_393 = arith.constant 512 : index
      %get3A_394 = tpu.vector_load %arg11[%get3A_392, %get3A_393] {strides = array<i32>} : memref<32x768xf32, #tpu.memory_space<vmem>>, vector<16xf32>,
      %add3A_395 = arith.addf %get3A_391, %get3A_394 : vector<16xf32>
      %swap3A_396 = arith.index_cast %scan3A_70 : i32 to index
      %swap3A_397 = arith.constant 512 : index
      %swap3A_398 = tpu.vector_load %arg9[%swap3A_396, %swap3A_397] {strides = array<i32>} : memref<32x768xf32, #tpu.memory_space<vmem>>, vector<16xf32>,
      tpu.vector_store %arg9[%swap3A_396, %swap3A_397], %add3A_395 {strides = array<i32>} : memref<32x768xf32, #tpu.memory_space<vmem>>, vector<16xf32>,
      %get3A_399 = arith.index_cast %scan3A_70 : i32 to index
      %get3A_400 = arith.constant 528 : index
      %get3A_401 = tpu.vector_load %arg9[%get3A_399, %get3A_400] {strides = array<i32>} : memref<32x768xf32, #tpu.memory_space<vmem>>, vector<16xf32>,
      %get3A_402 = arith.index_cast %scan3A_70 : i32 to index
      %get3A_403 = arith.constant 528 : index
      %get3A_404 = tpu.vector_load %arg11[%get3A_402, %get3A_403] {strides = array<i32>} : memref<32x768xf32, #tpu.memory_space<vmem>>, vector<16xf32>,
      %add3A_405 = arith.addf %get3A_401, %get3A_404 : vector<16xf32>
      %swap3A_406 = arith.index_cast %scan3A_70 : i32 to index
      %swap3A_407 = arith.constant 528 : index
      %swap3A_408 = tpu.vector_load %arg9[%swap3A_406, %swap3A_407] {strides = array<i32>} : memref<32x768xf32, #tpu.memory_space<vmem>>, vector<16xf32>,
      tpu.vector_store %arg9[%swap3A_406, %swap3A_407], %add3A_405 {strides = array<i32>} : memref<32x768xf32, #tpu.memory_space<vmem>>, vector<16xf32>,
      %get3A_409 = arith.index_cast %scan3A_70 : i32 to index
      %get3A_410 = arith.constant 544 : index
      %get3A_411 = tpu.vector_load %arg9[%get3A_409, %get3A_410] {strides = array<i32>} : memref<32x768xf32, #tpu.memory_space<vmem>>, vector<16xf32>,
      %get3A_412 = arith.index_cast %scan3A_70 : i32 to index
      %get3A_413 = arith.constant 544 : index
      %get3A_414 = tpu.vector_load %arg11[%get3A_412, %get3A_413] {strides = array<i32>} : memref<32x768xf32, #tpu.memory_space<vmem>>, vector<16xf32>,
      %add3A_415 = arith.addf %get3A_411, %get3A_414 : vector<16xf32>
      %swap3A_416 = arith.index_cast %scan3A_70 : i32 to index
      %swap3A_417 = arith.constant 544 : index
      %swap3A_418 = tpu.vector_load %arg9[%swap3A_416, %swap3A_417] {strides = array<i32>} : memref<32x768xf32, #tpu.memory_space<vmem>>, vector<16xf32>,
      tpu.vector_store %arg9[%swap3A_416, %swap3A_417], %add3A_415 {strides = array<i32>} : memref<32x768xf32, #tpu.memory_space<vmem>>, vector<16xf32>,
      %get3A_419 = arith.index_cast %scan3A_70 : i32 to index
      %get3A_420 = arith.constant 560 : index
      %get3A_421 = tpu.vector_load %arg9[%get3A_419, %get3A_420] {strides = array<i32>} : memref<32x768xf32, #tpu.memory_space<vmem>>, vector<16xf32>,
      %get3A_422 = arith.index_cast %scan3A_70 : i32 to index
      %get3A_423 = arith.constant 560 : index
      %get3A_424 = tpu.vector_load %arg11[%get3A_422, %get3A_423] {strides = array<i32>} : memref<32x768xf32, #tpu.memory_space<vmem>>, vector<16xf32>,
      %add3A_425 = arith.addf %get3A_421, %get3A_424 : vector<16xf32>
      %swap3A_426 = arith.index_cast %scan3A_70 : i32 to index
      %swap3A_427 = arith.constant 560 : index
      %swap3A_428 = tpu.vector_load %arg9[%swap3A_426, %swap3A_427] {strides = array<i32>} : memref<32x768xf32, #tpu.memory_space<vmem>>, vector<16xf32>,
      tpu.vector_store %arg9[%swap3A_426, %swap3A_427], %add3A_425 {strides = array<i32>} : memref<32x768xf32, #tpu.memory_space<vmem>>, vector<16xf32>,
      %get3A_429 = arith.index_cast %scan3A_70 : i32 to index
      %get3A_430 = arith.constant 576 : index
      %get3A_431 = tpu.vector_load %arg9[%get3A_429, %get3A_430] {strides = array<i32>} : memref<32x768xf32, #tpu.memory_space<vmem>>, vector<16xf32>,
      %get3A_432 = arith.index_cast %scan3A_70 : i32 to index
      %get3A_433 = arith.constant 576 : index
      %get3A_434 = tpu.vector_load %arg11[%get3A_432, %get3A_433] {strides = array<i32>} : memref<32x768xf32, #tpu.memory_space<vmem>>, vector<16xf32>,
      %add3A_435 = arith.addf %get3A_431, %get3A_434 : vector<16xf32>
      %swap3A_436 = arith.index_cast %scan3A_70 : i32 to index
      %swap3A_437 = arith.constant 576 : index
      %swap3A_438 = tpu.vector_load %arg9[%swap3A_436, %swap3A_437] {strides = array<i32>} : memref<32x768xf32, #tpu.memory_space<vmem>>, vector<16xf32>,
      tpu.vector_store %arg9[%swap3A_436, %swap3A_437], %add3A_435 {strides = array<i32>} : memref<32x768xf32, #tpu.memory_space<vmem>>, vector<16xf32>,
      %get3A_439 = arith.index_cast %scan3A_70 : i32 to index
      %get3A_440 = arith.constant 592 : index
      %get3A_441 = tpu.vector_load %arg9[%get3A_439, %get3A_440] {strides = array<i32>} : memref<32x768xf32, #tpu.memory_space<vmem>>, vector<16xf32>,
      %get3A_442 = arith.index_cast %scan3A_70 : i32 to index
      %get3A_443 = arith.constant 592 : index
      %get3A_444 = tpu.vector_load %arg11[%get3A_442, %get3A_443] {strides = array<i32>} : memref<32x768xf32, #tpu.memory_space<vmem>>, vector<16xf32>,
      %add3A_445 = arith.addf %get3A_441, %get3A_444 : vector<16xf32>
      %swap3A_446 = arith.index_cast %scan3A_70 : i32 to index
      %swap3A_447 = arith.constant 592 : index
      %swap3A_448 = tpu.vector_load %arg9[%swap3A_446, %swap3A_447] {strides = array<i32>} : memref<32x768xf32, #tpu.memory_space<vmem>>, vector<16xf32>,
      tpu.vector_store %arg9[%swap3A_446, %swap3A_447], %add3A_445 {strides = array<i32>} : memref<32x768xf32, #tpu.memory_space<vmem>>, vector<16xf32>,
      %get3A_449 = arith.index_cast %scan3A_70 : i32 to index
      %get3A_450 = arith.constant 608 : index
      %get3A_451 = tpu.vector_load %arg9[%get3A_449, %get3A_450] {strides = array<i32>} : memref<32x768xf32, #tpu.memory_space<vmem>>, vector<16xf32>,
      %get3A_452 = arith.index_cast %scan3A_70 : i32 to index
      %get3A_453 = arith.constant 608 : index
      %get3A_454 = tpu.vector_load %arg11[%get3A_452, %get3A_453] {strides = array<i32>} : memref<32x768xf32, #tpu.memory_space<vmem>>, vector<16xf32>,
      %add3A_455 = arith.addf %get3A_451, %get3A_454 : vector<16xf32>
      %swap3A_456 = arith.index_cast %scan3A_70 : i32 to index
      %swap3A_457 = arith.constant 608 : index
      %swap3A_458 = tpu.vector_load %arg9[%swap3A_456, %swap3A_457] {strides = array<i32>} : memref<32x768xf32, #tpu.memory_space<vmem>>, vector<16xf32>,
      tpu.vector_store %arg9[%swap3A_456, %swap3A_457], %add3A_455 {strides = array<i32>} : memref<32x768xf32, #tpu.memory_space<vmem>>, vector<16xf32>,
      %get3A_459 = arith.index_cast %scan3A_70 : i32 to index
      %get3A_460 = arith.constant 624 : index
      %get3A_461 = tpu.vector_load %arg9[%get3A_459, %get3A_460] {strides = array<i32>} : memref<32x768xf32, #tpu.memory_space<vmem>>, vector<16xf32>,
      %get3A_462 = arith.index_cast %scan3A_70 : i32 to index
      %get3A_463 = arith.constant 624 : index
      %get3A_464 = tpu.vector_load %arg11[%get3A_462, %get3A_463] {strides = array<i32>} : memref<32x768xf32, #tpu.memory_space<vmem>>, vector<16xf32>,
      %add3A_465 = arith.addf %get3A_461, %get3A_464 : vector<16xf32>
      %swap3A_466 = arith.index_cast %scan3A_70 : i32 to index
      %swap3A_467 = arith.constant 624 : index
      %swap3A_468 = tpu.vector_load %arg9[%swap3A_466, %swap3A_467] {strides = array<i32>} : memref<32x768xf32, #tpu.memory_space<vmem>>, vector<16xf32>,
      tpu.vector_store %arg9[%swap3A_466, %swap3A_467], %add3A_465 {strides = array<i32>} : memref<32x768xf32, #tpu.memory_space<vmem>>, vector<16xf32>,
      %get3A_469 = arith.index_cast %scan3A_70 : i32 to index
      %get3A_470 = arith.constant 640 : index
      %get3A_471 = tpu.vector_load %arg9[%get3A_469, %get3A_470] {strides = array<i32>} : memref<32x768xf32, #tpu.memory_space<vmem>>, vector<16xf32>,
      %get3A_472 = arith.index_cast %scan3A_70 : i32 to index
      %get3A_473 = arith.constant 640 : index
      %get3A_474 = tpu.vector_load %arg11[%get3A_472, %get3A_473] {strides = array<i32>} : memref<32x768xf32, #tpu.memory_space<vmem>>, vector<16xf32>,
      %add3A_475 = arith.addf %get3A_471, %get3A_474 : vector<16xf32>
      %swap3A_476 = arith.index_cast %scan3A_70 : i32 to index
      %swap3A_477 = arith.constant 640 : index
      %swap3A_478 = tpu.vector_load %arg9[%swap3A_476, %swap3A_477] {strides = array<i32>} : memref<32x768xf32, #tpu.memory_space<vmem>>, vector<16xf32>,
      tpu.vector_store %arg9[%swap3A_476, %swap3A_477], %add3A_475 {strides = array<i32>} : memref<32x768xf32, #tpu.memory_space<vmem>>, vector<16xf32>,
      %get3A_479 = arith.index_cast %scan3A_70 : i32 to index
      %get3A_480 = arith.constant 656 : index
      %get3A_481 = tpu.vector_load %arg9[%get3A_479, %get3A_480] {strides = array<i32>} : memref<32x768xf32, #tpu.memory_space<vmem>>, vector<16xf32>,
      %get3A_482 = arith.index_cast %scan3A_70 : i32 to index
      %get3A_483 = arith.constant 656 : index
      %get3A_484 = tpu.vector_load %arg11[%get3A_482, %get3A_483] {strides = array<i32>} : memref<32x768xf32, #tpu.memory_space<vmem>>, vector<16xf32>,
      %add3A_485 = arith.addf %get3A_481, %get3A_484 : vector<16xf32>
      %swap3A_486 = arith.index_cast %scan3A_70 : i32 to index
      %swap3A_487 = arith.constant 656 : index
      %swap3A_488 = tpu.vector_load %arg9[%swap3A_486, %swap3A_487] {strides = array<i32>} : memref<32x768xf32, #tpu.memory_space<vmem>>, vector<16xf32>,
      tpu.vector_store %arg9[%swap3A_486, %swap3A_487], %add3A_485 {strides = array<i32>} : memref<32x768xf32, #tpu.memory_space<vmem>>, vector<16xf32>,
      %get3A_489 = arith.index_cast %scan3A_70 : i32 to index
      %get3A_490 = arith.constant 672 : index
      %get3A_491 = tpu.vector_load %arg9[%get3A_489, %get3A_490] {strides = array<i32>} : memref<32x768xf32, #tpu.memory_space<vmem>>, vector<16xf32>,
      %get3A_492 = arith.index_cast %scan3A_70 : i32 to index
      %get3A_493 = arith.constant 672 : index
      %get3A_494 = tpu.vector_load %arg11[%get3A_492, %get3A_493] {strides = array<i32>} : memref<32x768xf32, #tpu.memory_space<vmem>>, vector<16xf32>,
      %add3A_495 = arith.addf %get3A_491, %get3A_494 : vector<16xf32>
      %swap3A_496 = arith.index_cast %scan3A_70 : i32 to index
      %swap3A_497 = arith.constant 672 : index
      %swap3A_498 = tpu.vector_load %arg9[%swap3A_496, %swap3A_497] {strides = array<i32>} : memref<32x768xf32, #tpu.memory_space<vmem>>, vector<16xf32>,
      tpu.vector_store %arg9[%swap3A_496, %swap3A_497], %add3A_495 {strides = array<i32>} : memref<32x768xf32, #tpu.memory_space<vmem>>, vector<16xf32>,
      %get3A_499 = arith.index_cast %scan3A_70 : i32 to index
      %get3A_500 = arith.constant 688 : index
      %get3A_501 = tpu.vector_load %arg9[%get3A_499, %get3A_500] {strides = array<i32>} : memref<32x768xf32, #tpu.memory_space<vmem>>, vector<16xf32>,
      %get3A_502 = arith.index_cast %scan3A_70 : i32 to index
      %get3A_503 = arith.constant 688 : index
      %get3A_504 = tpu.vector_load %arg11[%get3A_502, %get3A_503] {strides = array<i32>} : memref<32x768xf32, #tpu.memory_space<vmem>>, vector<16xf32>,
      %add3A_505 = arith.addf %get3A_501, %get3A_504 : vector<16xf32>
      %swap3A_506 = arith.index_cast %scan3A_70 : i32 to index
      %swap3A_507 = arith.constant 688 : index
      %swap3A_508 = tpu.vector_load %arg9[%swap3A_506, %swap3A_507] {strides = array<i32>} : memref<32x768xf32, #tpu.memory_space<vmem>>, vector<16xf32>,
      tpu.vector_store %arg9[%swap3A_506, %swap3A_507], %add3A_505 {strides = array<i32>} : memref<32x768xf32, #tpu.memory_space<vmem>>, vector<16xf32>,
      %get3A_509 = arith.index_cast %scan3A_70 : i32 to index
      %get3A_510 = arith.constant 704 : index
      %get3A_511 = tpu.vector_load %arg9[%get3A_509, %get3A_510] {strides = array<i32>} : memref<32x768xf32, #tpu.memory_space<vmem>>, vector<16xf32>,
      %get3A_512 = arith.index_cast %scan3A_70 : i32 to index
      %get3A_513 = arith.constant 704 : index
      %get3A_514 = tpu.vector_load %arg11[%get3A_512, %get3A_513] {strides = array<i32>} : memref<32x768xf32, #tpu.memory_space<vmem>>, vector<16xf32>,
      %add3A_515 = arith.addf %get3A_511, %get3A_514 : vector<16xf32>
      %swap3A_516 = arith.index_cast %scan3A_70 : i32 to index
      %swap3A_517 = arith.constant 704 : index
      %swap3A_518 = tpu.vector_load %arg9[%swap3A_516, %swap3A_517] {strides = array<i32>} : memref<32x768xf32, #tpu.memory_space<vmem>>, vector<16xf32>,
      tpu.vector_store %arg9[%swap3A_516, %swap3A_517], %add3A_515 {strides = array<i32>} : memref<32x768xf32, #tpu.memory_space<vmem>>, vector<16xf32>,
      %get3A_519 = arith.index_cast %scan3A_70 : i32 to index
      %get3A_520 = arith.constant 720 : index
      %get3A_521 = tpu.vector_load %arg9[%get3A_519, %get3A_520] {strides = array<i32>} : memref<32x768xf32, #tpu.memory_space<vmem>>, vector<16xf32>,
      %get3A_522 = arith.index_cast %scan3A_70 : i32 to index
      %get3A_523 = arith.constant 720 : index
      %get3A_524 = tpu.vector_load %arg11[%get3A_522, %get3A_523] {strides = array<i32>} : memref<32x768xf32, #tpu.memory_space<vmem>>, vector<16xf32>,
      %add3A_525 = arith.addf %get3A_521, %get3A_524 : vector<16xf32>
      %swap3A_526 = arith.index_cast %scan3A_70 : i32 to index
      %swap3A_527 = arith.constant 720 : index
      %swap3A_528 = tpu.vector_load %arg9[%swap3A_526, %swap3A_527] {strides = array<i32>} : memref<32x768xf32, #tpu.memory_space<vmem>>, vector<16xf32>,
      tpu.vector_store %arg9[%swap3A_526, %swap3A_527], %add3A_525 {strides = array<i32>} : memref<32x768xf32, #tpu.memory_space<vmem>>, vector<16xf32>,
      %get3A_529 = arith.index_cast %scan3A_70 : i32 to index
      %get3A_530 = arith.constant 736 : index
      %get3A_531 = tpu.vector_load %arg9[%get3A_529, %get3A_530] {strides = array<i32>} : memref<32x768xf32, #tpu.memory_space<vmem>>, vector<16xf32>,
      %get3A_532 = arith.index_cast %scan3A_70 : i32 to index
      %get3A_533 = arith.constant 736 : index
      %get3A_534 = tpu.vector_load %arg11[%get3A_532, %get3A_533] {strides = array<i32>} : memref<32x768xf32, #tpu.memory_space<vmem>>, vector<16xf32>,
      %add3A_535 = arith.addf %get3A_531, %get3A_534 : vector<16xf32>
      %swap3A_536 = arith.index_cast %scan3A_70 : i32 to index
      %swap3A_537 = arith.constant 736 : index
      %swap3A_538 = tpu.vector_load %arg9[%swap3A_536, %swap3A_537] {strides = array<i32>} : memref<32x768xf32, #tpu.memory_space<vmem>>, vector<16xf32>,
      tpu.vector_store %arg9[%swap3A_536, %swap3A_537], %add3A_535 {strides = array<i32>} : memref<32x768xf32, #tpu.memory_space<vmem>>, vector<16xf32>,
      %get3A_539 = arith.index_cast %scan3A_70 : i32 to index
      %get3A_540 = arith.constant 752 : index
      %get3A_541 = tpu.vector_load %arg9[%get3A_539, %get3A_540] {strides = array<i32>} : memref<32x768xf32, #tpu.memory_space<vmem>>, vector<16xf32>,
      %get3A_542 = arith.index_cast %scan3A_70 : i32 to index
      %get3A_543 = arith.constant 752 : index
      %get3A_544 = tpu.vector_load %arg11[%get3A_542, %get3A_543] {strides = array<i32>} : memref<32x768xf32, #tpu.memory_space<vmem>>, vector<16xf32>,
      %add3A_545 = arith.addf %get3A_541, %get3A_544 : vector<16xf32>
      %swap3A_546 = arith.index_cast %scan3A_70 : i32 to index
      %swap3A_547 = arith.constant 752 : index
      %swap3A_548 = tpu.vector_load %arg9[%swap3A_546, %swap3A_547] {strides = array<i32>} : memref<32x768xf32, #tpu.memory_space<vmem>>, vector<16xf32>,
      tpu.vector_store %arg9[%swap3A_546, %swap3A_547], %add3A_545 {strides = array<i32>} : memref<32x768xf32, #tpu.memory_space<vmem>>, vector<16xf32>,
    }
    %scan3A_55 = arith.constant 32 : i32
    %add3A_56 = arith.constant 32 : i32
    %add3A_57 = arith.addi %mul3A_2, %add3A_56 : i32
    %dma_start3A_58 = arith.constant 0 : i32
    %dma_start3A_59 = tpu.memref_slice %arg5[%add3A_57, %dma_start3A_58] : memref<2048x768xf32, #tpu.memory_space<hbm>> -> memref<32x768xf32, #tpu.memory_space<hbm>>
    %dma_start3A_60 = arith.constant 0 : i32
    %dma_start3A_61 = tpu.memref_slice %arg5[%add3A_57, %dma_start3A_60] : memref<2048x768xf32, #tpu.memory_space<hbm>> -> memref<32x768xf32, #tpu.memory_space<hbm>>
    tpu.enqueue_dma source(%arg9 : memref<32x768xf32, #tpu.memory_space<vmem>>) target(%dma_start3A_61 : memref<32x768xf32, #tpu.memory_space<hbm>>) target_semaphore(%arg16 : memref<!tpu.dma_semaphore, #tpu.memory_space<semaphore_mem>>)
    %dma_wait3A_62 = arith.constant 0 : i32
    %dma_wait3A_63 = tpu.memref_slice %arg5[%add3A_36, %dma_wait3A_62] : memref<2048x768xf32, #tpu.memory_space<hbm>> -> memref<32x768xf32, #tpu.memory_space<hbm>>
    %dma_wait3A_64 = arith.constant 0 : i32
    %dma_wait3A_65 = tpu.memref_slice %arg5[%add3A_36, %dma_wait3A_64] : memref<2048x768xf32, #tpu.memory_space<hbm>> -> memref<32x768xf32, #tpu.memory_space<hbm>>
    tpu.wait_dma2 semaphore(%arg16 : memref<!tpu.dma_semaphore, #tpu.memory_space<semaphore_mem>>) src(%arg8 : memref<32x768xf32, #tpu.memory_space<vmem>>) dst(%dma_wait3A_65 : memref<32x768xf32, #tpu.memory_space<hbm>>)
    %dma_wait3A_66 = arith.constant 0 : i32
    %dma_wait3A_67 = tpu.memref_slice %arg5[%add3A_57, %dma_wait3A_66] : memref<2048x768xf32, #tpu.memory_space<hbm>> -> memref<32x768xf32, #tpu.memory_space<hbm>>
    %dma_wait3A_68 = arith.constant 0 : i32
    %dma_wait3A_69 = tpu.memref_slice %arg5[%add3A_57, %dma_wait3A_68] : memref<2048x768xf32, #tpu.memory_space<hbm>> -> memref<32x768xf32, #tpu.memory_space<hbm>>
    tpu.wait_dma2 semaphore(%arg16 : memref<!tpu.dma_semaphore, #tpu.memory_space<semaphore_mem>>) src(%arg9 : memref<32x768xf32, #tpu.memory_space<vmem>>) dst(%dma_wait3A_69 : memref<32x768xf32, #tpu.memory_space<hbm>>)
    return
  }
}

#map = affine_map<(d0, d1) -> (0)>
module attributes {stable_mosaic.version = 14 : i64} {
  func.func @_dispatch_body(%arg0: i32, %arg1: i32, %arg2: memref<2048xi32, #tpu.memory_space<hbm>>, %arg3: memref<2048xi32, #tpu.memory_space<hbm>>, %arg4: memref<2048xi32, #tpu.memory_space<hbm>>, %arg5: memref<2048xi32, #tpu.memory_space<hbm>>, %arg6: memref<2048xf32, #tpu.memory_space<hbm>>, %arg7: memref<2048xf32, #tpu.memory_space<hbm>>, %arg8: memref<16xi32, #tpu.memory_space<hbm>>, %arg9: memref<6144xi32, #tpu.memory_space<hbm>>, %arg10: memref<6144xf32, #tpu.memory_space<hbm>>, %arg11: memref<2048xi32, #tpu.memory_space<hbm>>, %arg12: memref<2048xi32, #tpu.memory_space<hbm>>, %arg13: memref<32xi32, #tpu.memory_space<hbm>>, %arg14: memref<32xi32, #tpu.memory_space<hbm>>, %arg15: memref<2048xi32, #tpu.memory_space<vmem>>, %arg16: memref<2048xi32, #tpu.memory_space<vmem>>, %arg17: memref<2048xi32, #tpu.memory_space<vmem>>, %arg18: memref<2048xi32, #tpu.memory_space<vmem>>, %arg19: memref<2048xf32, #tpu.memory_space<vmem>>, %arg20: memref<2048xf32, #tpu.memory_space<vmem>>, %arg21: memref<16xi32, #tpu.memory_space<vmem>>, %arg22: memref<16xi32, #tpu.memory_space<vmem>>, %arg23: memref<16xi32, #tpu.memory_space<vmem>>, %arg24: memref<16xi32, #tpu.memory_space<vmem>>, %arg25: memref<6144xi32, #tpu.memory_space<vmem>>, %arg26: memref<6144xf32, #tpu.memory_space<vmem>>, %arg27: memref<2048xi32, #tpu.memory_space<vmem>>, %arg28: memref<2048xi32, #tpu.memory_space<vmem>>, %arg29: memref<32xi32, #tpu.memory_space<vmem>>, %arg30: memref<32xi32, #tpu.memory_space<vmem>>) attributes {dimension_semantics = [#tpu.dimension_semantics<core_parallel>, #tpu.dimension_semantics<subcore_parallel>], iteration_bounds = array<i64: 2, 16>, scalar_prefetch = 0 : i64, scratch_operands = 16 : i64, tpu.core_type = #tpu.core_type<sc_vector_subcore>, window_params = [{transform_indices = #map}, {transform_indices = #map}, {transform_indices = #map}, {transform_indices = #map}, {transform_indices = #map}, {transform_indices = #map}, {transform_indices = #map}, {transform_indices = #map}, {transform_indices = #map}, {transform_indices = #map}, {transform_indices = #map}, {transform_indices = #map}, {transform_indices = #map}]} {
    %mul3A = arith.constant 2 : i32
    %mul3A_0 = arith.muli %arg1, %mul3A : i32
    %add3A = arith.addi %mul3A_0, %arg0 : i32
    %eq3A = arith.constant 0 : i32
    %eq3A_1 = arith.cmpi eq, %add3A, %eq3A : i32
    %convert_element_type3A = arith.extui %eq3A_1 : i1 to i32
    %cond3A = arith.constant 0 : i32
    %cond3A_2 = arith.cmpi ne, %convert_element_type3A, %cond3A : i32
    scf.if %cond3A_2 {
      "tpu.region"() ({
        %run_scoped3A = tpu.sem_alloc : memref<!tpu.dma_semaphore, #tpu.memory_space<semaphore_mem>>
        tpu.enqueue_dma source(%arg2 : memref<2048xi32, #tpu.memory_space<hbm>>) target(%arg15 : memref<2048xi32, #tpu.memory_space<vmem>>) target_semaphore(%run_scoped3A : memref<!tpu.dma_semaphore, #tpu.memory_space<semaphore_mem>>)
        tpu.wait_dma2 semaphore(%run_scoped3A : memref<!tpu.dma_semaphore, #tpu.memory_space<semaphore_mem>>) src(%arg2 : memref<2048xi32, #tpu.memory_space<hbm>>) dst(%arg15 : memref<2048xi32, #tpu.memory_space<vmem>>)
        tpu.yield
      }) : () -> ()
      "tpu.region"() ({
        %run_scoped3A = tpu.sem_alloc : memref<!tpu.dma_semaphore, #tpu.memory_space<semaphore_mem>>
        tpu.enqueue_dma source(%arg3 : memref<2048xi32, #tpu.memory_space<hbm>>) target(%arg16 : memref<2048xi32, #tpu.memory_space<vmem>>) target_semaphore(%run_scoped3A : memref<!tpu.dma_semaphore, #tpu.memory_space<semaphore_mem>>)
        tpu.wait_dma2 semaphore(%run_scoped3A : memref<!tpu.dma_semaphore, #tpu.memory_space<semaphore_mem>>) src(%arg3 : memref<2048xi32, #tpu.memory_space<hbm>>) dst(%arg16 : memref<2048xi32, #tpu.memory_space<vmem>>)
        tpu.yield
      }) : () -> ()
      "tpu.region"() ({
        %run_scoped3A = tpu.sem_alloc : memref<!tpu.dma_semaphore, #tpu.memory_space<semaphore_mem>>
        tpu.enqueue_dma source(%arg4 : memref<2048xi32, #tpu.memory_space<hbm>>) target(%arg17 : memref<2048xi32, #tpu.memory_space<vmem>>) target_semaphore(%run_scoped3A : memref<!tpu.dma_semaphore, #tpu.memory_space<semaphore_mem>>)
        tpu.wait_dma2 semaphore(%run_scoped3A : memref<!tpu.dma_semaphore, #tpu.memory_space<semaphore_mem>>) src(%arg4 : memref<2048xi32, #tpu.memory_space<hbm>>) dst(%arg17 : memref<2048xi32, #tpu.memory_space<vmem>>)
        tpu.yield
      }) : () -> ()
      "tpu.region"() ({
        %run_scoped3A = tpu.sem_alloc : memref<!tpu.dma_semaphore, #tpu.memory_space<semaphore_mem>>
        tpu.enqueue_dma source(%arg5 : memref<2048xi32, #tpu.memory_space<hbm>>) target(%arg18 : memref<2048xi32, #tpu.memory_space<vmem>>) target_semaphore(%run_scoped3A : memref<!tpu.dma_semaphore, #tpu.memory_space<semaphore_mem>>)
        tpu.wait_dma2 semaphore(%run_scoped3A : memref<!tpu.dma_semaphore, #tpu.memory_space<semaphore_mem>>) src(%arg5 : memref<2048xi32, #tpu.memory_space<hbm>>) dst(%arg18 : memref<2048xi32, #tpu.memory_space<vmem>>)
        tpu.yield
      }) : () -> ()
      "tpu.region"() ({
        %run_scoped3A = tpu.sem_alloc : memref<!tpu.dma_semaphore, #tpu.memory_space<semaphore_mem>>
        tpu.enqueue_dma source(%arg6 : memref<2048xf32, #tpu.memory_space<hbm>>) target(%arg19 : memref<2048xf32, #tpu.memory_space<vmem>>) target_semaphore(%run_scoped3A : memref<!tpu.dma_semaphore, #tpu.memory_space<semaphore_mem>>)
        tpu.wait_dma2 semaphore(%run_scoped3A : memref<!tpu.dma_semaphore, #tpu.memory_space<semaphore_mem>>) src(%arg6 : memref<2048xf32, #tpu.memory_space<hbm>>) dst(%arg19 : memref<2048xf32, #tpu.memory_space<vmem>>)
        tpu.yield
      }) : () -> ()
      "tpu.region"() ({
        %run_scoped3A = tpu.sem_alloc : memref<!tpu.dma_semaphore, #tpu.memory_space<semaphore_mem>>
        tpu.enqueue_dma source(%arg7 : memref<2048xf32, #tpu.memory_space<hbm>>) target(%arg20 : memref<2048xf32, #tpu.memory_space<vmem>>) target_semaphore(%run_scoped3A : memref<!tpu.dma_semaphore, #tpu.memory_space<semaphore_mem>>)
        tpu.wait_dma2 semaphore(%run_scoped3A : memref<!tpu.dma_semaphore, #tpu.memory_space<semaphore_mem>>) src(%arg7 : memref<2048xf32, #tpu.memory_space<hbm>>) dst(%arg20 : memref<2048xf32, #tpu.memory_space<vmem>>)
        tpu.yield
      }) : () -> ()
      "tpu.region"() ({
        %run_scoped3A = tpu.sem_alloc : memref<!tpu.dma_semaphore, #tpu.memory_space<semaphore_mem>>
        tpu.enqueue_dma source(%arg8 : memref<16xi32, #tpu.memory_space<hbm>>) target(%arg21 : memref<16xi32, #tpu.memory_space<vmem>>) target_semaphore(%run_scoped3A : memref<!tpu.dma_semaphore, #tpu.memory_space<semaphore_mem>>)
        tpu.wait_dma2 semaphore(%run_scoped3A : memref<!tpu.dma_semaphore, #tpu.memory_space<semaphore_mem>>) src(%arg8 : memref<16xi32, #tpu.memory_space<hbm>>) dst(%arg21 : memref<16xi32, #tpu.memory_space<vmem>>)
        tpu.yield
      }) : () -> ()
      %iota3A = tpu.iota {dimensions = array<i32: 0>} : vector<16xi32>
      %get3A = arith.constant 0 : index
      %get3A_3 = tpu.vector_load %arg21[%get3A] {strides = array<i32>} : memref<16xi32, #tpu.memory_space<vmem>>, vector<16xi32>,
      %add3A_4 = arith.constant 255 : i32
      %add3A_5 = vector.broadcast %add3A_4 : i32 to vector<16xi32>
      %add3A_6 = arith.addi %get3A_3, %add3A_5 : vector<16xi32>
      %and3A = arith.constant -256 : i32
      %and3A_7 = vector.broadcast %and3A : i32 to vector<16xi32>
      %and3A_8 = arith.andi %add3A_6, %and3A_7 : vector<16xi32>
      %swap3A = arith.constant 0 : index
      %swap3A_9 = tpu.vector_load %arg22[%swap3A] {strides = array<i32>} : memref<16xi32, #tpu.memory_space<vmem>>, vector<16xi32>,
      tpu.vector_store %arg22[%swap3A], %and3A_8 {strides = array<i32>} : memref<16xi32, #tpu.memory_space<vmem>>, vector<16xi32>,
      %broadcast_in_dim3A = arith.constant true
      %broadcast_in_dim3A_10 = vector.broadcast %broadcast_in_dim3A : i1 to vector<16xi1>
      %masked_cumsum3A = tpu.scan <sum>, %and3A_8 masked %broadcast_in_dim3A_10 : vector<16xi32>, vector<16xi1> -> vector<16xi32>
      %sub3A = arith.subi %masked_cumsum3A, %and3A_8 : vector<16xi32>
      %swap3A_11 = arith.constant 0 : index
      %swap3A_12 = tpu.vector_load %arg23[%swap3A_11] {strides = array<i32>} : memref<16xi32, #tpu.memory_space<vmem>>, vector<16xi32>,
      tpu.vector_store %arg23[%swap3A_11], %sub3A {strides = array<i32>} : memref<16xi32, #tpu.memory_space<vmem>>, vector<16xi32>,
      %swap3A_13 = arith.constant 0 : index
      %swap3A_14 = tpu.vector_load %arg24[%swap3A_13] {strides = array<i32>} : memref<16xi32, #tpu.memory_space<vmem>>, vector<16xi32>,
      tpu.vector_store %arg24[%swap3A_13], %masked_cumsum3A {strides = array<i32>} : memref<16xi32, #tpu.memory_space<vmem>>, vector<16xi32>,
      %eq3A_15 = arith.constant 0 : i32
      %eq3A_16 = vector.broadcast %eq3A_15 : i32 to vector<16xi32>
      %eq3A_17 = arith.cmpi eq, %iota3A, %eq3A_16 : vector<16xi32>
      %jit3A = arith.constant 0 : i32
      %broadcast_in_dim3A_18 = vector.broadcast %jit3A : i32 to vector<16xi32>
      %select_n3A = arith.select %eq3A_17, %sub3A, %broadcast_in_dim3A_18 : vector<16xi1>, vector<16xi32>
      %reduce_sum3A = arith.constant true
      %reduce_sum3A_19 = vector.broadcast %reduce_sum3A : i1 to vector<16xi1>
      %reduce_sum3A_20 = tpu.scan <sum>, %select_n3A masked %reduce_sum3A_19 : vector<16xi32>, vector<16xi1> -> vector<16xi32>
      %reduce_sum3A_21 = vector.extract %reduce_sum3A_20[15] : i32 from vector<16xi32>
      %eq3A_22 = arith.constant 1 : i32
      %eq3A_23 = vector.broadcast %eq3A_22 : i32 to vector<16xi32>
      %eq3A_24 = arith.cmpi eq, %iota3A, %eq3A_23 : vector<16xi32>
      %jit3A_25 = arith.constant 0 : i32
      %broadcast_in_dim3A_26 = vector.broadcast %jit3A_25 : i32 to vector<16xi32>
      %select_n3A_27 = arith.select %eq3A_24, %sub3A, %broadcast_in_dim3A_26 : vector<16xi1>, vector<16xi32>
      %reduce_sum3A_28 = arith.constant true
      %reduce_sum3A_29 = vector.broadcast %reduce_sum3A_28 : i1 to vector<16xi1>
      %reduce_sum3A_30 = tpu.scan <sum>, %select_n3A_27 masked %reduce_sum3A_29 : vector<16xi32>, vector<16xi1> -> vector<16xi32>
      %reduce_sum3A_31 = vector.extract %reduce_sum3A_30[15] : i32 from vector<16xi32>
      %eq3A_32 = arith.constant 2 : i32
      %eq3A_33 = vector.broadcast %eq3A_32 : i32 to vector<16xi32>
      %eq3A_34 = arith.cmpi eq, %iota3A, %eq3A_33 : vector<16xi32>
      %jit3A_35 = arith.constant 0 : i32
      %broadcast_in_dim3A_36 = vector.broadcast %jit3A_35 : i32 to vector<16xi32>
      %select_n3A_37 = arith.select %eq3A_34, %sub3A, %broadcast_in_dim3A_36 : vector<16xi1>, vector<16xi32>
      %reduce_sum3A_38 = arith.constant true
      %reduce_sum3A_39 = vector.broadcast %reduce_sum3A_38 : i1 to vector<16xi1>
      %reduce_sum3A_40 = tpu.scan <sum>, %select_n3A_37 masked %reduce_sum3A_39 : vector<16xi32>, vector<16xi1> -> vector<16xi32>
      %reduce_sum3A_41 = vector.extract %reduce_sum3A_40[15] : i32 from vector<16xi32>
      %eq3A_42 = arith.constant 3 : i32
      %eq3A_43 = vector.broadcast %eq3A_42 : i32 to vector<16xi32>
      %eq3A_44 = arith.cmpi eq, %iota3A, %eq3A_43 : vector<16xi32>
      %jit3A_45 = arith.constant 0 : i32
      %broadcast_in_dim3A_46 = vector.broadcast %jit3A_45 : i32 to vector<16xi32>
      %select_n3A_47 = arith.select %eq3A_44, %sub3A, %broadcast_in_dim3A_46 : vector<16xi1>, vector<16xi32>
      %reduce_sum3A_48 = arith.constant true
      %reduce_sum3A_49 = vector.broadcast %reduce_sum3A_48 : i1 to vector<16xi1>
      %reduce_sum3A_50 = tpu.scan <sum>, %select_n3A_47 masked %reduce_sum3A_49 : vector<16xi32>, vector<16xi1> -> vector<16xi32>
      %reduce_sum3A_51 = vector.extract %reduce_sum3A_50[15] : i32 from vector<16xi32>
      %eq3A_52 = arith.constant 4 : i32
      %eq3A_53 = vector.broadcast %eq3A_52 : i32 to vector<16xi32>
      %eq3A_54 = arith.cmpi eq, %iota3A, %eq3A_53 : vector<16xi32>
      %jit3A_55 = arith.constant 0 : i32
      %broadcast_in_dim3A_56 = vector.broadcast %jit3A_55 : i32 to vector<16xi32>
      %select_n3A_57 = arith.select %eq3A_54, %sub3A, %broadcast_in_dim3A_56 : vector<16xi1>, vector<16xi32>
      %reduce_sum3A_58 = arith.constant true
      %reduce_sum3A_59 = vector.broadcast %reduce_sum3A_58 : i1 to vector<16xi1>
      %reduce_sum3A_60 = tpu.scan <sum>, %select_n3A_57 masked %reduce_sum3A_59 : vector<16xi32>, vector<16xi1> -> vector<16xi32>
      %reduce_sum3A_61 = vector.extract %reduce_sum3A_60[15] : i32 from vector<16xi32>
      %eq3A_62 = arith.constant 5 : i32
      %eq3A_63 = vector.broadcast %eq3A_62 : i32 to vector<16xi32>
      %eq3A_64 = arith.cmpi eq, %iota3A, %eq3A_63 : vector<16xi32>
      %jit3A_65 = arith.constant 0 : i32
      %broadcast_in_dim3A_66 = vector.broadcast %jit3A_65 : i32 to vector<16xi32>
      %select_n3A_67 = arith.select %eq3A_64, %sub3A, %broadcast_in_dim3A_66 : vector<16xi1>, vector<16xi32>
      %reduce_sum3A_68 = arith.constant true
      %reduce_sum3A_69 = vector.broadcast %reduce_sum3A_68 : i1 to vector<16xi1>
      %reduce_sum3A_70 = tpu.scan <sum>, %select_n3A_67 masked %reduce_sum3A_69 : vector<16xi32>, vector<16xi1> -> vector<16xi32>
      %reduce_sum3A_71 = vector.extract %reduce_sum3A_70[15] : i32 from vector<16xi32>
      %eq3A_72 = arith.constant 6 : i32
      %eq3A_73 = vector.broadcast %eq3A_72 : i32 to vector<16xi32>
      %eq3A_74 = arith.cmpi eq, %iota3A, %eq3A_73 : vector<16xi32>
      %jit3A_75 = arith.constant 0 : i32
      %broadcast_in_dim3A_76 = vector.broadcast %jit3A_75 : i32 to vector<16xi32>
      %select_n3A_77 = arith.select %eq3A_74, %sub3A, %broadcast_in_dim3A_76 : vector<16xi1>, vector<16xi32>
      %reduce_sum3A_78 = arith.constant true
      %reduce_sum3A_79 = vector.broadcast %reduce_sum3A_78 : i1 to vector<16xi1>
      %reduce_sum3A_80 = tpu.scan <sum>, %select_n3A_77 masked %reduce_sum3A_79 : vector<16xi32>, vector<16xi1> -> vector<16xi32>
      %reduce_sum3A_81 = vector.extract %reduce_sum3A_80[15] : i32 from vector<16xi32>
      %eq3A_82 = arith.constant 7 : i32
      %eq3A_83 = vector.broadcast %eq3A_82 : i32 to vector<16xi32>
      %eq3A_84 = arith.cmpi eq, %iota3A, %eq3A_83 : vector<16xi32>
      %jit3A_85 = arith.constant 0 : i32
      %broadcast_in_dim3A_86 = vector.broadcast %jit3A_85 : i32 to vector<16xi32>
      %select_n3A_87 = arith.select %eq3A_84, %sub3A, %broadcast_in_dim3A_86 : vector<16xi1>, vector<16xi32>
      %reduce_sum3A_88 = arith.constant true
      %reduce_sum3A_89 = vector.broadcast %reduce_sum3A_88 : i1 to vector<16xi1>
      %reduce_sum3A_90 = tpu.scan <sum>, %select_n3A_87 masked %reduce_sum3A_89 : vector<16xi32>, vector<16xi1> -> vector<16xi32>
      %reduce_sum3A_91 = vector.extract %reduce_sum3A_90[15] : i32 from vector<16xi32>
      %eq3A_92 = arith.constant 0 : i32
      %eq3A_93 = vector.broadcast %eq3A_92 : i32 to vector<16xi32>
      %eq3A_94 = arith.cmpi eq, %iota3A, %eq3A_93 : vector<16xi32>
      %jit3A_95 = arith.constant 0 : i32
      %broadcast_in_dim3A_96 = vector.broadcast %jit3A_95 : i32 to vector<16xi32>
      %select_n3A_97 = arith.select %eq3A_94, %masked_cumsum3A, %broadcast_in_dim3A_96 : vector<16xi1>, vector<16xi32>
      %reduce_sum3A_98 = arith.constant true
      %reduce_sum3A_99 = vector.broadcast %reduce_sum3A_98 : i1 to vector<16xi1>
      %reduce_sum3A_100 = tpu.scan <sum>, %select_n3A_97 masked %reduce_sum3A_99 : vector<16xi32>, vector<16xi1> -> vector<16xi32>
      %reduce_sum3A_101 = vector.extract %reduce_sum3A_100[15] : i32 from vector<16xi32>
      %eq3A_102 = arith.constant 1 : i32
      %eq3A_103 = vector.broadcast %eq3A_102 : i32 to vector<16xi32>
      %eq3A_104 = arith.cmpi eq, %iota3A, %eq3A_103 : vector<16xi32>
      %jit3A_105 = arith.constant 0 : i32
      %broadcast_in_dim3A_106 = vector.broadcast %jit3A_105 : i32 to vector<16xi32>
      %select_n3A_107 = arith.select %eq3A_104, %masked_cumsum3A, %broadcast_in_dim3A_106 : vector<16xi1>, vector<16xi32>
      %reduce_sum3A_108 = arith.constant true
      %reduce_sum3A_109 = vector.broadcast %reduce_sum3A_108 : i1 to vector<16xi1>
      %reduce_sum3A_110 = tpu.scan <sum>, %select_n3A_107 masked %reduce_sum3A_109 : vector<16xi32>, vector<16xi1> -> vector<16xi32>
      %reduce_sum3A_111 = vector.extract %reduce_sum3A_110[15] : i32 from vector<16xi32>
      %eq3A_112 = arith.constant 2 : i32
      %eq3A_113 = vector.broadcast %eq3A_112 : i32 to vector<16xi32>
      %eq3A_114 = arith.cmpi eq, %iota3A, %eq3A_113 : vector<16xi32>
      %jit3A_115 = arith.constant 0 : i32
      %broadcast_in_dim3A_116 = vector.broadcast %jit3A_115 : i32 to vector<16xi32>
      %select_n3A_117 = arith.select %eq3A_114, %masked_cumsum3A, %broadcast_in_dim3A_116 : vector<16xi1>, vector<16xi32>
      %reduce_sum3A_118 = arith.constant true
      %reduce_sum3A_119 = vector.broadcast %reduce_sum3A_118 : i1 to vector<16xi1>
      %reduce_sum3A_120 = tpu.scan <sum>, %select_n3A_117 masked %reduce_sum3A_119 : vector<16xi32>, vector<16xi1> -> vector<16xi32>
      %reduce_sum3A_121 = vector.extract %reduce_sum3A_120[15] : i32 from vector<16xi32>
      %eq3A_122 = arith.constant 3 : i32
      %eq3A_123 = vector.broadcast %eq3A_122 : i32 to vector<16xi32>
      %eq3A_124 = arith.cmpi eq, %iota3A, %eq3A_123 : vector<16xi32>
      %jit3A_125 = arith.constant 0 : i32
      %broadcast_in_dim3A_126 = vector.broadcast %jit3A_125 : i32 to vector<16xi32>
      %select_n3A_127 = arith.select %eq3A_124, %masked_cumsum3A, %broadcast_in_dim3A_126 : vector<16xi1>, vector<16xi32>
      %reduce_sum3A_128 = arith.constant true
      %reduce_sum3A_129 = vector.broadcast %reduce_sum3A_128 : i1 to vector<16xi1>
      %reduce_sum3A_130 = tpu.scan <sum>, %select_n3A_127 masked %reduce_sum3A_129 : vector<16xi32>, vector<16xi1> -> vector<16xi32>
      %reduce_sum3A_131 = vector.extract %reduce_sum3A_130[15] : i32 from vector<16xi32>
      %eq3A_132 = arith.constant 4 : i32
      %eq3A_133 = vector.broadcast %eq3A_132 : i32 to vector<16xi32>
      %eq3A_134 = arith.cmpi eq, %iota3A, %eq3A_133 : vector<16xi32>
      %jit3A_135 = arith.constant 0 : i32
      %broadcast_in_dim3A_136 = vector.broadcast %jit3A_135 : i32 to vector<16xi32>
      %select_n3A_137 = arith.select %eq3A_134, %masked_cumsum3A, %broadcast_in_dim3A_136 : vector<16xi1>, vector<16xi32>
      %reduce_sum3A_138 = arith.constant true
      %reduce_sum3A_139 = vector.broadcast %reduce_sum3A_138 : i1 to vector<16xi1>
      %reduce_sum3A_140 = tpu.scan <sum>, %select_n3A_137 masked %reduce_sum3A_139 : vector<16xi32>, vector<16xi1> -> vector<16xi32>
      %reduce_sum3A_141 = vector.extract %reduce_sum3A_140[15] : i32 from vector<16xi32>
      %eq3A_142 = arith.constant 5 : i32
      %eq3A_143 = vector.broadcast %eq3A_142 : i32 to vector<16xi32>
      %eq3A_144 = arith.cmpi eq, %iota3A, %eq3A_143 : vector<16xi32>
      %jit3A_145 = arith.constant 0 : i32
      %broadcast_in_dim3A_146 = vector.broadcast %jit3A_145 : i32 to vector<16xi32>
      %select_n3A_147 = arith.select %eq3A_144, %masked_cumsum3A, %broadcast_in_dim3A_146 : vector<16xi1>, vector<16xi32>
      %reduce_sum3A_148 = arith.constant true
      %reduce_sum3A_149 = vector.broadcast %reduce_sum3A_148 : i1 to vector<16xi1>
      %reduce_sum3A_150 = tpu.scan <sum>, %select_n3A_147 masked %reduce_sum3A_149 : vector<16xi32>, vector<16xi1> -> vector<16xi32>
      %reduce_sum3A_151 = vector.extract %reduce_sum3A_150[15] : i32 from vector<16xi32>
      %eq3A_152 = arith.constant 6 : i32
      %eq3A_153 = vector.broadcast %eq3A_152 : i32 to vector<16xi32>
      %eq3A_154 = arith.cmpi eq, %iota3A, %eq3A_153 : vector<16xi32>
      %jit3A_155 = arith.constant 0 : i32
      %broadcast_in_dim3A_156 = vector.broadcast %jit3A_155 : i32 to vector<16xi32>
      %select_n3A_157 = arith.select %eq3A_154, %masked_cumsum3A, %broadcast_in_dim3A_156 : vector<16xi1>, vector<16xi32>
      %reduce_sum3A_158 = arith.constant true
      %reduce_sum3A_159 = vector.broadcast %reduce_sum3A_158 : i1 to vector<16xi1>
      %reduce_sum3A_160 = tpu.scan <sum>, %select_n3A_157 masked %reduce_sum3A_159 : vector<16xi32>, vector<16xi1> -> vector<16xi32>
      %reduce_sum3A_161 = vector.extract %reduce_sum3A_160[15] : i32 from vector<16xi32>
      %eq3A_162 = arith.constant 7 : i32
      %eq3A_163 = vector.broadcast %eq3A_162 : i32 to vector<16xi32>
      %eq3A_164 = arith.cmpi eq, %iota3A, %eq3A_163 : vector<16xi32>
      %jit3A_165 = arith.constant 0 : i32
      %broadcast_in_dim3A_166 = vector.broadcast %jit3A_165 : i32 to vector<16xi32>
      %select_n3A_167 = arith.select %eq3A_164, %masked_cumsum3A, %broadcast_in_dim3A_166 : vector<16xi1>, vector<16xi32>
      %reduce_sum3A_168 = arith.constant true
      %reduce_sum3A_169 = vector.broadcast %reduce_sum3A_168 : i1 to vector<16xi1>
      %reduce_sum3A_170 = tpu.scan <sum>, %select_n3A_167 masked %reduce_sum3A_169 : vector<16xi32>, vector<16xi1> -> vector<16xi32>
      %reduce_sum3A_171 = vector.extract %reduce_sum3A_170[15] : i32 from vector<16xi32>
      %eq3A_172 = arith.constant 0 : i32
      %eq3A_173 = vector.broadcast %eq3A_172 : i32 to vector<16xi32>
      %eq3A_174 = arith.cmpi eq, %iota3A, %eq3A_173 : vector<16xi32>
      %add3A_175 = arith.addi %sub3A, %get3A_3 : vector<16xi32>
      %jit3A_176 = arith.constant 0 : i32
      %broadcast_in_dim3A_177 = vector.broadcast %jit3A_176 : i32 to vector<16xi32>
      %select_n3A_178 = arith.select %eq3A_174, %add3A_175, %broadcast_in_dim3A_177 : vector<16xi1>, vector<16xi32>
      %reduce_sum3A_179 = arith.constant true
      %reduce_sum3A_180 = vector.broadcast %reduce_sum3A_179 : i1 to vector<16xi1>
      %reduce_sum3A_181 = tpu.scan <sum>, %select_n3A_178 masked %reduce_sum3A_180 : vector<16xi32>, vector<16xi1> -> vector<16xi32>
      %reduce_sum3A_182 = vector.extract %reduce_sum3A_181[15] : i32 from vector<16xi32>
      %eq3A_183 = arith.constant 1 : i32
      %eq3A_184 = vector.broadcast %eq3A_183 : i32 to vector<16xi32>
      %eq3A_185 = arith.cmpi eq, %iota3A, %eq3A_184 : vector<16xi32>
      %add3A_186 = arith.addi %sub3A, %get3A_3 : vector<16xi32>
      %jit3A_187 = arith.constant 0 : i32
      %broadcast_in_dim3A_188 = vector.broadcast %jit3A_187 : i32 to vector<16xi32>
      %select_n3A_189 = arith.select %eq3A_185, %add3A_186, %broadcast_in_dim3A_188 : vector<16xi1>, vector<16xi32>
      %reduce_sum3A_190 = arith.constant true
      %reduce_sum3A_191 = vector.broadcast %reduce_sum3A_190 : i1 to vector<16xi1>
      %reduce_sum3A_192 = tpu.scan <sum>, %select_n3A_189 masked %reduce_sum3A_191 : vector<16xi32>, vector<16xi1> -> vector<16xi32>
      %reduce_sum3A_193 = vector.extract %reduce_sum3A_192[15] : i32 from vector<16xi32>
      %eq3A_194 = arith.constant 2 : i32
      %eq3A_195 = vector.broadcast %eq3A_194 : i32 to vector<16xi32>
      %eq3A_196 = arith.cmpi eq, %iota3A, %eq3A_195 : vector<16xi32>
      %add3A_197 = arith.addi %sub3A, %get3A_3 : vector<16xi32>
      %jit3A_198 = arith.constant 0 : i32
      %broadcast_in_dim3A_199 = vector.broadcast %jit3A_198 : i32 to vector<16xi32>
      %select_n3A_200 = arith.select %eq3A_196, %add3A_197, %broadcast_in_dim3A_199 : vector<16xi1>, vector<16xi32>
      %reduce_sum3A_201 = arith.constant true
      %reduce_sum3A_202 = vector.broadcast %reduce_sum3A_201 : i1 to vector<16xi1>
      %reduce_sum3A_203 = tpu.scan <sum>, %select_n3A_200 masked %reduce_sum3A_202 : vector<16xi32>, vector<16xi1> -> vector<16xi32>
      %reduce_sum3A_204 = vector.extract %reduce_sum3A_203[15] : i32 from vector<16xi32>
      %eq3A_205 = arith.constant 3 : i32
      %eq3A_206 = vector.broadcast %eq3A_205 : i32 to vector<16xi32>
      %eq3A_207 = arith.cmpi eq, %iota3A, %eq3A_206 : vector<16xi32>
      %add3A_208 = arith.addi %sub3A, %get3A_3 : vector<16xi32>
      %jit3A_209 = arith.constant 0 : i32
      %broadcast_in_dim3A_210 = vector.broadcast %jit3A_209 : i32 to vector<16xi32>
      %select_n3A_211 = arith.select %eq3A_207, %add3A_208, %broadcast_in_dim3A_210 : vector<16xi1>, vector<16xi32>
      %reduce_sum3A_212 = arith.constant true
      %reduce_sum3A_213 = vector.broadcast %reduce_sum3A_212 : i1 to vector<16xi1>
      %reduce_sum3A_214 = tpu.scan <sum>, %select_n3A_211 masked %reduce_sum3A_213 : vector<16xi32>, vector<16xi1> -> vector<16xi32>
      %reduce_sum3A_215 = vector.extract %reduce_sum3A_214[15] : i32 from vector<16xi32>
      %eq3A_216 = arith.constant 4 : i32
      %eq3A_217 = vector.broadcast %eq3A_216 : i32 to vector<16xi32>
      %eq3A_218 = arith.cmpi eq, %iota3A, %eq3A_217 : vector<16xi32>
      %add3A_219 = arith.addi %sub3A, %get3A_3 : vector<16xi32>
      %jit3A_220 = arith.constant 0 : i32
      %broadcast_in_dim3A_221 = vector.broadcast %jit3A_220 : i32 to vector<16xi32>
      %select_n3A_222 = arith.select %eq3A_218, %add3A_219, %broadcast_in_dim3A_221 : vector<16xi1>, vector<16xi32>
      %reduce_sum3A_223 = arith.constant true
      %reduce_sum3A_224 = vector.broadcast %reduce_sum3A_223 : i1 to vector<16xi1>
      %reduce_sum3A_225 = tpu.scan <sum>, %select_n3A_222 masked %reduce_sum3A_224 : vector<16xi32>, vector<16xi1> -> vector<16xi32>
      %reduce_sum3A_226 = vector.extract %reduce_sum3A_225[15] : i32 from vector<16xi32>
      %eq3A_227 = arith.constant 5 : i32
      %eq3A_228 = vector.broadcast %eq3A_227 : i32 to vector<16xi32>
      %eq3A_229 = arith.cmpi eq, %iota3A, %eq3A_228 : vector<16xi32>
      %add3A_230 = arith.addi %sub3A, %get3A_3 : vector<16xi32>
      %jit3A_231 = arith.constant 0 : i32
      %broadcast_in_dim3A_232 = vector.broadcast %jit3A_231 : i32 to vector<16xi32>
      %select_n3A_233 = arith.select %eq3A_229, %add3A_230, %broadcast_in_dim3A_232 : vector<16xi1>, vector<16xi32>
      %reduce_sum3A_234 = arith.constant true
      %reduce_sum3A_235 = vector.broadcast %reduce_sum3A_234 : i1 to vector<16xi1>
      %reduce_sum3A_236 = tpu.scan <sum>, %select_n3A_233 masked %reduce_sum3A_235 : vector<16xi32>, vector<16xi1> -> vector<16xi32>
      %reduce_sum3A_237 = vector.extract %reduce_sum3A_236[15] : i32 from vector<16xi32>
      %eq3A_238 = arith.constant 6 : i32
      %eq3A_239 = vector.broadcast %eq3A_238 : i32 to vector<16xi32>
      %eq3A_240 = arith.cmpi eq, %iota3A, %eq3A_239 : vector<16xi32>
      %add3A_241 = arith.addi %sub3A, %get3A_3 : vector<16xi32>
      %jit3A_242 = arith.constant 0 : i32
      %broadcast_in_dim3A_243 = vector.broadcast %jit3A_242 : i32 to vector<16xi32>
      %select_n3A_244 = arith.select %eq3A_240, %add3A_241, %broadcast_in_dim3A_243 : vector<16xi1>, vector<16xi32>
      %reduce_sum3A_245 = arith.constant true
      %reduce_sum3A_246 = vector.broadcast %reduce_sum3A_245 : i1 to vector<16xi1>
      %reduce_sum3A_247 = tpu.scan <sum>, %select_n3A_244 masked %reduce_sum3A_246 : vector<16xi32>, vector<16xi1> -> vector<16xi32>
      %reduce_sum3A_248 = vector.extract %reduce_sum3A_247[15] : i32 from vector<16xi32>
      %eq3A_249 = arith.constant 7 : i32
      %eq3A_250 = vector.broadcast %eq3A_249 : i32 to vector<16xi32>
      %eq3A_251 = arith.cmpi eq, %iota3A, %eq3A_250 : vector<16xi32>
      %add3A_252 = arith.addi %sub3A, %get3A_3 : vector<16xi32>
      %jit3A_253 = arith.constant 0 : i32
      %broadcast_in_dim3A_254 = vector.broadcast %jit3A_253 : i32 to vector<16xi32>
      %select_n3A_255 = arith.select %eq3A_251, %add3A_252, %broadcast_in_dim3A_254 : vector<16xi1>, vector<16xi32>
      %reduce_sum3A_256 = arith.constant true
      %reduce_sum3A_257 = vector.broadcast %reduce_sum3A_256 : i1 to vector<16xi1>
      %reduce_sum3A_258 = tpu.scan <sum>, %select_n3A_255 masked %reduce_sum3A_257 : vector<16xi32>, vector<16xi1> -> vector<16xi32>
      %reduce_sum3A_259 = vector.extract %reduce_sum3A_258[15] : i32 from vector<16xi32>
      %broadcast_in_dim3A_260 = arith.constant 0 : i32
      %broadcast_in_dim3A_261 = vector.broadcast %broadcast_in_dim3A_260 : i32 to vector<16xi32>
      %broadcast_in_dim3A_262 = arith.constant 0.000000e+00 : f32
      %broadcast_in_dim3A_263 = vector.broadcast %broadcast_in_dim3A_262 : f32 to vector<16xf32>
      %scan3A = arith.constant 0 : i32
      %scan3A_264 = arith.constant 384 : i32
      %scan3A_265 = arith.addi %scan3A, %scan3A_264 : i32
      %scan3A_266 = arith.constant 1 : i32
      scf.for %scan3A_574 = %scan3A to %scan3A_265 step %scan3A_266  : i32 {
        %mul3A_575 = arith.constant 16 : i32
        %mul3A_576 = arith.muli %scan3A_574, %mul3A_575 : i32
        %swap3A_577 = arith.index_cast %mul3A_576 : i32 to index
        %swap3A_578 = tpu.vector_load %arg25[%swap3A_577] {strides = array<i32>} : memref<6144xi32, #tpu.memory_space<vmem>>, vector<16xi32>,
        tpu.vector_store %arg25[%swap3A_577], %broadcast_in_dim3A_261 {strides = array<i32>} : memref<6144xi32, #tpu.memory_space<vmem>>, vector<16xi32>,
        %mul3A_579 = arith.constant 16 : i32
        %mul3A_580 = arith.muli %scan3A_574, %mul3A_579 : i32
        %swap3A_581 = arith.index_cast %mul3A_580 : i32 to index
        %swap3A_582 = tpu.vector_load %arg26[%swap3A_581] {strides = array<i32>} : memref<6144xf32, #tpu.memory_space<vmem>>, vector<16xf32>,
        tpu.vector_store %arg26[%swap3A_581], %broadcast_in_dim3A_263 {strides = array<i32>} : memref<6144xf32, #tpu.memory_space<vmem>>, vector<16xf32>,
      }
      %scan3A_267 = arith.constant 384 : i32
      %scan3A_268 = arith.constant 0 : i32
      %scan3A_269 = arith.constant 128 : i32
      %scan3A_270 = arith.addi %scan3A_268, %scan3A_269 : i32
      %scan3A_271 = arith.constant 1 : i32
      scf.for %scan3A_574 = %scan3A_268 to %scan3A_270 step %scan3A_271  : i32 {
        %mul3A_575 = arith.constant 16 : i32
        %mul3A_576 = arith.muli %scan3A_574, %mul3A_575 : i32
        %add3A_577 = vector.broadcast %mul3A_576 : i32 to vector<16xi32>
        %add3A_578 = arith.addi %add3A_577, %iota3A : vector<16xi32>
        %get3A_579 = arith.index_cast %mul3A_576 : i32 to index
        %get3A_580 = tpu.vector_load %arg15[%get3A_579] {strides = array<i32>} : memref<2048xi32, #tpu.memory_space<vmem>>, vector<16xi32>,
        %broadcast_in_dim3A_581 = arith.constant 0 : i32
        %broadcast_in_dim3A_582 = vector.broadcast %broadcast_in_dim3A_581 : i32 to vector<16xi32>
        %eq3A_583 = arith.constant 0 : i32
        %eq3A_584 = vector.broadcast %eq3A_583 : i32 to vector<16xi32>
        %eq3A_585 = arith.cmpi eq, %get3A_580, %eq3A_584 : vector<16xi32>
        %jit3A_586 = arith.constant 0 : i32
        %broadcast_in_dim3A_587 = vector.broadcast %reduce_sum3A_21 : i32 to vector<16xi32>
        %broadcast_in_dim3A_588 = vector.broadcast %jit3A_586 : i32 to vector<16xi32>
        %select_n3A_589 = arith.select %eq3A_585, %broadcast_in_dim3A_587, %broadcast_in_dim3A_588 : vector<16xi1>, vector<16xi32>
        %add3A_590 = arith.addi %broadcast_in_dim3A_582, %select_n3A_589 : vector<16xi32>
        %eq3A_591 = arith.constant 1 : i32
        %eq3A_592 = vector.broadcast %eq3A_591 : i32 to vector<16xi32>
        %eq3A_593 = arith.cmpi eq, %get3A_580, %eq3A_592 : vector<16xi32>
        %jit3A_594 = arith.constant 0 : i32
        %broadcast_in_dim3A_595 = vector.broadcast %reduce_sum3A_31 : i32 to vector<16xi32>
        %broadcast_in_dim3A_596 = vector.broadcast %jit3A_594 : i32 to vector<16xi32>
        %select_n3A_597 = arith.select %eq3A_593, %broadcast_in_dim3A_595, %broadcast_in_dim3A_596 : vector<16xi1>, vector<16xi32>
        %add3A_598 = arith.addi %add3A_590, %select_n3A_597 : vector<16xi32>
        %eq3A_599 = arith.constant 2 : i32
        %eq3A_600 = vector.broadcast %eq3A_599 : i32 to vector<16xi32>
        %eq3A_601 = arith.cmpi eq, %get3A_580, %eq3A_600 : vector<16xi32>
        %jit3A_602 = arith.constant 0 : i32
        %broadcast_in_dim3A_603 = vector.broadcast %reduce_sum3A_41 : i32 to vector<16xi32>
        %broadcast_in_dim3A_604 = vector.broadcast %jit3A_602 : i32 to vector<16xi32>
        %select_n3A_605 = arith.select %eq3A_601, %broadcast_in_dim3A_603, %broadcast_in_dim3A_604 : vector<16xi1>, vector<16xi32>
        %add3A_606 = arith.addi %add3A_598, %select_n3A_605 : vector<16xi32>
        %eq3A_607 = arith.constant 3 : i32
        %eq3A_608 = vector.broadcast %eq3A_607 : i32 to vector<16xi32>
        %eq3A_609 = arith.cmpi eq, %get3A_580, %eq3A_608 : vector<16xi32>
        %jit3A_610 = arith.constant 0 : i32
        %broadcast_in_dim3A_611 = vector.broadcast %reduce_sum3A_51 : i32 to vector<16xi32>
        %broadcast_in_dim3A_612 = vector.broadcast %jit3A_610 : i32 to vector<16xi32>
        %select_n3A_613 = arith.select %eq3A_609, %broadcast_in_dim3A_611, %broadcast_in_dim3A_612 : vector<16xi1>, vector<16xi32>
        %add3A_614 = arith.addi %add3A_606, %select_n3A_613 : vector<16xi32>
        %eq3A_615 = arith.constant 4 : i32
        %eq3A_616 = vector.broadcast %eq3A_615 : i32 to vector<16xi32>
        %eq3A_617 = arith.cmpi eq, %get3A_580, %eq3A_616 : vector<16xi32>
        %jit3A_618 = arith.constant 0 : i32
        %broadcast_in_dim3A_619 = vector.broadcast %reduce_sum3A_61 : i32 to vector<16xi32>
        %broadcast_in_dim3A_620 = vector.broadcast %jit3A_618 : i32 to vector<16xi32>
        %select_n3A_621 = arith.select %eq3A_617, %broadcast_in_dim3A_619, %broadcast_in_dim3A_620 : vector<16xi1>, vector<16xi32>
        %add3A_622 = arith.addi %add3A_614, %select_n3A_621 : vector<16xi32>
        %eq3A_623 = arith.constant 5 : i32
        %eq3A_624 = vector.broadcast %eq3A_623 : i32 to vector<16xi32>
        %eq3A_625 = arith.cmpi eq, %get3A_580, %eq3A_624 : vector<16xi32>
        %jit3A_626 = arith.constant 0 : i32
        %broadcast_in_dim3A_627 = vector.broadcast %reduce_sum3A_71 : i32 to vector<16xi32>
        %broadcast_in_dim3A_628 = vector.broadcast %jit3A_626 : i32 to vector<16xi32>
        %select_n3A_629 = arith.select %eq3A_625, %broadcast_in_dim3A_627, %broadcast_in_dim3A_628 : vector<16xi1>, vector<16xi32>
        %add3A_630 = arith.addi %add3A_622, %select_n3A_629 : vector<16xi32>
        %eq3A_631 = arith.constant 6 : i32
        %eq3A_632 = vector.broadcast %eq3A_631 : i32 to vector<16xi32>
        %eq3A_633 = arith.cmpi eq, %get3A_580, %eq3A_632 : vector<16xi32>
        %jit3A_634 = arith.constant 0 : i32
        %broadcast_in_dim3A_635 = vector.broadcast %reduce_sum3A_81 : i32 to vector<16xi32>
        %broadcast_in_dim3A_636 = vector.broadcast %jit3A_634 : i32 to vector<16xi32>
        %select_n3A_637 = arith.select %eq3A_633, %broadcast_in_dim3A_635, %broadcast_in_dim3A_636 : vector<16xi1>, vector<16xi32>
        %add3A_638 = arith.addi %add3A_630, %select_n3A_637 : vector<16xi32>
        %eq3A_639 = arith.constant 7 : i32
        %eq3A_640 = vector.broadcast %eq3A_639 : i32 to vector<16xi32>
        %eq3A_641 = arith.cmpi eq, %get3A_580, %eq3A_640 : vector<16xi32>
        %jit3A_642 = arith.constant 0 : i32
        %broadcast_in_dim3A_643 = vector.broadcast %reduce_sum3A_91 : i32 to vector<16xi32>
        %broadcast_in_dim3A_644 = vector.broadcast %jit3A_642 : i32 to vector<16xi32>
        %select_n3A_645 = arith.select %eq3A_641, %broadcast_in_dim3A_643, %broadcast_in_dim3A_644 : vector<16xi1>, vector<16xi32>
        %add3A_646 = arith.addi %add3A_638, %select_n3A_645 : vector<16xi32>
        %get3A_647 = arith.index_cast %mul3A_576 : i32 to index
        %get3A_648 = tpu.vector_load %arg17[%get3A_647] {strides = array<i32>} : memref<2048xi32, #tpu.memory_space<vmem>>, vector<16xi32>,
        %add3A_649 = arith.addi %add3A_646, %get3A_648 : vector<16xi32>
        tpu.vector_store_idx %arg25[%add3A_649], %add3A_578 : memref<6144xi32, #tpu.memory_space<vmem>>[vector<16xi32>], vector<16xi32>,
        %get3A_650 = arith.index_cast %mul3A_576 : i32 to index
        %get3A_651 = tpu.vector_load %arg19[%get3A_650] {strides = array<i32>} : memref<2048xf32, #tpu.memory_space<vmem>>, vector<16xf32>,
        tpu.vector_store_idx %arg26[%add3A_649], %get3A_651 : memref<6144xf32, #tpu.memory_space<vmem>>[vector<16xi32>], vector<16xf32>,
        %swap3A_652 = arith.index_cast %mul3A_576 : i32 to index
        %swap3A_653 = tpu.vector_load %arg27[%swap3A_652] {strides = array<i32>} : memref<2048xi32, #tpu.memory_space<vmem>>, vector<16xi32>,
        tpu.vector_store %arg27[%swap3A_652], %add3A_649 {strides = array<i32>} : memref<2048xi32, #tpu.memory_space<vmem>>, vector<16xi32>,
        %get3A_654 = arith.index_cast %mul3A_576 : i32 to index
        %get3A_655 = tpu.vector_load %arg16[%get3A_654] {strides = array<i32>} : memref<2048xi32, #tpu.memory_space<vmem>>, vector<16xi32>,
        %broadcast_in_dim3A_656 = arith.constant 0 : i32
        %broadcast_in_dim3A_657 = vector.broadcast %broadcast_in_dim3A_656 : i32 to vector<16xi32>
        %eq3A_658 = arith.constant 0 : i32
        %eq3A_659 = vector.broadcast %eq3A_658 : i32 to vector<16xi32>
        %eq3A_660 = arith.cmpi eq, %get3A_655, %eq3A_659 : vector<16xi32>
        %jit3A_661 = arith.constant 0 : i32
        %broadcast_in_dim3A_662 = vector.broadcast %reduce_sum3A_21 : i32 to vector<16xi32>
        %broadcast_in_dim3A_663 = vector.broadcast %jit3A_661 : i32 to vector<16xi32>
        %select_n3A_664 = arith.select %eq3A_660, %broadcast_in_dim3A_662, %broadcast_in_dim3A_663 : vector<16xi1>, vector<16xi32>
        %add3A_665 = arith.addi %broadcast_in_dim3A_657, %select_n3A_664 : vector<16xi32>
        %eq3A_666 = arith.constant 1 : i32
        %eq3A_667 = vector.broadcast %eq3A_666 : i32 to vector<16xi32>
        %eq3A_668 = arith.cmpi eq, %get3A_655, %eq3A_667 : vector<16xi32>
        %jit3A_669 = arith.constant 0 : i32
        %broadcast_in_dim3A_670 = vector.broadcast %reduce_sum3A_31 : i32 to vector<16xi32>
        %broadcast_in_dim3A_671 = vector.broadcast %jit3A_669 : i32 to vector<16xi32>
        %select_n3A_672 = arith.select %eq3A_668, %broadcast_in_dim3A_670, %broadcast_in_dim3A_671 : vector<16xi1>, vector<16xi32>
        %add3A_673 = arith.addi %add3A_665, %select_n3A_672 : vector<16xi32>
        %eq3A_674 = arith.constant 2 : i32
        %eq3A_675 = vector.broadcast %eq3A_674 : i32 to vector<16xi32>
        %eq3A_676 = arith.cmpi eq, %get3A_655, %eq3A_675 : vector<16xi32>
        %jit3A_677 = arith.constant 0 : i32
        %broadcast_in_dim3A_678 = vector.broadcast %reduce_sum3A_41 : i32 to vector<16xi32>
        %broadcast_in_dim3A_679 = vector.broadcast %jit3A_677 : i32 to vector<16xi32>
        %select_n3A_680 = arith.select %eq3A_676, %broadcast_in_dim3A_678, %broadcast_in_dim3A_679 : vector<16xi1>, vector<16xi32>
        %add3A_681 = arith.addi %add3A_673, %select_n3A_680 : vector<16xi32>
        %eq3A_682 = arith.constant 3 : i32
        %eq3A_683 = vector.broadcast %eq3A_682 : i32 to vector<16xi32>
        %eq3A_684 = arith.cmpi eq, %get3A_655, %eq3A_683 : vector<16xi32>
        %jit3A_685 = arith.constant 0 : i32
        %broadcast_in_dim3A_686 = vector.broadcast %reduce_sum3A_51 : i32 to vector<16xi32>
        %broadcast_in_dim3A_687 = vector.broadcast %jit3A_685 : i32 to vector<16xi32>
        %select_n3A_688 = arith.select %eq3A_684, %broadcast_in_dim3A_686, %broadcast_in_dim3A_687 : vector<16xi1>, vector<16xi32>
        %add3A_689 = arith.addi %add3A_681, %select_n3A_688 : vector<16xi32>
        %eq3A_690 = arith.constant 4 : i32
        %eq3A_691 = vector.broadcast %eq3A_690 : i32 to vector<16xi32>
        %eq3A_692 = arith.cmpi eq, %get3A_655, %eq3A_691 : vector<16xi32>
        %jit3A_693 = arith.constant 0 : i32
        %broadcast_in_dim3A_694 = vector.broadcast %reduce_sum3A_61 : i32 to vector<16xi32>
        %broadcast_in_dim3A_695 = vector.broadcast %jit3A_693 : i32 to vector<16xi32>
        %select_n3A_696 = arith.select %eq3A_692, %broadcast_in_dim3A_694, %broadcast_in_dim3A_695 : vector<16xi1>, vector<16xi32>
        %add3A_697 = arith.addi %add3A_689, %select_n3A_696 : vector<16xi32>
        %eq3A_698 = arith.constant 5 : i32
        %eq3A_699 = vector.broadcast %eq3A_698 : i32 to vector<16xi32>
        %eq3A_700 = arith.cmpi eq, %get3A_655, %eq3A_699 : vector<16xi32>
        %jit3A_701 = arith.constant 0 : i32
        %broadcast_in_dim3A_702 = vector.broadcast %reduce_sum3A_71 : i32 to vector<16xi32>
        %broadcast_in_dim3A_703 = vector.broadcast %jit3A_701 : i32 to vector<16xi32>
        %select_n3A_704 = arith.select %eq3A_700, %broadcast_in_dim3A_702, %broadcast_in_dim3A_703 : vector<16xi1>, vector<16xi32>
        %add3A_705 = arith.addi %add3A_697, %select_n3A_704 : vector<16xi32>
        %eq3A_706 = arith.constant 6 : i32
        %eq3A_707 = vector.broadcast %eq3A_706 : i32 to vector<16xi32>
        %eq3A_708 = arith.cmpi eq, %get3A_655, %eq3A_707 : vector<16xi32>
        %jit3A_709 = arith.constant 0 : i32
        %broadcast_in_dim3A_710 = vector.broadcast %reduce_sum3A_81 : i32 to vector<16xi32>
        %broadcast_in_dim3A_711 = vector.broadcast %jit3A_709 : i32 to vector<16xi32>
        %select_n3A_712 = arith.select %eq3A_708, %broadcast_in_dim3A_710, %broadcast_in_dim3A_711 : vector<16xi1>, vector<16xi32>
        %add3A_713 = arith.addi %add3A_705, %select_n3A_712 : vector<16xi32>
        %eq3A_714 = arith.constant 7 : i32
        %eq3A_715 = vector.broadcast %eq3A_714 : i32 to vector<16xi32>
        %eq3A_716 = arith.cmpi eq, %get3A_655, %eq3A_715 : vector<16xi32>
        %jit3A_717 = arith.constant 0 : i32
        %broadcast_in_dim3A_718 = vector.broadcast %reduce_sum3A_91 : i32 to vector<16xi32>
        %broadcast_in_dim3A_719 = vector.broadcast %jit3A_717 : i32 to vector<16xi32>
        %select_n3A_720 = arith.select %eq3A_716, %broadcast_in_dim3A_718, %broadcast_in_dim3A_719 : vector<16xi1>, vector<16xi32>
        %add3A_721 = arith.addi %add3A_713, %select_n3A_720 : vector<16xi32>
        %get3A_722 = arith.index_cast %mul3A_576 : i32 to index
        %get3A_723 = tpu.vector_load %arg18[%get3A_722] {strides = array<i32>} : memref<2048xi32, #tpu.memory_space<vmem>>, vector<16xi32>,
        %add3A_724 = arith.addi %add3A_721, %get3A_723 : vector<16xi32>
        tpu.vector_store_idx %arg25[%add3A_724], %add3A_578 : memref<6144xi32, #tpu.memory_space<vmem>>[vector<16xi32>], vector<16xi32>,
        %get3A_725 = arith.index_cast %mul3A_576 : i32 to index
        %get3A_726 = tpu.vector_load %arg20[%get3A_725] {strides = array<i32>} : memref<2048xf32, #tpu.memory_space<vmem>>, vector<16xf32>,
        tpu.vector_store_idx %arg26[%add3A_724], %get3A_726 : memref<6144xf32, #tpu.memory_space<vmem>>[vector<16xi32>], vector<16xf32>,
        %swap3A_727 = arith.index_cast %mul3A_576 : i32 to index
        %swap3A_728 = tpu.vector_load %arg28[%swap3A_727] {strides = array<i32>} : memref<2048xi32, #tpu.memory_space<vmem>>, vector<16xi32>,
        tpu.vector_store %arg28[%swap3A_727], %add3A_724 {strides = array<i32>} : memref<2048xi32, #tpu.memory_space<vmem>>, vector<16xi32>,
      }
      %scan3A_272 = arith.constant 128 : i32
      %add3A_273 = arith.constant 0 : i32
      %add3A_274 = vector.broadcast %add3A_273 : i32 to vector<16xi32>
      %add3A_275 = arith.addi %iota3A, %add3A_274 : vector<16xi32>
      %mul3A_276 = arith.constant 256 : i32
      %mul3A_277 = vector.broadcast %mul3A_276 : i32 to vector<16xi32>
      %mul3A_278 = arith.muli %add3A_275, %mul3A_277 : vector<16xi32>
      %broadcast_in_dim3A_279 = arith.constant 0 : i32
      %broadcast_in_dim3A_280 = vector.broadcast %broadcast_in_dim3A_279 : i32 to vector<16xi32>
      %le3A = vector.broadcast %reduce_sum3A_101 : i32 to vector<16xi32>
      %le3A_281 = arith.cmpi sle, %le3A, %mul3A_278 : vector<16xi32>
      %jit3A_282 = arith.constant 1 : i32
      %jit3A_283 = arith.constant 0 : i32
      %broadcast_in_dim3A_284 = vector.broadcast %jit3A_282 : i32 to vector<16xi32>
      %broadcast_in_dim3A_285 = vector.broadcast %jit3A_283 : i32 to vector<16xi32>
      %select_n3A_286 = arith.select %le3A_281, %broadcast_in_dim3A_284, %broadcast_in_dim3A_285 : vector<16xi1>, vector<16xi32>
      %add3A_287 = arith.addi %broadcast_in_dim3A_280, %select_n3A_286 : vector<16xi32>
      %le3A_288 = vector.broadcast %reduce_sum3A_111 : i32 to vector<16xi32>
      %le3A_289 = arith.cmpi sle, %le3A_288, %mul3A_278 : vector<16xi32>
      %jit3A_290 = arith.constant 1 : i32
      %jit3A_291 = arith.constant 0 : i32
      %broadcast_in_dim3A_292 = vector.broadcast %jit3A_290 : i32 to vector<16xi32>
      %broadcast_in_dim3A_293 = vector.broadcast %jit3A_291 : i32 to vector<16xi32>
      %select_n3A_294 = arith.select %le3A_289, %broadcast_in_dim3A_292, %broadcast_in_dim3A_293 : vector<16xi1>, vector<16xi32>
      %add3A_295 = arith.addi %add3A_287, %select_n3A_294 : vector<16xi32>
      %le3A_296 = vector.broadcast %reduce_sum3A_121 : i32 to vector<16xi32>
      %le3A_297 = arith.cmpi sle, %le3A_296, %mul3A_278 : vector<16xi32>
      %jit3A_298 = arith.constant 1 : i32
      %jit3A_299 = arith.constant 0 : i32
      %broadcast_in_dim3A_300 = vector.broadcast %jit3A_298 : i32 to vector<16xi32>
      %broadcast_in_dim3A_301 = vector.broadcast %jit3A_299 : i32 to vector<16xi32>
      %select_n3A_302 = arith.select %le3A_297, %broadcast_in_dim3A_300, %broadcast_in_dim3A_301 : vector<16xi1>, vector<16xi32>
      %add3A_303 = arith.addi %add3A_295, %select_n3A_302 : vector<16xi32>
      %le3A_304 = vector.broadcast %reduce_sum3A_131 : i32 to vector<16xi32>
      %le3A_305 = arith.cmpi sle, %le3A_304, %mul3A_278 : vector<16xi32>
      %jit3A_306 = arith.constant 1 : i32
      %jit3A_307 = arith.constant 0 : i32
      %broadcast_in_dim3A_308 = vector.broadcast %jit3A_306 : i32 to vector<16xi32>
      %broadcast_in_dim3A_309 = vector.broadcast %jit3A_307 : i32 to vector<16xi32>
      %select_n3A_310 = arith.select %le3A_305, %broadcast_in_dim3A_308, %broadcast_in_dim3A_309 : vector<16xi1>, vector<16xi32>
      %add3A_311 = arith.addi %add3A_303, %select_n3A_310 : vector<16xi32>
      %le3A_312 = vector.broadcast %reduce_sum3A_141 : i32 to vector<16xi32>
      %le3A_313 = arith.cmpi sle, %le3A_312, %mul3A_278 : vector<16xi32>
      %jit3A_314 = arith.constant 1 : i32
      %jit3A_315 = arith.constant 0 : i32
      %broadcast_in_dim3A_316 = vector.broadcast %jit3A_314 : i32 to vector<16xi32>
      %broadcast_in_dim3A_317 = vector.broadcast %jit3A_315 : i32 to vector<16xi32>
      %select_n3A_318 = arith.select %le3A_313, %broadcast_in_dim3A_316, %broadcast_in_dim3A_317 : vector<16xi1>, vector<16xi32>
      %add3A_319 = arith.addi %add3A_311, %select_n3A_318 : vector<16xi32>
      %le3A_320 = vector.broadcast %reduce_sum3A_151 : i32 to vector<16xi32>
      %le3A_321 = arith.cmpi sle, %le3A_320, %mul3A_278 : vector<16xi32>
      %jit3A_322 = arith.constant 1 : i32
      %jit3A_323 = arith.constant 0 : i32
      %broadcast_in_dim3A_324 = vector.broadcast %jit3A_322 : i32 to vector<16xi32>
      %broadcast_in_dim3A_325 = vector.broadcast %jit3A_323 : i32 to vector<16xi32>
      %select_n3A_326 = arith.select %le3A_321, %broadcast_in_dim3A_324, %broadcast_in_dim3A_325 : vector<16xi1>, vector<16xi32>
      %add3A_327 = arith.addi %add3A_319, %select_n3A_326 : vector<16xi32>
      %le3A_328 = vector.broadcast %reduce_sum3A_161 : i32 to vector<16xi32>
      %le3A_329 = arith.cmpi sle, %le3A_328, %mul3A_278 : vector<16xi32>
      %jit3A_330 = arith.constant 1 : i32
      %jit3A_331 = arith.constant 0 : i32
      %broadcast_in_dim3A_332 = vector.broadcast %jit3A_330 : i32 to vector<16xi32>
      %broadcast_in_dim3A_333 = vector.broadcast %jit3A_331 : i32 to vector<16xi32>
      %select_n3A_334 = arith.select %le3A_329, %broadcast_in_dim3A_332, %broadcast_in_dim3A_333 : vector<16xi1>, vector<16xi32>
      %add3A_335 = arith.addi %add3A_327, %select_n3A_334 : vector<16xi32>
      %le3A_336 = vector.broadcast %reduce_sum3A_171 : i32 to vector<16xi32>
      %le3A_337 = arith.cmpi sle, %le3A_336, %mul3A_278 : vector<16xi32>
      %jit3A_338 = arith.constant 1 : i32
      %jit3A_339 = arith.constant 0 : i32
      %broadcast_in_dim3A_340 = vector.broadcast %jit3A_338 : i32 to vector<16xi32>
      %broadcast_in_dim3A_341 = vector.broadcast %jit3A_339 : i32 to vector<16xi32>
      %select_n3A_342 = arith.select %le3A_337, %broadcast_in_dim3A_340, %broadcast_in_dim3A_341 : vector<16xi1>, vector<16xi32>
      %add3A_343 = arith.addi %add3A_335, %select_n3A_342 : vector<16xi32>
      %min3A = arith.constant 7 : i32
      %min3A_344 = vector.broadcast %min3A : i32 to vector<16xi32>
      %min3A_345 = arith.minsi %add3A_343, %min3A_344 : vector<16xi32>
      %swap3A_346 = arith.constant 0 : index
      %swap3A_347 = tpu.vector_load %arg29[%swap3A_346] {strides = array<i32>} : memref<32xi32, #tpu.memory_space<vmem>>, vector<16xi32>,
      tpu.vector_store %arg29[%swap3A_346], %min3A_345 {strides = array<i32>} : memref<32xi32, #tpu.memory_space<vmem>>, vector<16xi32>,
      %broadcast_in_dim3A_348 = arith.constant 0 : i32
      %broadcast_in_dim3A_349 = vector.broadcast %broadcast_in_dim3A_348 : i32 to vector<16xi32>
      %eq3A_350 = arith.constant 0 : i32
      %eq3A_351 = vector.broadcast %eq3A_350 : i32 to vector<16xi32>
      %eq3A_352 = arith.cmpi eq, %min3A_345, %eq3A_351 : vector<16xi32>
      %jit3A_353 = arith.constant 0 : i32
      %broadcast_in_dim3A_354 = vector.broadcast %reduce_sum3A_182 : i32 to vector<16xi32>
      %broadcast_in_dim3A_355 = vector.broadcast %jit3A_353 : i32 to vector<16xi32>
      %select_n3A_356 = arith.select %eq3A_352, %broadcast_in_dim3A_354, %broadcast_in_dim3A_355 : vector<16xi1>, vector<16xi32>
      %add3A_357 = arith.addi %broadcast_in_dim3A_349, %select_n3A_356 : vector<16xi32>
      %eq3A_358 = arith.constant 1 : i32
      %eq3A_359 = vector.broadcast %eq3A_358 : i32 to vector<16xi32>
      %eq3A_360 = arith.cmpi eq, %min3A_345, %eq3A_359 : vector<16xi32>
      %jit3A_361 = arith.constant 0 : i32
      %broadcast_in_dim3A_362 = vector.broadcast %reduce_sum3A_193 : i32 to vector<16xi32>
      %broadcast_in_dim3A_363 = vector.broadcast %jit3A_361 : i32 to vector<16xi32>
      %select_n3A_364 = arith.select %eq3A_360, %broadcast_in_dim3A_362, %broadcast_in_dim3A_363 : vector<16xi1>, vector<16xi32>
      %add3A_365 = arith.addi %add3A_357, %select_n3A_364 : vector<16xi32>
      %eq3A_366 = arith.constant 2 : i32
      %eq3A_367 = vector.broadcast %eq3A_366 : i32 to vector<16xi32>
      %eq3A_368 = arith.cmpi eq, %min3A_345, %eq3A_367 : vector<16xi32>
      %jit3A_369 = arith.constant 0 : i32
      %broadcast_in_dim3A_370 = vector.broadcast %reduce_sum3A_204 : i32 to vector<16xi32>
      %broadcast_in_dim3A_371 = vector.broadcast %jit3A_369 : i32 to vector<16xi32>
      %select_n3A_372 = arith.select %eq3A_368, %broadcast_in_dim3A_370, %broadcast_in_dim3A_371 : vector<16xi1>, vector<16xi32>
      %add3A_373 = arith.addi %add3A_365, %select_n3A_372 : vector<16xi32>
      %eq3A_374 = arith.constant 3 : i32
      %eq3A_375 = vector.broadcast %eq3A_374 : i32 to vector<16xi32>
      %eq3A_376 = arith.cmpi eq, %min3A_345, %eq3A_375 : vector<16xi32>
      %jit3A_377 = arith.constant 0 : i32
      %broadcast_in_dim3A_378 = vector.broadcast %reduce_sum3A_215 : i32 to vector<16xi32>
      %broadcast_in_dim3A_379 = vector.broadcast %jit3A_377 : i32 to vector<16xi32>
      %select_n3A_380 = arith.select %eq3A_376, %broadcast_in_dim3A_378, %broadcast_in_dim3A_379 : vector<16xi1>, vector<16xi32>
      %add3A_381 = arith.addi %add3A_373, %select_n3A_380 : vector<16xi32>
      %eq3A_382 = arith.constant 4 : i32
      %eq3A_383 = vector.broadcast %eq3A_382 : i32 to vector<16xi32>
      %eq3A_384 = arith.cmpi eq, %min3A_345, %eq3A_383 : vector<16xi32>
      %jit3A_385 = arith.constant 0 : i32
      %broadcast_in_dim3A_386 = vector.broadcast %reduce_sum3A_226 : i32 to vector<16xi32>
      %broadcast_in_dim3A_387 = vector.broadcast %jit3A_385 : i32 to vector<16xi32>
      %select_n3A_388 = arith.select %eq3A_384, %broadcast_in_dim3A_386, %broadcast_in_dim3A_387 : vector<16xi1>, vector<16xi32>
      %add3A_389 = arith.addi %add3A_381, %select_n3A_388 : vector<16xi32>
      %eq3A_390 = arith.constant 5 : i32
      %eq3A_391 = vector.broadcast %eq3A_390 : i32 to vector<16xi32>
      %eq3A_392 = arith.cmpi eq, %min3A_345, %eq3A_391 : vector<16xi32>
      %jit3A_393 = arith.constant 0 : i32
      %broadcast_in_dim3A_394 = vector.broadcast %reduce_sum3A_237 : i32 to vector<16xi32>
      %broadcast_in_dim3A_395 = vector.broadcast %jit3A_393 : i32 to vector<16xi32>
      %select_n3A_396 = arith.select %eq3A_392, %broadcast_in_dim3A_394, %broadcast_in_dim3A_395 : vector<16xi1>, vector<16xi32>
      %add3A_397 = arith.addi %add3A_389, %select_n3A_396 : vector<16xi32>
      %eq3A_398 = arith.constant 6 : i32
      %eq3A_399 = vector.broadcast %eq3A_398 : i32 to vector<16xi32>
      %eq3A_400 = arith.cmpi eq, %min3A_345, %eq3A_399 : vector<16xi32>
      %jit3A_401 = arith.constant 0 : i32
      %broadcast_in_dim3A_402 = vector.broadcast %reduce_sum3A_248 : i32 to vector<16xi32>
      %broadcast_in_dim3A_403 = vector.broadcast %jit3A_401 : i32 to vector<16xi32>
      %select_n3A_404 = arith.select %eq3A_400, %broadcast_in_dim3A_402, %broadcast_in_dim3A_403 : vector<16xi1>, vector<16xi32>
      %add3A_405 = arith.addi %add3A_397, %select_n3A_404 : vector<16xi32>
      %eq3A_406 = arith.constant 7 : i32
      %eq3A_407 = vector.broadcast %eq3A_406 : i32 to vector<16xi32>
      %eq3A_408 = arith.cmpi eq, %min3A_345, %eq3A_407 : vector<16xi32>
      %jit3A_409 = arith.constant 0 : i32
      %broadcast_in_dim3A_410 = vector.broadcast %reduce_sum3A_259 : i32 to vector<16xi32>
      %broadcast_in_dim3A_411 = vector.broadcast %jit3A_409 : i32 to vector<16xi32>
      %select_n3A_412 = arith.select %eq3A_408, %broadcast_in_dim3A_410, %broadcast_in_dim3A_411 : vector<16xi1>, vector<16xi32>
      %add3A_413 = arith.addi %add3A_405, %select_n3A_412 : vector<16xi32>
      %sub3A_414 = arith.subi %add3A_413, %mul3A_278 : vector<16xi32>
      %jit3A_415 = arith.constant 0 : i32
      %jit3A_416 = arith.constant 256 : i32
      %max3A = vector.broadcast %jit3A_415 : i32 to vector<16xi32>
      %max3A_417 = arith.maxsi %max3A, %sub3A_414 : vector<16xi32>
      %min3A_418 = vector.broadcast %jit3A_416 : i32 to vector<16xi32>
      %min3A_419 = arith.minsi %min3A_418, %max3A_417 : vector<16xi32>
      %swap3A_420 = arith.constant 0 : index
      %swap3A_421 = tpu.vector_load %arg30[%swap3A_420] {strides = array<i32>} : memref<32xi32, #tpu.memory_space<vmem>>, vector<16xi32>,
      tpu.vector_store %arg30[%swap3A_420], %min3A_419 {strides = array<i32>} : memref<32xi32, #tpu.memory_space<vmem>>, vector<16xi32>,
      %add3A_422 = arith.constant 16 : i32
      %add3A_423 = vector.broadcast %add3A_422 : i32 to vector<16xi32>
      %add3A_424 = arith.addi %iota3A, %add3A_423 : vector<16xi32>
      %mul3A_425 = arith.constant 256 : i32
      %mul3A_426 = vector.broadcast %mul3A_425 : i32 to vector<16xi32>
      %mul3A_427 = arith.muli %add3A_424, %mul3A_426 : vector<16xi32>
      %broadcast_in_dim3A_428 = arith.constant 0 : i32
      %broadcast_in_dim3A_429 = vector.broadcast %broadcast_in_dim3A_428 : i32 to vector<16xi32>
      %le3A_430 = vector.broadcast %reduce_sum3A_101 : i32 to vector<16xi32>
      %le3A_431 = arith.cmpi sle, %le3A_430, %mul3A_427 : vector<16xi32>
      %jit3A_432 = arith.constant 1 : i32
      %jit3A_433 = arith.constant 0 : i32
      %broadcast_in_dim3A_434 = vector.broadcast %jit3A_432 : i32 to vector<16xi32>
      %broadcast_in_dim3A_435 = vector.broadcast %jit3A_433 : i32 to vector<16xi32>
      %select_n3A_436 = arith.select %le3A_431, %broadcast_in_dim3A_434, %broadcast_in_dim3A_435 : vector<16xi1>, vector<16xi32>
      %add3A_437 = arith.addi %broadcast_in_dim3A_429, %select_n3A_436 : vector<16xi32>
      %le3A_438 = vector.broadcast %reduce_sum3A_111 : i32 to vector<16xi32>
      %le3A_439 = arith.cmpi sle, %le3A_438, %mul3A_427 : vector<16xi32>
      %jit3A_440 = arith.constant 1 : i32
      %jit3A_441 = arith.constant 0 : i32
      %broadcast_in_dim3A_442 = vector.broadcast %jit3A_440 : i32 to vector<16xi32>
      %broadcast_in_dim3A_443 = vector.broadcast %jit3A_441 : i32 to vector<16xi32>
      %select_n3A_444 = arith.select %le3A_439, %broadcast_in_dim3A_442, %broadcast_in_dim3A_443 : vector<16xi1>, vector<16xi32>
      %add3A_445 = arith.addi %add3A_437, %select_n3A_444 : vector<16xi32>
      %le3A_446 = vector.broadcast %reduce_sum3A_121 : i32 to vector<16xi32>
      %le3A_447 = arith.cmpi sle, %le3A_446, %mul3A_427 : vector<16xi32>
      %jit3A_448 = arith.constant 1 : i32
      %jit3A_449 = arith.constant 0 : i32
      %broadcast_in_dim3A_450 = vector.broadcast %jit3A_448 : i32 to vector<16xi32>
      %broadcast_in_dim3A_451 = vector.broadcast %jit3A_449 : i32 to vector<16xi32>
      %select_n3A_452 = arith.select %le3A_447, %broadcast_in_dim3A_450, %broadcast_in_dim3A_451 : vector<16xi1>, vector<16xi32>
      %add3A_453 = arith.addi %add3A_445, %select_n3A_452 : vector<16xi32>
      %le3A_454 = vector.broadcast %reduce_sum3A_131 : i32 to vector<16xi32>
      %le3A_455 = arith.cmpi sle, %le3A_454, %mul3A_427 : vector<16xi32>
      %jit3A_456 = arith.constant 1 : i32
      %jit3A_457 = arith.constant 0 : i32
      %broadcast_in_dim3A_458 = vector.broadcast %jit3A_456 : i32 to vector<16xi32>
      %broadcast_in_dim3A_459 = vector.broadcast %jit3A_457 : i32 to vector<16xi32>
      %select_n3A_460 = arith.select %le3A_455, %broadcast_in_dim3A_458, %broadcast_in_dim3A_459 : vector<16xi1>, vector<16xi32>
      %add3A_461 = arith.addi %add3A_453, %select_n3A_460 : vector<16xi32>
      %le3A_462 = vector.broadcast %reduce_sum3A_141 : i32 to vector<16xi32>
      %le3A_463 = arith.cmpi sle, %le3A_462, %mul3A_427 : vector<16xi32>
      %jit3A_464 = arith.constant 1 : i32
      %jit3A_465 = arith.constant 0 : i32
      %broadcast_in_dim3A_466 = vector.broadcast %jit3A_464 : i32 to vector<16xi32>
      %broadcast_in_dim3A_467 = vector.broadcast %jit3A_465 : i32 to vector<16xi32>
      %select_n3A_468 = arith.select %le3A_463, %broadcast_in_dim3A_466, %broadcast_in_dim3A_467 : vector<16xi1>, vector<16xi32>
      %add3A_469 = arith.addi %add3A_461, %select_n3A_468 : vector<16xi32>
      %le3A_470 = vector.broadcast %reduce_sum3A_151 : i32 to vector<16xi32>
      %le3A_471 = arith.cmpi sle, %le3A_470, %mul3A_427 : vector<16xi32>
      %jit3A_472 = arith.constant 1 : i32
      %jit3A_473 = arith.constant 0 : i32
      %broadcast_in_dim3A_474 = vector.broadcast %jit3A_472 : i32 to vector<16xi32>
      %broadcast_in_dim3A_475 = vector.broadcast %jit3A_473 : i32 to vector<16xi32>
      %select_n3A_476 = arith.select %le3A_471, %broadcast_in_dim3A_474, %broadcast_in_dim3A_475 : vector<16xi1>, vector<16xi32>
      %add3A_477 = arith.addi %add3A_469, %select_n3A_476 : vector<16xi32>
      %le3A_478 = vector.broadcast %reduce_sum3A_161 : i32 to vector<16xi32>
      %le3A_479 = arith.cmpi sle, %le3A_478, %mul3A_427 : vector<16xi32>
      %jit3A_480 = arith.constant 1 : i32
      %jit3A_481 = arith.constant 0 : i32
      %broadcast_in_dim3A_482 = vector.broadcast %jit3A_480 : i32 to vector<16xi32>
      %broadcast_in_dim3A_483 = vector.broadcast %jit3A_481 : i32 to vector<16xi32>
      %select_n3A_484 = arith.select %le3A_479, %broadcast_in_dim3A_482, %broadcast_in_dim3A_483 : vector<16xi1>, vector<16xi32>
      %add3A_485 = arith.addi %add3A_477, %select_n3A_484 : vector<16xi32>
      %le3A_486 = vector.broadcast %reduce_sum3A_171 : i32 to vector<16xi32>
      %le3A_487 = arith.cmpi sle, %le3A_486, %mul3A_427 : vector<16xi32>
      %jit3A_488 = arith.constant 1 : i32
      %jit3A_489 = arith.constant 0 : i32
      %broadcast_in_dim3A_490 = vector.broadcast %jit3A_488 : i32 to vector<16xi32>
      %broadcast_in_dim3A_491 = vector.broadcast %jit3A_489 : i32 to vector<16xi32>
      %select_n3A_492 = arith.select %le3A_487, %broadcast_in_dim3A_490, %broadcast_in_dim3A_491 : vector<16xi1>, vector<16xi32>
      %add3A_493 = arith.addi %add3A_485, %select_n3A_492 : vector<16xi32>
      %min3A_494 = arith.constant 7 : i32
      %min3A_495 = vector.broadcast %min3A_494 : i32 to vector<16xi32>
      %min3A_496 = arith.minsi %add3A_493, %min3A_495 : vector<16xi32>
      %swap3A_497 = arith.constant 16 : index
      %swap3A_498 = tpu.vector_load %arg29[%swap3A_497] {strides = array<i32>} : memref<32xi32, #tpu.memory_space<vmem>>, vector<16xi32>,
      tpu.vector_store %arg29[%swap3A_497], %min3A_496 {strides = array<i32>} : memref<32xi32, #tpu.memory_space<vmem>>, vector<16xi32>,
      %broadcast_in_dim3A_499 = arith.constant 0 : i32
      %broadcast_in_dim3A_500 = vector.broadcast %broadcast_in_dim3A_499 : i32 to vector<16xi32>
      %eq3A_501 = arith.constant 0 : i32
      %eq3A_502 = vector.broadcast %eq3A_501 : i32 to vector<16xi32>
      %eq3A_503 = arith.cmpi eq, %min3A_496, %eq3A_502 : vector<16xi32>
      %jit3A_504 = arith.constant 0 : i32
      %broadcast_in_dim3A_505 = vector.broadcast %reduce_sum3A_182 : i32 to vector<16xi32>
      %broadcast_in_dim3A_506 = vector.broadcast %jit3A_504 : i32 to vector<16xi32>
      %select_n3A_507 = arith.select %eq3A_503, %broadcast_in_dim3A_505, %broadcast_in_dim3A_506 : vector<16xi1>, vector<16xi32>
      %add3A_508 = arith.addi %broadcast_in_dim3A_500, %select_n3A_507 : vector<16xi32>
      %eq3A_509 = arith.constant 1 : i32
      %eq3A_510 = vector.broadcast %eq3A_509 : i32 to vector<16xi32>
      %eq3A_511 = arith.cmpi eq, %min3A_496, %eq3A_510 : vector<16xi32>
      %jit3A_512 = arith.constant 0 : i32
      %broadcast_in_dim3A_513 = vector.broadcast %reduce_sum3A_193 : i32 to vector<16xi32>
      %broadcast_in_dim3A_514 = vector.broadcast %jit3A_512 : i32 to vector<16xi32>
      %select_n3A_515 = arith.select %eq3A_511, %broadcast_in_dim3A_513, %broadcast_in_dim3A_514 : vector<16xi1>, vector<16xi32>
      %add3A_516 = arith.addi %add3A_508, %select_n3A_515 : vector<16xi32>
      %eq3A_517 = arith.constant 2 : i32
      %eq3A_518 = vector.broadcast %eq3A_517 : i32 to vector<16xi32>
      %eq3A_519 = arith.cmpi eq, %min3A_496, %eq3A_518 : vector<16xi32>
      %jit3A_520 = arith.constant 0 : i32
      %broadcast_in_dim3A_521 = vector.broadcast %reduce_sum3A_204 : i32 to vector<16xi32>
      %broadcast_in_dim3A_522 = vector.broadcast %jit3A_520 : i32 to vector<16xi32>
      %select_n3A_523 = arith.select %eq3A_519, %broadcast_in_dim3A_521, %broadcast_in_dim3A_522 : vector<16xi1>, vector<16xi32>
      %add3A_524 = arith.addi %add3A_516, %select_n3A_523 : vector<16xi32>
      %eq3A_525 = arith.constant 3 : i32
      %eq3A_526 = vector.broadcast %eq3A_525 : i32 to vector<16xi32>
      %eq3A_527 = arith.cmpi eq, %min3A_496, %eq3A_526 : vector<16xi32>
      %jit3A_528 = arith.constant 0 : i32
      %broadcast_in_dim3A_529 = vector.broadcast %reduce_sum3A_215 : i32 to vector<16xi32>
      %broadcast_in_dim3A_530 = vector.broadcast %jit3A_528 : i32 to vector<16xi32>
      %select_n3A_531 = arith.select %eq3A_527, %broadcast_in_dim3A_529, %broadcast_in_dim3A_530 : vector<16xi1>, vector<16xi32>
      %add3A_532 = arith.addi %add3A_524, %select_n3A_531 : vector<16xi32>
      %eq3A_533 = arith.constant 4 : i32
      %eq3A_534 = vector.broadcast %eq3A_533 : i32 to vector<16xi32>
      %eq3A_535 = arith.cmpi eq, %min3A_496, %eq3A_534 : vector<16xi32>
      %jit3A_536 = arith.constant 0 : i32
      %broadcast_in_dim3A_537 = vector.broadcast %reduce_sum3A_226 : i32 to vector<16xi32>
      %broadcast_in_dim3A_538 = vector.broadcast %jit3A_536 : i32 to vector<16xi32>
      %select_n3A_539 = arith.select %eq3A_535, %broadcast_in_dim3A_537, %broadcast_in_dim3A_538 : vector<16xi1>, vector<16xi32>
      %add3A_540 = arith.addi %add3A_532, %select_n3A_539 : vector<16xi32>
      %eq3A_541 = arith.constant 5 : i32
      %eq3A_542 = vector.broadcast %eq3A_541 : i32 to vector<16xi32>
      %eq3A_543 = arith.cmpi eq, %min3A_496, %eq3A_542 : vector<16xi32>
      %jit3A_544 = arith.constant 0 : i32
      %broadcast_in_dim3A_545 = vector.broadcast %reduce_sum3A_237 : i32 to vector<16xi32>
      %broadcast_in_dim3A_546 = vector.broadcast %jit3A_544 : i32 to vector<16xi32>
      %select_n3A_547 = arith.select %eq3A_543, %broadcast_in_dim3A_545, %broadcast_in_dim3A_546 : vector<16xi1>, vector<16xi32>
      %add3A_548 = arith.addi %add3A_540, %select_n3A_547 : vector<16xi32>
      %eq3A_549 = arith.constant 6 : i32
      %eq3A_550 = vector.broadcast %eq3A_549 : i32 to vector<16xi32>
      %eq3A_551 = arith.cmpi eq, %min3A_496, %eq3A_550 : vector<16xi32>
      %jit3A_552 = arith.constant 0 : i32
      %broadcast_in_dim3A_553 = vector.broadcast %reduce_sum3A_248 : i32 to vector<16xi32>
      %broadcast_in_dim3A_554 = vector.broadcast %jit3A_552 : i32 to vector<16xi32>
      %select_n3A_555 = arith.select %eq3A_551, %broadcast_in_dim3A_553, %broadcast_in_dim3A_554 : vector<16xi1>, vector<16xi32>
      %add3A_556 = arith.addi %add3A_548, %select_n3A_555 : vector<16xi32>
      %eq3A_557 = arith.constant 7 : i32
      %eq3A_558 = vector.broadcast %eq3A_557 : i32 to vector<16xi32>
      %eq3A_559 = arith.cmpi eq, %min3A_496, %eq3A_558 : vector<16xi32>
      %jit3A_560 = arith.constant 0 : i32
      %broadcast_in_dim3A_561 = vector.broadcast %reduce_sum3A_259 : i32 to vector<16xi32>
      %broadcast_in_dim3A_562 = vector.broadcast %jit3A_560 : i32 to vector<16xi32>
      %select_n3A_563 = arith.select %eq3A_559, %broadcast_in_dim3A_561, %broadcast_in_dim3A_562 : vector<16xi1>, vector<16xi32>
      %add3A_564 = arith.addi %add3A_556, %select_n3A_563 : vector<16xi32>
      %sub3A_565 = arith.subi %add3A_564, %mul3A_427 : vector<16xi32>
      %jit3A_566 = arith.constant 0 : i32
      %jit3A_567 = arith.constant 256 : i32
      %max3A_568 = vector.broadcast %jit3A_566 : i32 to vector<16xi32>
      %max3A_569 = arith.maxsi %max3A_568, %sub3A_565 : vector<16xi32>
      %min3A_570 = vector.broadcast %jit3A_567 : i32 to vector<16xi32>
      %min3A_571 = arith.minsi %min3A_570, %max3A_569 : vector<16xi32>
      %swap3A_572 = arith.constant 16 : index
      %swap3A_573 = tpu.vector_load %arg30[%swap3A_572] {strides = array<i32>} : memref<32xi32, #tpu.memory_space<vmem>>, vector<16xi32>,
      tpu.vector_store %arg30[%swap3A_572], %min3A_571 {strides = array<i32>} : memref<32xi32, #tpu.memory_space<vmem>>, vector<16xi32>,
      "tpu.region"() ({
        %run_scoped3A = tpu.sem_alloc : memref<!tpu.dma_semaphore, #tpu.memory_space<semaphore_mem>>
        tpu.enqueue_dma source(%arg25 : memref<6144xi32, #tpu.memory_space<vmem>>) target(%arg9 : memref<6144xi32, #tpu.memory_space<hbm>>) target_semaphore(%run_scoped3A : memref<!tpu.dma_semaphore, #tpu.memory_space<semaphore_mem>>)
        tpu.wait_dma2 semaphore(%run_scoped3A : memref<!tpu.dma_semaphore, #tpu.memory_space<semaphore_mem>>) src(%arg25 : memref<6144xi32, #tpu.memory_space<vmem>>) dst(%arg9 : memref<6144xi32, #tpu.memory_space<hbm>>)
        tpu.yield
      }) : () -> ()
      "tpu.region"() ({
        %run_scoped3A = tpu.sem_alloc : memref<!tpu.dma_semaphore, #tpu.memory_space<semaphore_mem>>
        tpu.enqueue_dma source(%arg26 : memref<6144xf32, #tpu.memory_space<vmem>>) target(%arg10 : memref<6144xf32, #tpu.memory_space<hbm>>) target_semaphore(%run_scoped3A : memref<!tpu.dma_semaphore, #tpu.memory_space<semaphore_mem>>)
        tpu.wait_dma2 semaphore(%run_scoped3A : memref<!tpu.dma_semaphore, #tpu.memory_space<semaphore_mem>>) src(%arg26 : memref<6144xf32, #tpu.memory_space<vmem>>) dst(%arg10 : memref<6144xf32, #tpu.memory_space<hbm>>)
        tpu.yield
      }) : () -> ()
      "tpu.region"() ({
        %run_scoped3A = tpu.sem_alloc : memref<!tpu.dma_semaphore, #tpu.memory_space<semaphore_mem>>
        tpu.enqueue_dma source(%arg27 : memref<2048xi32, #tpu.memory_space<vmem>>) target(%arg11 : memref<2048xi32, #tpu.memory_space<hbm>>) target_semaphore(%run_scoped3A : memref<!tpu.dma_semaphore, #tpu.memory_space<semaphore_mem>>)
        tpu.wait_dma2 semaphore(%run_scoped3A : memref<!tpu.dma_semaphore, #tpu.memory_space<semaphore_mem>>) src(%arg27 : memref<2048xi32, #tpu.memory_space<vmem>>) dst(%arg11 : memref<2048xi32, #tpu.memory_space<hbm>>)
        tpu.yield
      }) : () -> ()
      "tpu.region"() ({
        %run_scoped3A = tpu.sem_alloc : memref<!tpu.dma_semaphore, #tpu.memory_space<semaphore_mem>>
        tpu.enqueue_dma source(%arg28 : memref<2048xi32, #tpu.memory_space<vmem>>) target(%arg12 : memref<2048xi32, #tpu.memory_space<hbm>>) target_semaphore(%run_scoped3A : memref<!tpu.dma_semaphore, #tpu.memory_space<semaphore_mem>>)
        tpu.wait_dma2 semaphore(%run_scoped3A : memref<!tpu.dma_semaphore, #tpu.memory_space<semaphore_mem>>) src(%arg28 : memref<2048xi32, #tpu.memory_space<vmem>>) dst(%arg12 : memref<2048xi32, #tpu.memory_space<hbm>>)
        tpu.yield
      }) : () -> ()
      "tpu.region"() ({
        %run_scoped3A = tpu.sem_alloc : memref<!tpu.dma_semaphore, #tpu.memory_space<semaphore_mem>>
        tpu.enqueue_dma source(%arg29 : memref<32xi32, #tpu.memory_space<vmem>>) target(%arg13 : memref<32xi32, #tpu.memory_space<hbm>>) target_semaphore(%run_scoped3A : memref<!tpu.dma_semaphore, #tpu.memory_space<semaphore_mem>>)
        tpu.wait_dma2 semaphore(%run_scoped3A : memref<!tpu.dma_semaphore, #tpu.memory_space<semaphore_mem>>) src(%arg29 : memref<32xi32, #tpu.memory_space<vmem>>) dst(%arg13 : memref<32xi32, #tpu.memory_space<hbm>>)
        tpu.yield
      }) : () -> ()
      "tpu.region"() ({
        %run_scoped3A = tpu.sem_alloc : memref<!tpu.dma_semaphore, #tpu.memory_space<semaphore_mem>>
        tpu.enqueue_dma source(%arg30 : memref<32xi32, #tpu.memory_space<vmem>>) target(%arg14 : memref<32xi32, #tpu.memory_space<hbm>>) target_semaphore(%run_scoped3A : memref<!tpu.dma_semaphore, #tpu.memory_space<semaphore_mem>>)
        tpu.wait_dma2 semaphore(%run_scoped3A : memref<!tpu.dma_semaphore, #tpu.memory_space<semaphore_mem>>) src(%arg30 : memref<32xi32, #tpu.memory_space<vmem>>) dst(%arg14 : memref<32xi32, #tpu.memory_space<hbm>>)
        tpu.yield
      }) : () -> ()
    } else {
    }
    return
  }
}

module attributes {stable_mosaic.version = 14 : i64} {
  func.func @_ffn_body(%arg0: i32, %arg1: memref<32xi32, #tpu.memory_space<smem>>, %arg2: memref<32xi32, #tpu.memory_space<smem>>, %arg3: memref<2048x768xbf16, #tpu.memory_space<any>>, %arg4: memref<1x1x256xi32, #tpu.memory_space<vmem>>, %arg5: memref<1x1x256xf32, #tpu.memory_space<vmem>>, %arg6: memref<1x3072x768xf32, #tpu.memory_space<vmem>>, %arg7: memref<1x768x3072xf32, #tpu.memory_space<vmem>>, %arg8: memref<1x3072x768xf32, #tpu.memory_space<vmem>>, %arg9: memref<256x768xf32, #tpu.memory_space<vmem>>, %arg10: memref<2048x768xbf16, #tpu.memory_space<vmem>>, %arg11: memref<!tpu.dma_semaphore, #tpu.memory_space<semaphore_mem>>) attributes {dimension_semantics = [#tpu.dimension_semantics<arbitrary>], iteration_bounds = array<i64: 24>, scalar_prefetch = 2 : i64, scratch_operands = 2 : i64, tpu.core_type = #tpu.core_type<tc>, window_params = [{}, {transform_indices = @transform_1, window_bounds = array<i64: 1, 1, 256>}, {transform_indices = @transform_2, window_bounds = array<i64: 1, 1, 256>}, {transform_indices = @transform_3, window_bounds = array<i64: 1, 3072, 768>}, {transform_indices = @transform_4, window_bounds = array<i64: 1, 768, 3072>}, {transform_indices = @transform_5, window_bounds = array<i64: 1, 3072, 768>}, {transform_indices = @transform_6, window_bounds = array<i64: 256, 768>}]} {
    %get3A = arith.index_cast %arg0 : i32 to index
    %get3A_0 = memref.load %arg2[%get3A] : memref<32xi32, #tpu.memory_space<smem>>
    %eq3A = arith.constant 0 : i32
    %eq3A_1 = arith.cmpi eq, %arg0, %eq3A : i32
    %convert_element_type3A = arith.extui %eq3A_1 : i1 to i32
    %cond3A = arith.constant 0 : i32
    %cond3A_2 = arith.cmpi ne, %convert_element_type3A, %cond3A : i32
    scf.if %cond3A_2 {
      tpu.enqueue_dma source(%arg3 : memref<2048x768xbf16, #tpu.memory_space<any>>) target(%arg10 : memref<2048x768xbf16, #tpu.memory_space<vmem>>) target_semaphore(%arg11 : memref<!tpu.dma_semaphore, #tpu.memory_space<semaphore_mem>>)
      tpu.wait_dma2 semaphore(%arg11 : memref<!tpu.dma_semaphore, #tpu.memory_space<semaphore_mem>>) src(%arg3 : memref<2048x768xbf16, #tpu.memory_space<any>>) dst(%arg10 : memref<2048x768xbf16, #tpu.memory_space<vmem>>)
    } else {
    }
    %gt3A = arith.constant 0 : i32
    %gt3A_3 = arith.cmpi sgt, %get3A_0, %gt3A : i32
    %convert_element_type3A_4 = arith.extui %gt3A_3 : i1 to i32
    %cond3A_5 = arith.constant 0 : i32
    %cond3A_6 = arith.cmpi ne, %convert_element_type3A_4, %cond3A_5 : i32
    scf.if %cond3A_6 {
      %get3A_7 = arith.constant 0 : index
      %get3A_8 = arith.constant 0 : index
      %get3A_9 = arith.constant 0 : index
      %get3A_10 = vector.load %arg4[%get3A_7, %get3A_8, %get3A_9] : memref<1x1x256xi32, #tpu.memory_space<vmem>>, vector<1x1x256xi32>
      %get3A_11 = vector.shape_cast %get3A_10 : vector<1x1x256xi32> to vector<256xi32>
      %iota3A = tpu.iota {dimensions = array<i32: 1>} : vector<256x2048xi32>
      %broadcast_in_dim3A = vector.shape_cast %get3A_11 : vector<256xi32> to vector<256x1xi32>
      %eq3A_12 = vector.broadcast %broadcast_in_dim3A : vector<256x1xi32> to vector<256x2048xi32>
      %eq3A_13 = arith.cmpi eq, %iota3A, %eq3A_12 : vector<256x2048xi32>
      %convert_element_type3A_14 = arith.extui %eq3A_13 : vector<256x2048xi1> to vector<256x2048xi32>
      %convert_element_type3A_15 = arith.sitofp %convert_element_type3A_14 : vector<256x2048xi32> to vector<256x2048xf32>
      %convert_element_type3A_16 = arith.truncf %convert_element_type3A_15 : vector<256x2048xf32> to vector<256x2048xbf16>
      %get3A_17 = arith.constant 0 : index
      %get3A_18 = arith.constant 0 : index
      %get3A_19 = vector.load %arg10[%get3A_17, %get3A_18] : memref<2048x768xbf16, #tpu.memory_space<vmem>>, vector<2048x768xbf16>
      %dot_general3A = arith.constant dense<0.000000e+00> : vector<256x768xf32>
      %dot_general3A_20 = tpu.matmul %convert_element_type3A_16, %get3A_19, %dot_general3A {dimension_numbers = #tpu.dot_dimension_numbers<[1], [0], [0], [1], [0, 0, 1, 1], [], []>, transpose_lhs_hint = false} : vector<256x2048xbf16>, vector<2048x768xbf16>, vector<256x768xf32> -> vector<256x768xf32>
      %get3A_21 = arith.constant 0 : index
      %get3A_22 = arith.constant 0 : index
      %get3A_23 = arith.constant 0 : index
      %get3A_24 = vector.load %arg6[%get3A_21, %get3A_22, %get3A_23] : memref<1x3072x768xf32, #tpu.memory_space<vmem>>, vector<1x3072x768xf32>
      %get3A_25 = vector.shape_cast %get3A_24 : vector<1x3072x768xf32> to vector<3072x768xf32>
      %get3A_26 = arith.constant 0 : index
      %get3A_27 = arith.constant 0 : index
      %get3A_28 = arith.constant 0 : index
      %get3A_29 = vector.load %arg8[%get3A_26, %get3A_27, %get3A_28] : memref<1x3072x768xf32, #tpu.memory_space<vmem>>, vector<1x3072x768xf32>
      %get3A_30 = vector.shape_cast %get3A_29 : vector<1x3072x768xf32> to vector<3072x768xf32>
      %get3A_31 = arith.constant 0 : index
      %get3A_32 = arith.constant 0 : index
      %get3A_33 = arith.constant 0 : index
      %get3A_34 = vector.load %arg7[%get3A_31, %get3A_32, %get3A_33] : memref<1x768x3072xf32, #tpu.memory_space<vmem>>, vector<1x768x3072xf32>
      %get3A_35 = vector.shape_cast %get3A_34 : vector<1x768x3072xf32> to vector<768x3072xf32>
      %dot_general3A_36 = arith.constant dense<0.000000e+00> : vector<256x3072xf32>
      %dot_general3A_37 = tpu.matmul %dot_general3A_20, %get3A_25, %dot_general3A_36 {dimension_numbers = #tpu.dot_dimension_numbers<[1], [1], [0], [0], [0, 0, 1, 0], [], []>, transpose_lhs_hint = false} : vector<256x768xf32>, vector<3072x768xf32>, vector<256x3072xf32> -> vector<256x3072xf32>
      %dot_general3A_38 = arith.constant dense<0.000000e+00> : vector<256x3072xf32>
      %dot_general3A_39 = tpu.matmul %dot_general3A_20, %get3A_30, %dot_general3A_38 {dimension_numbers = #tpu.dot_dimension_numbers<[1], [1], [0], [0], [0, 0, 1, 0], [], []>, transpose_lhs_hint = false} : vector<256x768xf32>, vector<3072x768xf32>, vector<256x3072xf32> -> vector<256x3072xf32>
      %logistic3A = arith.negf %dot_general3A_37 : vector<256x3072xf32>
      %logistic3A_40 = math.exp %logistic3A : vector<256x3072xf32>
      %logistic3A_41 = arith.constant 1.000000e+00 : f32
      %logistic3A_42 = vector.broadcast %logistic3A_41 : f32 to vector<256x3072xf32>
      %logistic3A_43 = arith.addf %logistic3A_42, %logistic3A_40 : vector<256x3072xf32>
      %logistic3A_44 = arith.divf %logistic3A_42, %logistic3A_43 : vector<256x3072xf32>
      %mul3A = arith.mulf %dot_general3A_37, %logistic3A_44 : vector<256x3072xf32>
      %mul3A_45 = arith.mulf %mul3A, %dot_general3A_39 : vector<256x3072xf32>
      %dot_general3A_46 = arith.constant dense<0.000000e+00> : vector<256x768xf32>
      %dot_general3A_47 = tpu.matmul %mul3A_45, %get3A_35, %dot_general3A_46 {dimension_numbers = #tpu.dot_dimension_numbers<[1], [1], [0], [0], [0, 0, 1, 0], [], []>, transpose_lhs_hint = false} : vector<256x3072xf32>, vector<768x3072xf32>, vector<256x768xf32> -> vector<256x768xf32>
      %get3A_48 = arith.constant 0 : index
      %get3A_49 = arith.constant 0 : index
      %get3A_50 = arith.constant 0 : index
      %get3A_51 = vector.load %arg5[%get3A_48, %get3A_49, %get3A_50] : memref<1x1x256xf32, #tpu.memory_space<vmem>>, vector<1x1x256xf32>
      %get3A_52 = vector.shape_cast %get3A_51 : vector<1x1x256xf32> to vector<256xf32>
      %broadcast_in_dim3A_53 = vector.shape_cast %get3A_52 : vector<256xf32> to vector<256x1xf32>
      %mul3A_54 = vector.broadcast %broadcast_in_dim3A_53 : vector<256x1xf32> to vector<256x768xf32>
      %mul3A_55 = arith.mulf %mul3A_54, %dot_general3A_47 : vector<256x768xf32>
      %swap3A = arith.constant 0 : index
      %swap3A_56 = arith.constant 0 : index
      %swap3A_57 = vector.load %arg9[%swap3A, %swap3A_56] : memref<256x768xf32, #tpu.memory_space<vmem>>, vector<256x768xf32>
      tpu.vector_store %arg9[%swap3A, %swap3A_56], %mul3A_55 {strides = array<i32>} : memref<256x768xf32, #tpu.memory_space<vmem>>, vector<256x768xf32>,
    } else {
    }
    return
  }
  func.func @transform_1(%arg0: i32, %arg1: memref<32xi32, #tpu.memory_space<smem>>, %arg2: memref<32xi32, #tpu.memory_space<smem>>) -> (i32, i32, i32) {
    %c0_i32 = arith.constant 0 : i32
    %c0_i32_0 = arith.constant 0 : i32
    %c0_i32_1 = arith.constant 0 : i32
    return %arg0, %c0_i32, %c0_i32_0 : i32, i32, i32
  }
  func.func @transform_2(%arg0: i32, %arg1: memref<32xi32, #tpu.memory_space<smem>>, %arg2: memref<32xi32, #tpu.memory_space<smem>>) -> (i32, i32, i32) {
    %c0_i32 = arith.constant 0 : i32
    %c0_i32_0 = arith.constant 0 : i32
    %c0_i32_1 = arith.constant 0 : i32
    return %arg0, %c0_i32, %c0_i32_0 : i32, i32, i32
  }
  func.func @transform_3(%arg0: i32, %arg1: memref<32xi32, #tpu.memory_space<smem>>, %arg2: memref<32xi32, #tpu.memory_space<smem>>) -> (i32, i32, i32) {
    %get3A = arith.index_cast %arg0 : i32 to index
    %get3A_0 = memref.load %arg1[%get3A] : memref<32xi32, #tpu.memory_space<smem>>
    %c0_i32 = arith.constant 0 : i32
    %c0_i32_1 = arith.constant 0 : i32
    %c0_i32_2 = arith.constant 0 : i32
    return %get3A_0, %c0_i32, %c0_i32_1 : i32, i32, i32
  }
  func.func @transform_4(%arg0: i32, %arg1: memref<32xi32, #tpu.memory_space<smem>>, %arg2: memref<32xi32, #tpu.memory_space<smem>>) -> (i32, i32, i32) {
    %get3A = arith.index_cast %arg0 : i32 to index
    %get3A_0 = memref.load %arg1[%get3A] : memref<32xi32, #tpu.memory_space<smem>>
    %c0_i32 = arith.constant 0 : i32
    %c0_i32_1 = arith.constant 0 : i32
    %c0_i32_2 = arith.constant 0 : i32
    return %get3A_0, %c0_i32, %c0_i32_1 : i32, i32, i32
  }
  func.func @transform_5(%arg0: i32, %arg1: memref<32xi32, #tpu.memory_space<smem>>, %arg2: memref<32xi32, #tpu.memory_space<smem>>) -> (i32, i32, i32) {
    %get3A = arith.index_cast %arg0 : i32 to index
    %get3A_0 = memref.load %arg1[%get3A] : memref<32xi32, #tpu.memory_space<smem>>
    %c0_i32 = arith.constant 0 : i32
    %c0_i32_1 = arith.constant 0 : i32
    %c0_i32_2 = arith.constant 0 : i32
    return %get3A_0, %c0_i32, %c0_i32_1 : i32, i32, i32
  }
  func.func @transform_6(%arg0: i32, %arg1: memref<32xi32, #tpu.memory_space<smem>>, %arg2: memref<32xi32, #tpu.memory_space<smem>>) -> (i32, i32) {
    %c0_i32 = arith.constant 0 : i32
    %c0_i32_0 = arith.constant 0 : i32
    return %arg0, %c0_i32 : i32, i32
  }
}

module attributes {stable_mosaic.version = 14 : i64} {
  func.func @_route_body(%arg0: i32, %arg1: memref<512x768xf32, #tpu.memory_space<vmem>>, %arg2: memref<8x768xf32, #tpu.memory_space<vmem>>, %arg3: memref<1x1x512xi32, #tpu.memory_space<vmem>>, %arg4: memref<1x1x512xi32, #tpu.memory_space<vmem>>, %arg5: memref<1x1x512xf32, #tpu.memory_space<vmem>>, %arg6: memref<1x1x512xf32, #tpu.memory_space<vmem>>, %arg7: memref<1x1x512xi32, #tpu.memory_space<vmem>>, %arg8: memref<1x1x512xi32, #tpu.memory_space<vmem>>, %arg9: memref<1x8xi32, #tpu.memory_space<vmem>>, %arg10: memref<512x768xbf16, #tpu.memory_space<vmem>>, %arg11: memref<1x8xi32, #tpu.memory_space<vmem>>) attributes {dimension_semantics = [#tpu.dimension_semantics<arbitrary>], iteration_bounds = array<i64: 4>, scalar_prefetch = 0 : i64, scratch_operands = 1 : i64, tpu.core_type = #tpu.core_type<tc>, window_params = [{transform_indices = @transform_0, window_bounds = array<i64: 512, 768>}, {pipeline_mode = #tpu.pipeline_mode<synchronous>, transform_indices = @transform_1, window_bounds = array<i64: 8, 768>}, {transform_indices = @transform_2, window_bounds = array<i64: 1, 1, 512>}, {transform_indices = @transform_3, window_bounds = array<i64: 1, 1, 512>}, {transform_indices = @transform_4, window_bounds = array<i64: 1, 1, 512>}, {transform_indices = @transform_5, window_bounds = array<i64: 1, 1, 512>}, {transform_indices = @transform_6, window_bounds = array<i64: 1, 1, 512>}, {transform_indices = @transform_7, window_bounds = array<i64: 1, 1, 512>}, {pipeline_mode = #tpu.pipeline_mode<synchronous>, transform_indices = @transform_8, window_bounds = array<i64: 1, 8>}, {transform_indices = @transform_9, window_bounds = array<i64: 512, 768>}]} {
    %eq3A = arith.constant 0 : i32
    %eq3A_0 = arith.cmpi eq, %arg0, %eq3A : i32
    %convert_element_type3A = arith.extui %eq3A_0 : i1 to i32
    %cond3A = arith.constant 0 : i32
    %cond3A_1 = arith.cmpi ne, %convert_element_type3A, %cond3A : i32
    scf.if %cond3A_1 {
      %broadcast_in_dim3A_108 = arith.constant 0 : i32
      %broadcast_in_dim3A_109 = vector.broadcast %broadcast_in_dim3A_108 : i32 to vector<1x8xi32>
      %swap3A_110 = arith.constant 0 : index
      %swap3A_111 = arith.constant 0 : index
      %swap3A_112 = vector.load %arg11[%swap3A_110, %swap3A_111] : memref<1x8xi32, #tpu.memory_space<vmem>>, vector<1x8xi32>
      tpu.vector_store %arg11[%swap3A_110, %swap3A_111], %broadcast_in_dim3A_109 {strides = array<i32>} : memref<1x8xi32, #tpu.memory_space<vmem>>, vector<1x8xi32>,
    } else {
    }
    %get3A = arith.constant 0 : index
    %get3A_2 = arith.constant 0 : index
    %get3A_3 = vector.load %arg1[%get3A, %get3A_2] : memref<512x768xf32, #tpu.memory_space<vmem>>, vector<512x768xf32>
    %get3A_4 = arith.constant 0 : index
    %get3A_5 = arith.constant 0 : index
    %get3A_6 = vector.load %arg2[%get3A_4, %get3A_5] : memref<8x768xf32, #tpu.memory_space<vmem>>, vector<8x768xf32>
    %dot_general3A = arith.constant dense<0.000000e+00> : vector<512x8xf32>
    %dot_general3A_7 = tpu.matmul %get3A_3, %get3A_6, %dot_general3A {dimension_numbers = #tpu.dot_dimension_numbers<[1], [1], [0], [0], [0, 0, 1, 0], [], []>, transpose_lhs_hint = false} : vector<512x768xf32>, vector<8x768xf32>, vector<512x8xf32> -> vector<512x8xf32>
    %argmax3A = tpu.reduce_index %dot_general3A_7 {axis = 1 : i32, kind = #tpu.reduction_kind<arg_max>} : vector<512x8xf32> -> vector<512xi32>
    %reduce_max3A = arith.constant dense<0xFF800000> : vector<512xf32>
    %reduce_max3A_8 = vector.multi_reduction <maximumf>, %dot_general3A_7, %reduce_max3A [1] : vector<512x8xf32> to vector<512xf32>
    %iota3A = tpu.iota {dimensions = array<i32: 1>} : vector<512x8xi32>
    %broadcast_in_dim3A = vector.shape_cast %argmax3A : vector<512xi32> to vector<512x1xi32>
    %eq3A_9 = vector.broadcast %broadcast_in_dim3A : vector<512x1xi32> to vector<512x8xi32>
    %eq3A_10 = arith.cmpi eq, %iota3A, %eq3A_9 : vector<512x8xi32>
    %jit3A = arith.constant 0xFF800000 : f32
    %broadcast_in_dim3A_11 = vector.broadcast %jit3A : f32 to vector<512x8xf32>
    %select_n3A = arith.select %eq3A_10, %broadcast_in_dim3A_11, %dot_general3A_7 : vector<512x8xi1>, vector<512x8xf32>
    %argmax3A_12 = tpu.reduce_index %select_n3A {axis = 1 : i32, kind = #tpu.reduction_kind<arg_max>} : vector<512x8xf32> -> vector<512xi32>
    %reduce_max3A_13 = arith.constant dense<0xFF800000> : vector<512xf32>
    %reduce_max3A_14 = vector.multi_reduction <maximumf>, %select_n3A, %reduce_max3A_13 [1] : vector<512x8xf32> to vector<512xf32>
    %broadcast_in_dim3A_15 = vector.shape_cast %argmax3A_12 : vector<512xi32> to vector<512x1xi32>
    %eq3A_16 = vector.broadcast %broadcast_in_dim3A_15 : vector<512x1xi32> to vector<512x8xi32>
    %eq3A_17 = arith.cmpi eq, %iota3A, %eq3A_16 : vector<512x8xi32>
    %sub3A = arith.subf %reduce_max3A_14, %reduce_max3A_8 : vector<512xf32>
    %exp3A = math.exp %sub3A : vector<512xf32>
    %add3A = arith.constant 1.000000e+00 : f32
    %add3A_18 = vector.broadcast %add3A : f32 to vector<512xf32>
    %add3A_19 = arith.addf %add3A_18, %exp3A : vector<512xf32>
    %div3A = arith.constant 1.000000e+00 : f32
    %div3A_20 = vector.broadcast %div3A : f32 to vector<512xf32>
    %div3A_21 = arith.divf %div3A_20, %add3A_19 : vector<512xf32>
    %add3A_22 = arith.constant 1.000000e+00 : f32
    %add3A_23 = vector.broadcast %add3A_22 : f32 to vector<512xf32>
    %add3A_24 = arith.addf %add3A_23, %exp3A : vector<512xf32>
    %div3A_25 = arith.divf %exp3A, %add3A_24 : vector<512xf32>
    %convert_element_type3A_26 = arith.extui %eq3A_10 : vector<512x8xi1> to vector<512x8xi32>
    %convert_element_type3A_27 = arith.sitofp %convert_element_type3A_26 : vector<512x8xi32> to vector<512x8xf32>
    %convert_element_type3A_28 = arith.extui %eq3A_17 : vector<512x8xi1> to vector<512x8xi32>
    %convert_element_type3A_29 = arith.sitofp %convert_element_type3A_28 : vector<512x8xi32> to vector<512x8xf32>
    %add3A_30 = arith.addf %convert_element_type3A_27, %convert_element_type3A_29 : vector<512x8xf32>
    %iota3A_31 = tpu.iota {dimensions = array<i32: 0>} : vector<512x512xi32>
    %iota3A_32 = tpu.iota {dimensions = array<i32: 1>} : vector<512x512xi32>
    %gt3A = arith.cmpi sgt, %iota3A_31, %iota3A_32 : vector<512x512xi32>
    %convert_element_type3A_33 = arith.extui %gt3A : vector<512x512xi1> to vector<512x512xi32>
    %convert_element_type3A_34 = arith.sitofp %convert_element_type3A_33 : vector<512x512xi32> to vector<512x512xf32>
    %dot_general3A_35 = arith.constant dense<0.000000e+00> : vector<512x8xf32>
    %dot_general3A_36 = tpu.matmul %convert_element_type3A_34, %add3A_30, %dot_general3A_35 {dimension_numbers = #tpu.dot_dimension_numbers<[1], [0], [0], [1], [0, 0, 1, 1], [], []>, transpose_lhs_hint = false} : vector<512x512xf32>, vector<512x8xf32>, vector<512x8xf32> -> vector<512x8xf32>
    %get3A_37 = arith.constant 0 : index
    %get3A_38 = arith.constant 0 : index
    %get3A_39 = vector.load %arg11[%get3A_37, %get3A_38] : memref<1x8xi32, #tpu.memory_space<vmem>>, vector<1x8xi32>
    %mul3A = arith.mulf %dot_general3A_36, %convert_element_type3A_27 : vector<512x8xf32>
    %reduce_sum3A = arith.constant dense<0.000000e+00> : vector<512xf32>
    %reduce_sum3A_40 = vector.multi_reduction <add>, %mul3A, %reduce_sum3A [1] : vector<512x8xf32> to vector<512xf32>
    %convert_element_type3A_41 = arith.fptosi %reduce_sum3A_40 : vector<512xf32> to vector<512xi32>
    %jit3A_42 = arith.constant 0 : i32
    %broadcast_in_dim3A_43 = vector.shape_cast %get3A_39 : vector<1x8xi32> to vector<1x8xi32>
    %broadcast_in_dim3A_44 = vector.broadcast %broadcast_in_dim3A_43 : vector<1x8xi32> to vector<512x8xi32>
    %broadcast_in_dim3A_45 = vector.broadcast %jit3A_42 : i32 to vector<512x8xi32>
    %select_n3A_46 = arith.select %eq3A_10, %broadcast_in_dim3A_44, %broadcast_in_dim3A_45 : vector<512x8xi1>, vector<512x8xi32>
    %reduce_sum3A_47 = arith.constant dense<0> : vector<512xi32>
    %reduce_sum3A_48 = vector.multi_reduction <add>, %select_n3A_46, %reduce_sum3A_47 [1] : vector<512x8xi32> to vector<512xi32>
    %add3A_49 = arith.addi %convert_element_type3A_41, %reduce_sum3A_48 : vector<512xi32>
    %mul3A_50 = arith.mulf %dot_general3A_36, %convert_element_type3A_29 : vector<512x8xf32>
    %reduce_sum3A_51 = arith.constant dense<0.000000e+00> : vector<512xf32>
    %reduce_sum3A_52 = vector.multi_reduction <add>, %mul3A_50, %reduce_sum3A_51 [1] : vector<512x8xf32> to vector<512xf32>
    %convert_element_type3A_53 = arith.fptosi %reduce_sum3A_52 : vector<512xf32> to vector<512xi32>
    %jit3A_54 = arith.constant 0 : i32
    %broadcast_in_dim3A_55 = vector.shape_cast %get3A_39 : vector<1x8xi32> to vector<1x8xi32>
    %broadcast_in_dim3A_56 = vector.broadcast %broadcast_in_dim3A_55 : vector<1x8xi32> to vector<512x8xi32>
    %broadcast_in_dim3A_57 = vector.broadcast %jit3A_54 : i32 to vector<512x8xi32>
    %select_n3A_58 = arith.select %eq3A_17, %broadcast_in_dim3A_56, %broadcast_in_dim3A_57 : vector<512x8xi1>, vector<512x8xi32>
    %reduce_sum3A_59 = arith.constant dense<0> : vector<512xi32>
    %reduce_sum3A_60 = vector.multi_reduction <add>, %select_n3A_58, %reduce_sum3A_59 [1] : vector<512x8xi32> to vector<512xi32>
    %add3A_61 = arith.addi %convert_element_type3A_53, %reduce_sum3A_60 : vector<512xi32>
    %reshape3A = vector.shape_cast %argmax3A : vector<512xi32> to vector<1x1x512xi32>
    %swap3A = arith.constant 0 : index
    %swap3A_62 = arith.constant 0 : index
    %swap3A_63 = arith.constant 0 : index
    %swap3A_64 = vector.load %arg3[%swap3A, %swap3A_62, %swap3A_63] : memref<1x1x512xi32, #tpu.memory_space<vmem>>, vector<1x1x512xi32>
    tpu.vector_store %arg3[%swap3A, %swap3A_62, %swap3A_63], %reshape3A {strides = array<i32>} : memref<1x1x512xi32, #tpu.memory_space<vmem>>, vector<1x1x512xi32>,
    %reshape3A_65 = vector.shape_cast %argmax3A_12 : vector<512xi32> to vector<1x1x512xi32>
    %swap3A_66 = arith.constant 0 : index
    %swap3A_67 = arith.constant 0 : index
    %swap3A_68 = arith.constant 0 : index
    %swap3A_69 = vector.load %arg4[%swap3A_66, %swap3A_67, %swap3A_68] : memref<1x1x512xi32, #tpu.memory_space<vmem>>, vector<1x1x512xi32>
    tpu.vector_store %arg4[%swap3A_66, %swap3A_67, %swap3A_68], %reshape3A_65 {strides = array<i32>} : memref<1x1x512xi32, #tpu.memory_space<vmem>>, vector<1x1x512xi32>,
    %reshape3A_70 = vector.shape_cast %div3A_21 : vector<512xf32> to vector<1x1x512xf32>
    %swap3A_71 = arith.constant 0 : index
    %swap3A_72 = arith.constant 0 : index
    %swap3A_73 = arith.constant 0 : index
    %swap3A_74 = vector.load %arg5[%swap3A_71, %swap3A_72, %swap3A_73] : memref<1x1x512xf32, #tpu.memory_space<vmem>>, vector<1x1x512xf32>
    tpu.vector_store %arg5[%swap3A_71, %swap3A_72, %swap3A_73], %reshape3A_70 {strides = array<i32>} : memref<1x1x512xf32, #tpu.memory_space<vmem>>, vector<1x1x512xf32>,
    %reshape3A_75 = vector.shape_cast %div3A_25 : vector<512xf32> to vector<1x1x512xf32>
    %swap3A_76 = arith.constant 0 : index
    %swap3A_77 = arith.constant 0 : index
    %swap3A_78 = arith.constant 0 : index
    %swap3A_79 = vector.load %arg6[%swap3A_76, %swap3A_77, %swap3A_78] : memref<1x1x512xf32, #tpu.memory_space<vmem>>, vector<1x1x512xf32>
    tpu.vector_store %arg6[%swap3A_76, %swap3A_77, %swap3A_78], %reshape3A_75 {strides = array<i32>} : memref<1x1x512xf32, #tpu.memory_space<vmem>>, vector<1x1x512xf32>,
    %reshape3A_80 = vector.shape_cast %add3A_49 : vector<512xi32> to vector<1x1x512xi32>
    %swap3A_81 = arith.constant 0 : index
    %swap3A_82 = arith.constant 0 : index
    %swap3A_83 = arith.constant 0 : index
    %swap3A_84 = vector.load %arg7[%swap3A_81, %swap3A_82, %swap3A_83] : memref<1x1x512xi32, #tpu.memory_space<vmem>>, vector<1x1x512xi32>
    tpu.vector_store %arg7[%swap3A_81, %swap3A_82, %swap3A_83], %reshape3A_80 {strides = array<i32>} : memref<1x1x512xi32, #tpu.memory_space<vmem>>, vector<1x1x512xi32>,
    %reshape3A_85 = vector.shape_cast %add3A_61 : vector<512xi32> to vector<1x1x512xi32>
    %swap3A_86 = arith.constant 0 : index
    %swap3A_87 = arith.constant 0 : index
    %swap3A_88 = arith.constant 0 : index
    %swap3A_89 = vector.load %arg8[%swap3A_86, %swap3A_87, %swap3A_88] : memref<1x1x512xi32, #tpu.memory_space<vmem>>, vector<1x1x512xi32>
    tpu.vector_store %arg8[%swap3A_86, %swap3A_87, %swap3A_88], %reshape3A_85 {strides = array<i32>} : memref<1x1x512xi32, #tpu.memory_space<vmem>>, vector<1x1x512xi32>,
    %reduce_sum3A_90 = arith.constant dense<0.000000e+00> : vector<8xf32>
    %reduce_sum3A_91 = vector.multi_reduction <add>, %add3A_30, %reduce_sum3A_90 [0] : vector<512x8xf32> to vector<8xf32>
    %broadcast_in_dim3A_92 = vector.shape_cast %reduce_sum3A_91 : vector<8xf32> to vector<1x8xf32>
    %convert_element_type3A_93 = arith.fptosi %broadcast_in_dim3A_92 : vector<1x8xf32> to vector<1x8xi32>
    %add3A_94 = arith.addi %get3A_39, %convert_element_type3A_93 : vector<1x8xi32>
    %swap3A_95 = arith.constant 0 : index
    %swap3A_96 = arith.constant 0 : index
    %swap3A_97 = vector.load %arg11[%swap3A_95, %swap3A_96] : memref<1x8xi32, #tpu.memory_space<vmem>>, vector<1x8xi32>
    tpu.vector_store %arg11[%swap3A_95, %swap3A_96], %add3A_94 {strides = array<i32>} : memref<1x8xi32, #tpu.memory_space<vmem>>, vector<1x8xi32>,
    %get3A_98 = arith.constant 0 : index
    %get3A_99 = arith.constant 0 : index
    %get3A_100 = vector.load %arg11[%get3A_98, %get3A_99] : memref<1x8xi32, #tpu.memory_space<vmem>>, vector<1x8xi32>
    %swap3A_101 = arith.constant 0 : index
    %swap3A_102 = arith.constant 0 : index
    %swap3A_103 = vector.load %arg9[%swap3A_101, %swap3A_102] : memref<1x8xi32, #tpu.memory_space<vmem>>, vector<1x8xi32>
    tpu.vector_store %arg9[%swap3A_101, %swap3A_102], %get3A_100 {strides = array<i32>} : memref<1x8xi32, #tpu.memory_space<vmem>>, vector<1x8xi32>,
    %convert_element_type3A_104 = arith.truncf %get3A_3 : vector<512x768xf32> to vector<512x768xbf16>
    %swap3A_105 = arith.constant 0 : index
    %swap3A_106 = arith.constant 0 : index
    %swap3A_107 = vector.load %arg10[%swap3A_105, %swap3A_106] : memref<512x768xbf16, #tpu.memory_space<vmem>>, vector<512x768xbf16>
    tpu.vector_store %arg10[%swap3A_105, %swap3A_106], %convert_element_type3A_104 {strides = array<i32>} : memref<512x768xbf16, #tpu.memory_space<vmem>>, vector<512x768xbf16>,
    return
  }
  func.func @transform_0(%arg0: i32) -> (i32, i32) {
    %c0_i32 = arith.constant 0 : i32
    %c0_i32_0 = arith.constant 0 : i32
    return %arg0, %c0_i32 : i32, i32
  }
  func.func @transform_1(%arg0: i32) -> (i32, i32) {
    %c0_i32 = arith.constant 0 : i32
    %c0_i32_0 = arith.constant 0 : i32
    %c0_i32_1 = arith.constant 0 : i32
    return %c0_i32, %c0_i32_0 : i32, i32
  }
  func.func @transform_2(%arg0: i32) -> (i32, i32, i32) {
    %c0_i32 = arith.constant 0 : i32
    %c0_i32_0 = arith.constant 0 : i32
    %c0_i32_1 = arith.constant 0 : i32
    return %arg0, %c0_i32, %c0_i32_0 : i32, i32, i32
  }
  func.func @transform_3(%arg0: i32) -> (i32, i32, i32) {
    %c0_i32 = arith.constant 0 : i32
    %c0_i32_0 = arith.constant 0 : i32
    %c0_i32_1 = arith.constant 0 : i32
    return %arg0, %c0_i32, %c0_i32_0 : i32, i32, i32
  }
  func.func @transform_4(%arg0: i32) -> (i32, i32, i32) {
    %c0_i32 = arith.constant 0 : i32
    %c0_i32_0 = arith.constant 0 : i32
    %c0_i32_1 = arith.constant 0 : i32
    return %arg0, %c0_i32, %c0_i32_0 : i32, i32, i32
  }
  func.func @transform_5(%arg0: i32) -> (i32, i32, i32) {
    %c0_i32 = arith.constant 0 : i32
    %c0_i32_0 = arith.constant 0 : i32
    %c0_i32_1 = arith.constant 0 : i32
    return %arg0, %c0_i32, %c0_i32_0 : i32, i32, i32
  }
  func.func @transform_6(%arg0: i32) -> (i32, i32, i32) {
    %c0_i32 = arith.constant 0 : i32
    %c0_i32_0 = arith.constant 0 : i32
    %c0_i32_1 = arith.constant 0 : i32
    return %arg0, %c0_i32, %c0_i32_0 : i32, i32, i32
  }
  func.func @transform_7(%arg0: i32) -> (i32, i32, i32) {
    %c0_i32 = arith.constant 0 : i32
    %c0_i32_0 = arith.constant 0 : i32
    %c0_i32_1 = arith.constant 0 : i32
    return %arg0, %c0_i32, %c0_i32_0 : i32, i32, i32
  }
  func.func @transform_8(%arg0: i32) -> (i32, i32) {
    %c0_i32 = arith.constant 0 : i32
    %c0_i32_0 = arith.constant 0 : i32
    %c0_i32_1 = arith.constant 0 : i32
    return %c0_i32, %c0_i32_0 : i32, i32
  }
  func.func @transform_9(%arg0: i32) -> (i32, i32) {
    %c0_i32 = arith.constant 0 : i32
    %c0_i32_0 = arith.constant 0 : i32
    return %arg0, %c0_i32 : i32, i32
  }
}

</mosaic_0001>

<sc_bundles>
// kernel: kernel.6.cloned.1.call-start
scs
__scs_entry_jumppad:
0x0: {  	(pc) =	sbr.rel $0x88, $3  }
0x1: {  	(tag) =	ssettag $0x0;
	lr =	simm.s32 $0x1  }
0x2: {  	[smem:$0x3F9C] =	sst lr;
	_ =	strace $0xD0000000  }
0x3: {  	_ = 	snop  }
0x4: {  	_ = 	snop  }
0x5: {  	_ = 	snop  }
0x6: {  	_ = 	snop  }
0x7: {  	_ = 	snop  }
__scs_overlays_trampoline_lowered:
0x8: {  	[smem:$0x3FAB] =	sst s0  }
0x9: {  	[smem:$0x3FAC] =	sst s1  }
0xa: {  	[smem:$0x3FAD] =	sst s2  }
0xb: {  	[smem:$0x3FAE] =	sst s3  }
0xc: {  	[smem:$0x3FAF] =	sst s4  }
0xd: {  	[smem:$0x3FB0] =	sst s5  }
0xe: {  	[smem:$0x3FB1] =	sst s6  }
0xf: {  	[smem:$0x3FB2] =	sst s7  }
0x10: {  	[smem:$0x3FB3] =	sst s8  }
0x11: {  	[smem:$0x3FB4] =	sst s9;
	s0 =	simm.s32 @!p0 $0x0  }
0x12: {  	s1 =	sld [smem:$0x3F9A];
	s0 =	simm.s32 @p0 $0x1  }
0x13: {  	[smem:$0x3FB5] =	sst s0;
	s0 =	simm.s32 @!p1 $0x0  }
0x14: {  	s2 =	sld [smem:$0x3F99];
	s0 =	simm.s32 @p1 $0x1  }
0x15: {  	[smem:$0x3FB6] =	sst s0;
	s0 =	simm.s32 @!p2 $0x0  }
0x16: {  	s3 =	sld [smem:$0x3FDB];
	s0 =	simm.s32 @p2 $0x1  }
0x17: {  	s4 =	simm.s32 $0x1BF5;
	[smem:$0x3FB8] =	sst s0  }
0x18: {  	s0 =	sld [smem:$0x3F9B];
	_ =	swait.ge [sflag:s4], $0x0  }
0x19: {  	s7 =	sld [smem:$0x3F9C]  }
0x1a: {  	s8 =	sadd.s32 $0xFFFFE003, lr  }
0x1b: {  	s9 =	sadd.s32 $0xFFFFFEF7, lr;
	s5 =	simm.s32 $0xFFFFFFFF;
	p2 =	slt.u32 s8, $0xFFFFF086  }
0x1c: {  	p1 =	slt.u32 s9, $0xF7A;
	s5 =	simm.s32 @!p2 $0x0  }
0x1d: {  	s5 =	simm.s32 @p1 $0x1;
	p0 =	seq.s32 s7, s2  }
0x1e: {  	s7 =	smul.u32 @!p0 $0xF7A, s2;
	p2 =	seq.s32 @!p0 s5, $0x0  }
0x1f: {  	s9 =	smul.u32 $0xF7A, s1;
	s8 =	simm.s32 @!p0 $0x1BF5;
	p2 =	por !p2, p0  }
0x20: {  	[sflag:s8] =	ssyncset.s32 @!p0 $0xFFFFF086;
	s6 =	sadd.s32 @!p0 s3, s7;
	s7 =	simm.s32 @!p0 $0x108  }
0x21: {  	s3 =	sadd.s32 s3, s9;
	s6 =	sadd.s32 @!p0 $0x88, s6;
	s7 =	simm.s32 @p2 $0x1082  }
0x22: {  	[simem:s7], [sflag:s8] =	dma.local @!p0 [hbm:s6], $0xF7A  }
0x23: {  	s9 =	sor.u32 $0xD0000000, s2;
	s6 =	simm.s32 $0x108;
	_ =	swait.ge @!p0 [sflag:s8], $0x0  }
0x24: {  	s3 =	sadd.s32 $0x88, s3;
	s6 =	simm.s32 @!p1 $0x1082;
	[sflag:s4] =	ssyncset.s32 $0xFFFFF086  }
0x25: {  	[simem:s6], [sflag:s4] =	dma.local [hbm:s3], $0xF7A  }
0x26: {  	[smem:$0x3F9C] =	sst s1;
	(tag) =	ssettag s2;
	_ =	strace s9  }
0x27: {  	s1 =	sld [smem:$0x3FAC]  }
0x28: {  	s2 =	sld [smem:$0x3FAD]  }
0x29: {  	s4 =	sld [smem:$0x3FAF]  }
0x2a: {  	p0 =	seq.s32 s5, $0x0;
	s5 =	sld [smem:$0x3FB0]  }
0x2b: {  	s6 =	sld [smem:$0x3FB1]  }
0x2c: {  	s7 =	sld [smem:$0x3FB2]  }
0x2d: {  	s3 =	simm.s32 $0x108;
	s8 =	sld [smem:$0x3FB3]  }
0x2e: {  	s3 =	simm.s32 @!p0 $0x1082;
	s9 =	sld [smem:$0x3FB4]  }
0x2f: {  	lr =	sadd.s32 s0, s3;
	s0 =	sld [smem:$0x3FAB]  }
0x30: {  	s3 =	sld [smem:$0x3FAE]  }
0x31: {  	[smem:$0x3FB7] =	sst s10  }
0x32: {  	s10 =	sld [smem:$0x3FB5];
	_ =	sdelay $0x3  }
0x33: {  	p0 =	seq.s32 s10, $0x1;
	s10 =	sld [smem:$0x3FB7];
	_ =	sdelay $0x3  }
0x34: {  	[smem:$0x3FB7] =	sst s10  }
0x35: {  	s10 =	sld [smem:$0x3FB6];
	_ =	sdelay $0x3  }
0x36: {  	p1 =	seq.s32 s10, $0x1;
	s10 =	sld [smem:$0x3FB7];
	_ =	sdelay $0x3  }
0x37: {  	[smem:$0x3FB7] =	sst s10  }
0x38: {  	s10 =	sld [smem:$0x3FB8]  }
0x39: {  	_ = 	snop;
	(pc) =	sbr.ind lr, $3  }
0x3a: {  	_ = 	snop  }
0x3b: {  	_ = 	snop  }
0x3c: {  	p2 =	seq.s32 s10, $0x1;
	s10 =	sld [smem:$0x3FB7]  }
0x3d: {  	_ =	shalt  }
0x3e: {  	_ =	shalt  }
0x3f: {  	_ =	shalt  }
0x40: {  	_ =	shalt  }
0x41: {  	_ =	shalt  }
0x42: {  	_ =	shalt  }
0x43: {  	_ =	shalt  }
0x44: {  	_ =	shalt  }
0x45: {  	_ =	shalt  }
0x46: {  	_ =	shalt  }
0x47: {  	_ =	shalt  }
0x48: {  	_ =	shalt  }
0x49: {  	_ =	shalt  }
0x4a: {  	_ =	shalt  }
0x4b: {  	_ =	shalt  }
0x4c: {  	_ =	shalt  }
0x4d: {  	_ =	shalt  }
0x4e: {  	_ =	shalt  }
0x4f: {  	_ =	shalt  }
0x50: {  	_ =	shalt  }
0x51: {  	_ =	shalt  }
0x52: {  	_ =	shalt  }
0x53: {  	_ =	shalt  }
0x54: {  	_ =	shalt  }
0x55: {  	_ =	shalt  }
0x56: {  	_ =	shalt  }
0x57: {  	_ =	shalt  }
0x58: {  	_ =	shalt  }
0x59: {  	_ =	shalt  }
0x5a: {  	_ =	shalt  }
0x5b: {  	_ =	shalt  }
0x5c: {  	_ =	shalt  }
0x5d: {  	_ =	shalt  }
0x5e: {  	_ =	shalt  }
0x5f: {  	_ =	shalt  }
0x60: {  	_ =	shalt  }
0x61: {  	_ =	shalt  }
0x62: {  	_ =	shalt  }
0x63: {  	_ =	shalt  }
0x64: {  	_ =	shalt  }
0x65: {  	_ =	shalt  }
0x66: {  	_ =	shalt  }
0x67: {  	_ =	shalt  }
0x68: {  	_ =	shalt  }
0x69: {  	_ =	shalt  }
0x6a: {  	_ =	shalt  }
0x6b: {  	_ =	shalt  }
0x6c: {  	_ =	shalt  }
0x6d: {  	_ =	shalt  }
0x6e: {  	_ =	shalt  }
0x6f: {  	_ =	shalt  }
0x70: {  	_ =	shalt  }
0x71: {  	_ =	shalt  }
0x72: {  	_ =	shalt  }
0x73: {  	_ =	shalt  }
0x74: {  	_ =	shalt  }
0x75: {  	_ =	shalt  }
0x76: {  	_ =	shalt  }
0x77: {  	_ =	shalt  }
0x78: {  	_ =	shalt  }
0x79: {  	_ =	shalt  }
0x7a: {  	_ =	shalt  }
0x7b: {  	_ =	shalt  }
0x7c: {  	_ =	shalt  }
0x7d: {  	_ =	shalt  }
0x7e: {  	_ =	shalt  }
0x7f: {  	_ =	shalt  }
0x80: {  	_ =	shalt  }
0x81: {  	_ =	shalt  }
0x82: {  	_ =	shalt  }
0x83: {  	_ =	shalt  }
0x84: {  	_ =	shalt  }
0x85: {  	_ =	shalt  }
0x86: {  	_ =	shalt  }
0x87: {  	_ =	shalt  }
.Lfunc_end0:
.L_simem_size_0:
called_computation_lowered:
.L_overlay_start_0:
0x88: {  	s2 =	sld [smem:$0x3FD9]  }
0x89: {  	s3 =	sld [smem:$0x3FFE];
	_ =	sdelay $0x1  }
0x8a: {  	s1 =	srdreg.scid  }
0x8b: {  	s0 =	sand.u32 $0x1, s1  }
0x8c: {  	s16 =	sshll.u32 s0, $0xA;
	s2 =	sadd.s32 s3, s2  }
0x8d: {  	s2 =	sadd.s32 s2, s16  }
0x8e: {  	[smem:$0x3FC3] =	sst s2  }
0x8f: {  	_ = 	snop  }
0x90: {  	(tm) =	ssettm $0x1  }
0x91: {  	s17 =	sld [smem:$0x3FFB];
	_ =	sdelay $0x3  }
0x92: {  	_ =	strace s17  }
0x93: {  	s2 =	sld [smem:$0x3FFC];
	_ =	sdelay $0x3  }
0x94: {  	_ =	strace s2  }
0x95: {  	s2 =	sld [smem:$0x3FFD];
	_ =	sdelay $0x3  }
0x96: {  	_ =	strace s2  }
0x97: {  	_ =	strace $0x8FFFFFFF  }
0x98: {  	s18 =	sld [smem:$0x3FDB];
	_ =	sdelay $0x1  }
0x99: {  	s19 =	simm.s32 $_scs_section_size  }
0x9a: {  	s4 =	simm.s32 $_size__tile_overlayer_lowered;
	s5 =	simm.s32 $_tile_overlayer_lowered  }
0x9b: {  	s22 =	simm.s32 $0x1BFF;
	s21 =	sshll.u32 s5, $0x1;
	s2 =	sadd.s32 s19, s18  }
0x9c: {  	s6 =	simm.s32 $0x0;
	s20 =	sshll.u32 s4, $0x1;
	s4 =	sadd.s32 s21, s2  }
0x9d: {  	[timem:s6], [sflag:s22] =	dma.local [hbm:s4], s20  }
0x9e: {  	_ =	swait.ge [sflag:s22], s20  }
0x9f: {  	s3 =	ssub.s32 $0x0, s20;
	[sflag:s22] =	ssyncset.done $0x0  }
0xa0: {  	[sflag:s22] =	ssyncadd.s32 s3;
	_ =	sdelay $0x1  }
0xa1: {  	s23 =	simm.s32 $0x1B8B  }
0xa2: {  	_ =	swait.ge [sflag:s23], $0x1  }
0xa3: {  	[sflag:s23] =	ssyncset.done $0x0  }
0xa4: {  	s25 =	simm.s32 $0x1B8E;
	s24 =	sld [smem:$0x3FFE];
	[sflag:s23] =	ssyncadd.s32 $0xFFFFFFFF  }
0xa5: {  	s26 =	simm.s32 $execute0_lowered;
	[smem:$0x3FD2] =	sst s25  }
0xa6: {  	s4 =	sshll.u32 s26, $0x1;
	_ =	strace $0x80000046;
	[dreg:$0x1] =	wrdreg $0xFFFFFFFF  }
0xa7: {  	s28 =	simm.s32 $_size_execute0_lowered;
	s2 =	sadd.s32 s2, s4;
	[dreg:$0x0] =	wrdreg $0x0  }
0xa8: {  	s4 =	sshll.u32 s28, $0x1;
	[dreg:$0x2] =	wrdreg s2  }
0xa9: {  	[dreg:$0x3] =	wrdreg s4  }
0xaa: {  	[dreg:$0x4] =	wrdreg $0xC0  }
0xab: {  	_ =	task [dreg:s6], $0x5FFFF  }
0xac: {  	[dreg:$0x1] =	wrdreg $0xFFFFFFFF  }
0xad: {  	[dreg:$0x0] =	wrdreg $0x60  }
0xae: {  	[dreg:$0x2] =	wrdreg s24  }
0xaf: {  	[dreg:$0x3] =	wrdreg $0x9  }
0xb0: {  	_ =	task.clear_ibuf [dreg:s6], $0x4FFFF;
	_ =	strace $0x90000046  }
0xb1: {  	s29 =	simm.s32 $0x9;
	_ =	strace $0x80000048  }
0xb2: {  	_ =	swait.ge [sflag:s29], $0x1  }
0xb3: {  	[sflag:s29] =	ssyncadd.s32 $0xFFFFFFFF  }
0xb4: {  	_ =	strace $0x90000048  }
0xb5: {  	_ =	sfence  }
0xb6: {  	s30 =	sld [smem:$0x0];
	_ =	sdelay $0x2  }
0xb7: {  	s31 =	sshll.u32 s1, $0xD;
	s1 =	sshrl.u32 s1, $0x2  }
0xb8: {  	s3 =	sand.u32 $0x4000, s31;
	s1 =	sadd.s32 s1, s30  }
0xb9: {  	s0 =	sor.u32 s3, s0;
	s1 =	sshll.u32 s1, $0x11  }
0xba: {  	s0 =	sor.u32 s1, s0  }
0xbb: {  	s0 =	sadd.s32 $0x8F2B, s0  }
0xbc: {  	[sflag:s0] =	ssyncadd.remote.s32 $0x1  }
0xbd: {  	_ =	sfence.sel $0xFFFF  }
0xbe: {  	[dreg:$0x0] =	wrdreg $0xFFFFFFFF;
	(pc) =	sbr.abs _section_cstart, $3  }
0xbf: {  	[dreg:$0x1] =	wrdreg $0xFFFFFFFF  }
0xc0: {  	_ =	task.clear_ibuf [dreg:s6], $0x2FFFF;
	_ =	strace $0x9FFFFFFF  }
0xc1: {  	(tm) =	ssettm $0x7FFFFFFF  }
tec
execute0_lowered:
.L_overlay_start_1:
0x0: {  	(tag) =	ssettag $0x1  }
0x1: {  	s0 =	srdreg.scid  }
0x2: {  	s2 =	stileid.u32;
	s1 =	sand.u32 $0x1, s0  }
0x3: {  	s2 =	sshll.u32 s2, $0x1;
	s3 =	ssub.s32 $0x0, s1  }
0x4: {  	p0 =	sne.s32 s2, s3  }
.Ltmp0:
0x5: {  	_ = 	snop;
	(pc) =	sbr.rel @p0 .LBB2_7-.Ltmp0, $2  }
0x6: {  	_ =	sdelay $0x2  }
0x7: {  	s0 =	rddreg [dreg:$0x0];
	_ =	strace $0x80000047  }
0x8: {  	s2 =	sadd.s32 $0x2600, s0  }
0x9: {  	s3 =	sadd.s32 $0x2800, s0;
	s4 =	sadd.s32 $0x2200, s0;
	s5 =	sadd.s32 $0x2400, s0  }
0xa: {  	s6 =	sadd.s32 $0x2A00, s0;
	s7 =	sadd.s32 $0x2000, s0;
	s8 =	sadd.s32 $0x2C00, s0  }
0xb: {  	s1 =	ssub.s32 $0x2, s1;
	s9 =	sadd.s32 $0x2E00, s0;
	s10 =	sadd.s32 $0x3200, s0  }
0xc: {  	s11 =	sadd.s32 $0x3A00, s0;
	s12 =	sadd.s32 $0x3C00, s0;
	s14 =	sadd.s32 $0x3800, s0  }
0xd: {  	v0 =	vimm.s32 $0x0;
	s16 =	simm.s32 $0x0;
	s17 =	simm.s32 $0x1;
	s19 =	simm.s32 $0x1000  }
0xe: {  	v1 =	vimm.f32 $0.0e+00;
	vm0 =	vmmov $0x1;
	vm1 =	vcmask $0x308;
	s20 =	simm.s32 $0x1800;
	s21 =	simm.s32 $0x2000;
	s22 =	simm.s32 $0x2800  }
0xf: {  	vm2 =	vcmask $0x70C;
	vm3 =	vcmask $0xB10;
	v2 =	vlaneseq.u32;
	s23 =	simm.s32 $0x3000;
	s24 =	simm.s32 $0x3200;
	s25 =	simm.s32 $0x4A00  }
0x10: {  	vm4 =	vcmask $0xF14;
	s26 =	simm.s32 $0x6200;
	s28 =	simm.s32 $0x6A00;
	s13 =	sshrl.u32 s1, $0x1;
	v5 =	vmul.u32 $0x100, v2;
	v3 =	vmul.u32 $0xFFFFFF00, v2  }
0x11: {  	vm5 =	vcmask $0x1318;
	vm6 =	vcmask $0x171C;
	vm7 =	vcmask $0x1B20;
	s29 =	simm.s32 $0x7200;
	s30 =	simm.s32 $0x7280;
	s1 =	ssub.s32 s1, s13  }
0x12: {  	s31 =	simm.s32 $0x0;
	s13 =	sadd.s32 $0x3600, s0;
	s15 =	smax.u32 s1, $0x1;
	v4 =	vor.u32 $0x1, v5;
	v5 =	vor.u32 $0x1001, v5;
	v6 =	vadd.s32 $0xFFFFF000, v3  }
.LBB2_2:
0x13: {  	[tilespmem:s16], [sflag:$0x1] =	stream.linear.gather [hbm4b:s2+s16], $0x800, $0x38;
	[tilespmem:$0x7300] =	vst v63  }
0x14: {  	_ =	swait.ge [sflag:s17], $0x800  }
0x15: {  	[sflag:s17] =	ssyncset.done $0x0  }
0x16: {  	s0 =	simm.s32 $0x800;
	[sflag:s17] =	ssyncadd.s32 $0xFFFFF800  }
0x17: {  	[tilespmem:s0], [sflag:$0x1] =	stream.linear.gather [hbm4b:s3+s16], $0x800, $0x38;
	[tilespmem:$0x7300] =	vst v63  }
0x18: {  	_ =	swait.ge [sflag:s17], $0x800  }
0x19: {  	[sflag:s17] =	ssyncset.done $0x0  }
0x1a: {  	[sflag:s17] =	ssyncadd.s32 $0xFFFFF800  }
0x1b: {  	[tilespmem:s19], [sflag:$0x1] =	stream.linear.gather [hbm4b:s4+s16], $0x800, $0x38;
	[tilespmem:$0x7300] =	vst v63  }
0x1c: {  	_ =	swait.ge [sflag:s17], $0x800  }
0x1d: {  	[sflag:s17] =	ssyncset.done $0x0  }
0x1e: {  	[sflag:s17] =	ssyncadd.s32 $0xFFFFF800  }
0x1f: {  	[tilespmem:s20], [sflag:$0x1] =	stream.linear.gather [hbm4b:s5+s16], $0x800, $0x38;
	[tilespmem:$0x7300] =	vst v63  }
0x20: {  	_ =	swait.ge [sflag:s17], $0x800  }
0x21: {  	[sflag:s17] =	ssyncset.done $0x0  }
0x22: {  	[sflag:s17] =	ssyncadd.s32 $0xFFFFF800  }
0x23: {  	[tilespmem:s21], [sflag:$0x1] =	stream.linear.gather [hbm4b:s6+s16], $0x800, $0x38;
	[tilespmem:$0x7300] =	vst v63  }
0x24: {  	_ =	swait.ge [sflag:s17], $0x800  }
0x25: {  	[sflag:s17] =	ssyncset.done $0x0  }
0x26: {  	[sflag:s17] =	ssyncadd.s32 $0xFFFFF800  }
0x27: {  	[tilespmem:s22], [sflag:$0x1] =	stream.linear.gather [hbm4b:s7+s16], $0x800, $0x38;
	[tilespmem:$0x7300] =	vst v63  }
0x28: {  	_ =	swait.ge [sflag:s17], $0x800  }
0x29: {  	[sflag:s17] =	ssyncset.done $0x0  }
0x2a: {  	[sflag:s17] =	ssyncadd.s32 $0xFFFFF800  }
0x2b: {  	[tilespmem:s23], [sflag:$0x1] =	stream.linear.gather [hbm4b:s8+s16], $0x80, $0x38;
	[tilespmem:$0x7300] =	vst v63  }
0x2c: {  	_ =	swait.ge [sflag:s17], $0x80  }
0x2d: {  	[sflag:s17] =	ssyncset.done $0x0  }
0x2e: {  	[sflag:s17] =	ssyncadd.s32 $0xFFFFFF80  }
0x2f: {  	v7 =	vld [tilespmem:$0x3000];
	_ =	sdelay $0x4  }
0x30: {  	v8 =	vadd.s32 $0xFF, v7  }
0x31: {  	v9 =	vand.u32 $0xFFFFFF00, v8  }
0x32: {  	(xrf0) =	vadd.scan.msk.s32 $0xffff, v9;
	_ =	sdelay $0x5  }
0x33: {  	[tilespmem:$0x3080] =	vst v9;
	v8, _, _ =	vpop (xrf0)  }
0x34: {  	v9 =	vsub.s32 v8, v9;
	[tilespmem:$0x3180] =	vst v8  }
0x35: {  	s1 =	simm.s32 $0x0;
	s0 =	simm.s32 $0x40;
	[tilespmem:$0x3100] =	vst v9  }
.LBB2_3:
0x36: {  	p0 =	seq.s32 s0, $0x5FC0;
	[tilespmem:s1+$0x3200] =	vst v0;
	s18 =	smov.u32 s0;
	s0 =	sadd.s32 $0x40, s0  }
.Ltmp1:
0x37: {  	[tilespmem:s1+$0x4A00] =	vst v1;
	(pc) =	sbr.rel @!p0 .LBB2_3-.Ltmp1, $2  }
0x38: {  	_ =	sdelay $0x2  }
0x39: {  	s1 =	sshra.s32 s18, $0x2  }
0x3a: {  	v10 =	vnsel vm0, $0x0, v9  }
0x3b: {  	(xrf0) =	vadd.scan.msk.s32 $0xffff, v10;
	v10 =	vsel vm1, $0x0, v9  }
0x3c: {  	(xrf0) =	vadd.scan.msk.s32 $0xffff, v10;
	v10 =	vsel vm2, $0x0, v9  }
0x3d: {  	(xrf0) =	vadd.scan.msk.s32 $0xffff, v10;
	v10 =	vsel vm3, $0x0, v9  }
0x3e: {  	(xrf0) =	vadd.scan.msk.s32 $0xffff, v10;
	v10 =	vsel vm4, $0x0, v9  }
0x3f: {  	(xrf0) =	vadd.scan.msk.s32 $0xffff, v10;
	v10 =	vsel vm5, $0x0, v9  }
0x40: {  	(xrf0) =	vadd.scan.msk.s32 $0xffff, v10;
	v10 =	vsel vm6, $0x0, v9  }
0x41: {  	v11, _, _ =	vpop (xrf0);
	(xrf0) =	vadd.scan.msk.s32 $0xffff, v10;
	v10 =	vsel vm7, $0x0, v9  }
0x42: {  	v12, _, _ =	vpop (xrf0);
	(xrf0) =	vadd.scan.msk.s32 $0xffff, v10  }
0x43: {  	v13, _, _ =	vpop (xrf0)  }
0x44: {  	v14, _, _ =	vpop (xrf0)  }
0x45: {  	v15, _, _ =	vpop (xrf0)  }
0x46: {  	v10 =	vbroadcast v11, $0xF;
	v11 =	vbroadcast v12, $0xF;
	v16, _, _ =	vpop (xrf0)  }
0x47: {  	v12 =	vbroadcast v13, $0xF;
	v13 =	vbroadcast v14, $0xF;
	v17, _, _ =	vpop (xrf0)  }
0x48: {  	[tilespmem:s1+$0x3200] =	vst v0;
	v14 =	vbroadcast v15, $0xF;
	v15 =	vbroadcast v16, $0xF;
	v18, _, _ =	vpop (xrf0)  }
0x49: {  	[tilespmem:s1+$0x4A00] =	vst v1;
	s1 =	simm.s32 $0x0;
	s0 =	simm.s32 $0x0;
	v16 =	vbroadcast v17, $0xF;
	v17 =	vbroadcast v18, $0xF  }
.LBB2_5:
0x4a: {  	s18 =	sshra.s32 s0, $0x2  }
0x4b: {  	v18 =	vld [tilespmem:s18+$0x0];
	_ =	sdelay $0x1  }
0x4c: {  	v19 =	vld [tilespmem:s18+$0x1000];
	_ =	sdelay $0x2  }
0x4d: {  	vm8 =	veq.s32 v18, $0x1  }
0x4e: {  	v20 =	vnsel vm8, $0x0, v11;
	vm8 =	veq.s32 v18, $0x0  }
0x4f: {  	v21 =	vnsel vm8, $0x0, v10;
	vm8 =	veq.s32 v18, $0x2;
	v19 =	vadd.s32 v19, v20  }
0x50: {  	v50 =	vnsel vm8, $0x0, v12;
	vm8 =	veq.s32 v18, $0x3;
	v19 =	vadd.s32 v21, v19  }
0x51: {  	v51 =	vnsel vm8, $0x0, v13;
	vm8 =	veq.s32 v18, $0x4;
	v19 =	vadd.s32 v50, v19  }
0x52: {  	v52 =	vnsel vm8, $0x0, v14;
	vm8 =	veq.s32 v18, $0x5;
	v19 =	vadd.s32 v51, v19  }
0x53: {  	v53 =	vnsel vm8, $0x0, v15;
	vm8 =	veq.s32 v18, $0x6;
	v19 =	vadd.s32 v52, v19  }
0x54: {  	v54 =	vnsel vm8, $0x0, v16;
	vm8 =	veq.s32 v18, $0x7;
	v18 =	vadd.s32 v53, v19  }
0x55: {  	v19 =	vnsel vm8, $0x0, v17;
	v18 =	vadd.s32 v54, v18  }
0x56: {  	v18 =	vadd.s32 v19, v18;
	_ =	sdelay $0x3  }
0x57: {  	v19 =	vor.u32 s1, v2  }
0x58: {  	[tilespmem:v18+s24+$0x0] =	vst.idx.msk $0xffff, v19  }
0x59: {  	v55 =	vld [tilespmem:s18+$0x2000];
	_ =	sdelay $0x4  }
0x5a: {  	[tilespmem:v18+s25+$0x0] =	vst.idx.msk $0xffff, v55  }
0x5b: {  	v20 =	vld [tilespmem:s18+$0x800];
	_ =	sdelay $0x1  }
0x5c: {  	v56 =	vld [tilespmem:s18+$0x1800];
	_ =	sdelay $0x2  }
0x5d: {  	vm8 =	veq.s32 v20, $0x1  }
0x5e: {  	v22 =	vnsel vm8, $0x0, v11;
	vm8 =	veq.s32 v20, $0x0  }
0x5f: {  	v23 =	vnsel vm8, $0x0, v10;
	vm8 =	veq.s32 v20, $0x2;
	v21 =	vadd.s32 v56, v22  }
0x60: {  	v57 =	vnsel vm8, $0x0, v12;
	vm8 =	veq.s32 v20, $0x3;
	v21 =	vadd.s32 v23, v21  }
0x61: {  	v58 =	vnsel vm8, $0x0, v13;
	vm8 =	veq.s32 v20, $0x4;
	v21 =	vadd.s32 v57, v21  }
0x62: {  	v59 =	vnsel vm8, $0x0, v14;
	vm8 =	veq.s32 v20, $0x5;
	v21 =	vadd.s32 v58, v21  }
0x63: {  	v60 =	vnsel vm8, $0x0, v15;
	vm8 =	veq.s32 v20, $0x6;
	v21 =	vadd.s32 v59, v21  }
0x64: {  	v61 =	vnsel vm8, $0x0, v16;
	vm8 =	veq.s32 v20, $0x7;
	v62 =	vadd.s32 v60, v21  }
0x65: {  	v63 =	vnsel vm8, $0x0, v17;
	v20 =	vadd.s32 v61, v62  }
0x66: {  	v20 =	vadd.s32 v63, v20;
	_ =	sdelay $0x3  }
0x67: {  	[tilespmem:s18+$0x6200] =	vst v18  }
0x68: {  	[tilespmem:v20+s24+$0x0] =	vst.idx.msk $0xffff, v19  }
0x69: {  	v18 =	vld [tilespmem:s18+$0x2800]  }
0x6a: {  	p0 =	sne.s32 s0, $0x1FC0  }
.Ltmp2:
0x6b: {  	_ = 	snop;
	(pc) =	sbr.rel @p0 .LBB2_5-.Ltmp2, $3  }
0x6c: {  	_ =	sdelay $0x1  }
0x6d: {  	[tilespmem:v20+s25+$0x0] =	vst.idx.msk $0xffff, v18  }
0x6e: {  	s0 =	sadd.s32 $0x40, s0;
	s1 =	sadd.s32 $0x10, s1;
	[tilespmem:s18+$0x6A00] =	vst v20  }
0x6f: {  	v10 =	vnsel vm0, $0x0, v8  }
0x70: {  	v51 =	vsel vm1, $0x0, v8;
	(xrf0) =	vadd.scan.msk.s32 $0xffff, v10  }
0x71: {  	(xrf0) =	vadd.scan.msk.s32 $0xffff, v51  }
0x72: {  	v52 =	vsel vm2, $0x0, v8  }
0x73: {  	v53 =	vsel vm3, $0x0, v8;
	(xrf0) =	vadd.scan.msk.s32 $0xffff, v52  }
0x74: {  	(xrf0) =	vadd.scan.msk.s32 $0xffff, v53  }
0x75: {  	v54 =	vsel vm4, $0x0, v8;
	v55 =	vsel vm5, $0x0, v8;
	v7 =	vadd.s32 v7, v9  }
0x76: {  	v57 =	vsel vm6, $0x0, v8;
	v8 =	vsel vm7, $0x0, v8;
	v12 =	vnsel vm0, $0x0, v7;
	v11, _, _ =	vpop (xrf0);
	(xrf0) =	vadd.scan.msk.s32 $0xffff, v54  }
0x77: {  	v58 =	vsel vm1, $0x0, v7;
	v14 =	vsel vm3, $0x0, v7;
	v56, _, _ =	vpop (xrf0);
	(xrf0) =	vadd.scan.msk.s32 $0xffff, v55;
	v11 =	vbroadcast v11, $0xF  }
0x78: {  	v15 =	vsel vm4, $0x0, v7;
	v59 =	vsel vm5, $0x0, v7;
	(xrf0) =	vadd.scan.msk.s32 $0xffff, v57;
	v9 =	vbroadcast v56, $0xF  }
0x79: {  	v39 =	vsel vm6, $0x0, v7;
	v13, _, _ =	vpop (xrf0);
	(xrf0) =	vadd.scan.msk.s32 $0xffff, v8;
	v8 =	vsel vm2, $0x0, v7;
	vm8 =	vlt.s32 v11, v4  }
0x7a: {  	v16, _, _ =	vpop (xrf0);
	v13 =	vbroadcast v13, $0xF;
	v7 =	vsel vm7, $0x0, v7;
	vm9 =	vlt.s32 v9, v4  }
0x7b: {  	v17 =	vsel vm8, $0x1, v0;
	v16 =	vbroadcast v16, $0xF;
	v18 =	vsel vm9, $0x1, v0  }
0x7c: {  	vm13 =	vlt.s32 v9, v5;
	vm8 =	vlt.s32 v13, v4;
	v19, _, _ =	vpop (xrf0);
	(xrf0) =	vadd.scan.msk.s32 $0xffff, v12;
	v17 =	vadd.s32 v18, v17  }
0x7d: {  	v61 =	vsel vm8, $0x1, v0;
	vm8 =	vlt.s32 v16, v4;
	v60, _, _ =	vpop (xrf0);
	(xrf0) =	vadd.scan.msk.s32 $0xffff, v58;
	v19 =	vbroadcast v19, $0xF  }
0x7e: {  	v62 =	vsel vm8, $0x1, v0;
	v20, _, _ =	vpop (xrf0);
	(xrf0) =	vadd.scan.msk.s32 $0xffff, v8;
	v8 =	vadd.s32 v61, v17;
	v63 =	vbroadcast v60, $0xF  }
0x7f: {  	v32, _, _ =	vpop (xrf0);
	v8 =	vadd.s32 v62, v8;
	vm8 =	vlt.s32 v19, v4;
	v33 =	vbroadcast v20, $0xF  }
0x80: {  	(xrf0) =	vadd.scan.msk.s32 $0xffff, v14;
	v34 =	vsel vm8, $0x1, v0;
	vm8 =	vlt.s32 v63, v4;
	v18 =	vbroadcast v32, $0xF  }
0x81: {  	v8 =	vadd.s32 v34, v8;
	v35 =	vsel vm8, $0x1, v0;
	vm8 =	vlt.s32 v33, v4  }
0x82: {  	(xrf0) =	vadd.scan.msk.s32 $0xffff, v15;
	v36, _, _ =	vpop (xrf0);
	v8 =	vadd.s32 v35, v8;
	v37 =	vsel vm8, $0x1, v0;
	vm8 =	vlt.s32 v18, v4  }
0x83: {  	v50 =	vsel vm13, $0x1, v0;
	(xrf0) =	vadd.scan.msk.s32 $0xffff, v59;
	v38, _, _ =	vpop (xrf0);
	v8 =	vadd.s32 v37, v8;
	v40 =	vsel vm8, $0x1, v0  }
0x84: {  	(xrf0) =	vadd.scan.msk.s32 $0xffff, v39;
	v41 =	vbroadcast v36, $0xF;
	v21, _, _ =	vpop (xrf0);
	v8 =	vadd.s32 v40, v8;
	v14 =	vbroadcast v38, $0xF  }
0x85: {  	vm8 =	veq.s32 v8, $0x0;
	v43 =	vbroadcast v21, $0xF;
	vm14 =	veq.s32 v8, $0x3  }
0x86: {  	v42, _, _ =	vpop (xrf0);
	(xrf0) =	vadd.scan.msk.s32 $0xffff, v7;
	vm15 =	veq.s32 v8, $0x4;
	vm12 =	vgt.u32 v8, $0x6;
	v7 =	vnsel vm8, $0x0, v41  }
0x87: {  	v15 =	vbroadcast v42, $0xF;
	vm8 =	veq.s32 v8, $0x2;
	v25 =	vadd.s32 v3, v14  }
0x88: {  	v44, _, _ =	vpop (xrf0);
	v56 =	vadd.s32 v6, v14;
	v23 =	vnsel vm8, $0x0, v43;
	vm8 =	veq.s32 v8, $0x1  }
0x89: {  	v21 =	vbroadcast v44, $0xF;
	v22, _, _ =	vpop (xrf0);
	v24 =	vnsel vm14, $0x0, v15;
	v25 =	vsel vm8, v25, v3  }
0x8a: {  	vm8 =	veq.s32 v8, $0x5;
	v22 =	vbroadcast v22, $0xF;
	v26, _, _ =	vpop (xrf0);
	v7 =	vadd.s32 v7, v25  }
0x8b: {  	v28 =	vnsel vm15, $0x0, v21;
	v45 =	vbroadcast v26, $0xF;
	v7 =	vadd.s32 v23, v7  }
0x8c: {  	v27, _, _ =	vpop (xrf0);
	v29 =	vnsel vm8, $0x0, v22;
	vm8 =	veq.s32 v8, $0x6;
	v7 =	vadd.s32 v24, v7  }
0x8d: {  	v46 =	vbroadcast v27, $0xF;
	v47 =	vnsel vm8, $0x0, v45;
	vm8 =	vlt.s32 v11, v5  }
0x8e: {  	v7 =	vadd.s32 v28, v7;
	v49 =	vsel vm8, $0x1, v0;
	vm8 =	vlt.s32 v13, v5  }
0x8f: {  	v9 =	vadd.s32 v50, v49;
	v51 =	vsel vm8, $0x1, v0;
	vm8 =	vlt.s32 v16, v5  }
0x90: {  	v9 =	vadd.s32 v51, v9;
	v52 =	vsel vm8, $0x1, v0;
	vm8 =	vlt.s32 v19, v5  }
0x91: {  	v9 =	vadd.s32 v52, v9;
	v53 =	vsel vm8, $0x1, v0;
	vm8 =	vlt.s32 v63, v5  }
0x92: {  	v9 =	vadd.s32 v53, v9;
	v54 =	vsel vm8, $0x1, v0;
	vm8 =	vlt.s32 v33, v5  }
0x93: {  	v9 =	vadd.s32 v54, v9;
	v10 =	vsel vm8, $0x1, v0;
	vm8 =	vlt.s32 v18, v5  }
0x94: {  	v7 =	vadd.s32 v29, v7;
	v9 =	vadd.s32 v10, v9;
	v55 =	vsel vm8, $0x1, v0  }
0x95: {  	v48 =	vnsel vm12, $0x0, v46;
	v7 =	vadd.s32 v47, v7;
	v9 =	vadd.s32 v55, v9  }
0x96: {  	v7 =	vadd.s32 v48, v7;
	vm8 =	veq.s32 v9, $0x0;
	vm14 =	veq.s32 v9, $0x1  }
0x97: {  	v57 =	vnsel vm8, $0x0, v41;
	vm8 =	veq.s32 v9, $0x2;
	v10 =	vsel vm14, v56, v6  }
0x98: {  	v58 =	vnsel vm8, $0x0, v43;
	vm8 =	veq.s32 v9, $0x3;
	v10 =	vadd.s32 v57, v10  }
0x99: {  	v59 =	vnsel vm8, $0x0, v15;
	vm8 =	veq.s32 v9, $0x4;
	v10 =	vadd.s32 v58, v10  }
0x9a: {  	v60 =	vnsel vm8, $0x0, v21;
	vm8 =	veq.s32 v9, $0x5;
	v10 =	vadd.s32 v59, v10  }
0x9b: {  	v61 =	vnsel vm8, $0x0, v22;
	vm8 =	veq.s32 v9, $0x6;
	v10 =	vadd.s32 v60, v10  }
0x9c: {  	v62 =	vnsel vm8, $0x0, v45;
	vm8 =	vgt.u32 v9, $0x6;
	v10 =	vadd.s32 v61, v10  }
0x9d: {  	vm15 =	vgt.s32 v7, $0x0;
	v63 =	vnsel vm8, $0x0, v46;
	v10 =	vadd.s32 v62, v10  }
0x9e: {  	v8 =	vmin.u32 v8, $0x7;
	v7 =	vnsel vm15, $0x0, v7;
	v10 =	vadd.s32 v63, v10  }
0x9f: {  	[tilespmem:$0x7200] =	vst v8;
	v7 =	vmin.u32 v7, $0x100;
	vm8 =	vgt.s32 v10, $0x0  }
0xa0: {  	[tilespmem:$0x7280] =	vst v7;
	v7 =	vmin.u32 v9, $0x7;
	v8 =	vnsel vm8, $0x0, v10  }
0xa1: {  	[tilespmem:$0x7210] =	vst v7;
	v7 =	vmin.u32 v8, $0x100  }
0xa2: {  	[tilespmem:$0x7290] =	vst v7  }
0xa3: {  	[hbm4b:s9+s16] =	stream.linear.scatter [tilespmem:s24], [sflag:$0x1], $0x1800, $0x38;
	[tilespmem:$0x7300] =	vst v63  }
0xa4: {  	_ =	swait.ge [sflag:s17], $0x1800  }
0xa5: {  	[sflag:s17] =	ssyncset.done $0x0  }
0xa6: {  	[sflag:s17] =	ssyncadd.s32 $0xFFFFE800  }
0xa7: {  	[hbm4b:s10+s16] =	stream.linear.scatter [tilespmem:s25], [sflag:$0x1], $0x1800, $0x38;
	[tilespmem:$0x7300] =	vst v63  }
0xa8: {  	_ =	swait.ge [sflag:s17], $0x1800  }
0xa9: {  	[sflag:s17] =	ssyncset.done $0x0  }
0xaa: {  	[sflag:s17] =	ssyncadd.s32 $0xFFFFE800  }
0xab: {  	[hbm4b:s11+s16] =	stream.linear.scatter [tilespmem:s26], [sflag:$0x1], $0x800, $0x38;
	[tilespmem:$0x7300] =	vst v63  }
0xac: {  	_ =	swait.ge [sflag:s17], $0x800  }
0xad: {  	[sflag:s17] =	ssyncset.done $0x0  }
0xae: {  	[sflag:s17] =	ssyncadd.s32 $0xFFFFF800  }
0xaf: {  	[hbm4b:s12+s16] =	stream.linear.scatter [tilespmem:s28], [sflag:$0x1], $0x800, $0x38;
	[tilespmem:$0x7300] =	vst v63  }
0xb0: {  	_ =	swait.ge [sflag:s17], $0x800  }
0xb1: {  	[sflag:s17] =	ssyncset.done $0x0  }
0xb2: {  	[sflag:s17] =	ssyncadd.s32 $0xFFFFF800  }
0xb3: {  	[hbm4b:s13+s16] =	stream.linear.scatter [tilespmem:s29], [sflag:$0x1], $0x80, $0x38;
	[tilespmem:$0x7300] =	vst v63  }
0xb4: {  	s31 =	sadd.s32 $0x1, s31;
	_ =	swait.ge [sflag:s17], $0x80  }
0xb5: {  	p0 =	sne.s32 s31, s15;
	[sflag:s17] =	ssyncset.done $0x0  }
.Ltmp3:
0xb6: {  	[sflag:s17] =	ssyncadd.s32 $0xFFFFFF80;
	(pc) =	sbr.rel @p0 .LBB2_2-.Ltmp3, $4  }
0xb7: {  	[hbm4b:s14+s16] =	stream.linear.scatter [tilespmem:s30], [sflag:$0x1], $0x80, $0x38;
	[tilespmem:$0x7300] =	vst v63  }
0xb8: {  	_ =	swait.ge [sflag:s17], $0x80  }
0xb9: {  	[sflag:s17] =	ssyncset.done $0x0  }
0xba: {  	[sflag:s17] =	ssyncadd.s32 $0xFFFFFF80  }
.LBB2_7:
0xbb: {  	_ =	sfence.sel $0x180000  }
0xbc: {  	[bflag:$0x0] =	sbarrier.arrive $0xFFFF  }
0xbd: {  	_ =	strace $0x90000047  }
0xbe: {  	s0 =	stileid.u32;
	[bflag:$0x2] =	sbarrier.arrive $0xFFFF  }
0xbf: {  	p0 =	sne.s32 s0, $0x0;
	s0 =	rddreg [dreg:$0x1]  }
0xc0: {  	s0 =	sadd.s32 @!p0 $0x100000, s0  }
0xc1: {  	[sflag:s0] =	ssyncadd.tile.s32 @!p0 $0x1;
	_ =	shalt  }
.Lfunc_end2:
_tile_overlayer_lowered:
.L_overlay_start_2:
0xc2: {  	(tag) =	ssettag $0x2  }
0xc3: {  	s0 =	rddreg [dreg:$0x0];
	s2 =	stileid.u32  }
0xc4: {  	s1 =	rddreg [dreg:$0x1];
	p0 =	sne.s32 s2, $0x0  }
0xc5: {  	s3 =	rddreg [dreg:$0x2];
	[bflag:$0x3] =	sbarrier.arrive $0xFFFF;
	s2 =	simm.s32 @!p0 $0x1C01  }
0xc6: {  	[timem:s3], [sflag:s2] =	dma.local @!p0 [hbm:s0], s1  }
0xc7: {  	s0 =	simm.s32 @!p0 $0x1  }
0xc8: {  	_ =	swait.ge @!p0 [sflag:s0], s1  }
0xc9: {  	s1 =	ssub.s32 @!p0 $0x0, s1;
	[sflag:s0] =	ssyncset.done @!p0 $0x0  }
0xca: {  	[sflag:s0] =	ssyncadd.s32 @!p0 s1  }
0xcb: {  	[bflag:$0x3] =	sbarrier.arrive $0xFFFF  }
0xcc: {  	_ =	shalt  }

// kernel: kernel.9.cloned.1.call-start
scs
__scs_entry_jumppad:
0x0: {  	(pc) =	sbr.rel $0x88, $3  }
0x1: {  	(tag) =	ssettag $0x0;
	lr =	simm.s32 $0x1  }
0x2: {  	[smem:$0x3F9C] =	sst lr;
	_ =	strace $0xD0000000  }
0x3: {  	_ = 	snop  }
0x4: {  	_ = 	snop  }
0x5: {  	_ = 	snop  }
0x6: {  	_ = 	snop  }
0x7: {  	_ = 	snop  }
__scs_overlays_trampoline_lowered:
0x8: {  	[smem:$0x3FAB] =	sst s0  }
0x9: {  	[smem:$0x3FAC] =	sst s1  }
0xa: {  	[smem:$0x3FAD] =	sst s2  }
0xb: {  	[smem:$0x3FAE] =	sst s3  }
0xc: {  	[smem:$0x3FAF] =	sst s4  }
0xd: {  	[smem:$0x3FB0] =	sst s5  }
0xe: {  	[smem:$0x3FB1] =	sst s6  }
0xf: {  	[smem:$0x3FB2] =	sst s7  }
0x10: {  	[smem:$0x3FB3] =	sst s8  }
0x11: {  	[smem:$0x3FB4] =	sst s9;
	s0 =	simm.s32 @!p0 $0x0  }
0x12: {  	s1 =	sld [smem:$0x3F9A];
	s0 =	simm.s32 @p0 $0x1  }
0x13: {  	[smem:$0x3FB5] =	sst s0;
	s0 =	simm.s32 @!p1 $0x0  }
0x14: {  	s2 =	sld [smem:$0x3F99];
	s0 =	simm.s32 @p1 $0x1  }
0x15: {  	[smem:$0x3FB6] =	sst s0;
	s0 =	simm.s32 @!p2 $0x0  }
0x16: {  	s3 =	sld [smem:$0x3FDB];
	s0 =	simm.s32 @p2 $0x1  }
0x17: {  	s4 =	simm.s32 $0x1BF5;
	[smem:$0x3FB8] =	sst s0  }
0x18: {  	s0 =	sld [smem:$0x3F9B];
	_ =	swait.ge [sflag:s4], $0x0  }
0x19: {  	s7 =	sld [smem:$0x3F9C]  }
0x1a: {  	s8 =	sadd.s32 $0xFFFFE003, lr  }
0x1b: {  	s9 =	sadd.s32 $0xFFFFFEF7, lr;
	s5 =	simm.s32 $0xFFFFFFFF;
	p2 =	slt.u32 s8, $0xFFFFF086  }
0x1c: {  	p1 =	slt.u32 s9, $0xF7A;
	s5 =	simm.s32 @!p2 $0x0  }
0x1d: {  	s5 =	simm.s32 @p1 $0x1;
	p0 =	seq.s32 s7, s2  }
0x1e: {  	s7 =	smul.u32 @!p0 $0xF7A, s2;
	p2 =	seq.s32 @!p0 s5, $0x0  }
0x1f: {  	s9 =	smul.u32 $0xF7A, s1;
	s8 =	simm.s32 @!p0 $0x1BF5;
	p2 =	por !p2, p0  }
0x20: {  	[sflag:s8] =	ssyncset.s32 @!p0 $0xFFFFF086;
	s6 =	sadd.s32 @!p0 s3, s7;
	s7 =	simm.s32 @!p0 $0x108  }
0x21: {  	s3 =	sadd.s32 s3, s9;
	s6 =	sadd.s32 @!p0 $0x88, s6;
	s7 =	simm.s32 @p2 $0x1082  }
0x22: {  	[simem:s7], [sflag:s8] =	dma.local @!p0 [hbm:s6], $0xF7A  }
0x23: {  	s9 =	sor.u32 $0xD0000000, s2;
	s6 =	simm.s32 $0x108;
	_ =	swait.ge @!p0 [sflag:s8], $0x0  }
0x24: {  	s3 =	sadd.s32 $0x88, s3;
	s6 =	simm.s32 @!p1 $0x1082;
	[sflag:s4] =	ssyncset.s32 $0xFFFFF086  }
0x25: {  	[simem:s6], [sflag:s4] =	dma.local [hbm:s3], $0xF7A  }
0x26: {  	[smem:$0x3F9C] =	sst s1;
	(tag) =	ssettag s2;
	_ =	strace s9  }
0x27: {  	s1 =	sld [smem:$0x3FAC]  }
0x28: {  	s2 =	sld [smem:$0x3FAD]  }
0x29: {  	s4 =	sld [smem:$0x3FAF]  }
0x2a: {  	p0 =	seq.s32 s5, $0x0;
	s5 =	sld [smem:$0x3FB0]  }
0x2b: {  	s6 =	sld [smem:$0x3FB1]  }
0x2c: {  	s7 =	sld [smem:$0x3FB2]  }
0x2d: {  	s3 =	simm.s32 $0x108;
	s8 =	sld [smem:$0x3FB3]  }
0x2e: {  	s3 =	simm.s32 @!p0 $0x1082;
	s9 =	sld [smem:$0x3FB4]  }
0x2f: {  	lr =	sadd.s32 s0, s3;
	s0 =	sld [smem:$0x3FAB]  }
0x30: {  	s3 =	sld [smem:$0x3FAE]  }
0x31: {  	[smem:$0x3FB7] =	sst s10  }
0x32: {  	s10 =	sld [smem:$0x3FB5];
	_ =	sdelay $0x3  }
0x33: {  	p0 =	seq.s32 s10, $0x1;
	s10 =	sld [smem:$0x3FB7];
	_ =	sdelay $0x3  }
0x34: {  	[smem:$0x3FB7] =	sst s10  }
0x35: {  	s10 =	sld [smem:$0x3FB6];
	_ =	sdelay $0x3  }
0x36: {  	p1 =	seq.s32 s10, $0x1;
	s10 =	sld [smem:$0x3FB7];
	_ =	sdelay $0x3  }
0x37: {  	[smem:$0x3FB7] =	sst s10  }
0x38: {  	s10 =	sld [smem:$0x3FB8]  }
0x39: {  	_ = 	snop;
	(pc) =	sbr.ind lr, $3  }
0x3a: {  	_ = 	snop  }
0x3b: {  	_ = 	snop  }
0x3c: {  	p2 =	seq.s32 s10, $0x1;
	s10 =	sld [smem:$0x3FB7]  }
0x3d: {  	_ =	shalt  }
0x3e: {  	_ =	shalt  }
0x3f: {  	_ =	shalt  }
0x40: {  	_ =	shalt  }
0x41: {  	_ =	shalt  }
0x42: {  	_ =	shalt  }
0x43: {  	_ =	shalt  }
0x44: {  	_ =	shalt  }
0x45: {  	_ =	shalt  }
0x46: {  	_ =	shalt  }
0x47: {  	_ =	shalt  }
0x48: {  	_ =	shalt  }
0x49: {  	_ =	shalt  }
0x4a: {  	_ =	shalt  }
0x4b: {  	_ =	shalt  }
0x4c: {  	_ =	shalt  }
0x4d: {  	_ =	shalt  }
0x4e: {  	_ =	shalt  }
0x4f: {  	_ =	shalt  }
0x50: {  	_ =	shalt  }
0x51: {  	_ =	shalt  }
0x52: {  	_ =	shalt  }
0x53: {  	_ =	shalt  }
0x54: {  	_ =	shalt  }
0x55: {  	_ =	shalt  }
0x56: {  	_ =	shalt  }
0x57: {  	_ =	shalt  }
0x58: {  	_ =	shalt  }
0x59: {  	_ =	shalt  }
0x5a: {  	_ =	shalt  }
0x5b: {  	_ =	shalt  }
0x5c: {  	_ =	shalt  }
0x5d: {  	_ =	shalt  }
0x5e: {  	_ =	shalt  }
0x5f: {  	_ =	shalt  }
0x60: {  	_ =	shalt  }
0x61: {  	_ =	shalt  }
0x62: {  	_ =	shalt  }
0x63: {  	_ =	shalt  }
0x64: {  	_ =	shalt  }
0x65: {  	_ =	shalt  }
0x66: {  	_ =	shalt  }
0x67: {  	_ =	shalt  }
0x68: {  	_ =	shalt  }
0x69: {  	_ =	shalt  }
0x6a: {  	_ =	shalt  }
0x6b: {  	_ =	shalt  }
0x6c: {  	_ =	shalt  }
0x6d: {  	_ =	shalt  }
0x6e: {  	_ =	shalt  }
0x6f: {  	_ =	shalt  }
0x70: {  	_ =	shalt  }
0x71: {  	_ =	shalt  }
0x72: {  	_ =	shalt  }
0x73: {  	_ =	shalt  }
0x74: {  	_ =	shalt  }
0x75: {  	_ =	shalt  }
0x76: {  	_ =	shalt  }
0x77: {  	_ =	shalt  }
0x78: {  	_ =	shalt  }
0x79: {  	_ =	shalt  }
0x7a: {  	_ =	shalt  }
0x7b: {  	_ =	shalt  }
0x7c: {  	_ =	shalt  }
0x7d: {  	_ =	shalt  }
0x7e: {  	_ =	shalt  }
0x7f: {  	_ =	shalt  }
0x80: {  	_ =	shalt  }
0x81: {  	_ =	shalt  }
0x82: {  	_ =	shalt  }
0x83: {  	_ =	shalt  }
0x84: {  	_ =	shalt  }
0x85: {  	_ =	shalt  }
0x86: {  	_ =	shalt  }
0x87: {  	_ =	shalt  }
.Lfunc_end0:
.L_simem_size_0:
called_computation.1_lowered:
.L_overlay_start_0:
0x88: {  	s2 =	sld [smem:$0x3FD9]  }
0x89: {  	s3 =	sld [smem:$0x3FFE];
	_ =	sdelay $0x1  }
0x8a: {  	s1 =	srdreg.scid  }
0x8b: {  	s0 =	sand.u32 $0x1, s1  }
0x8c: {  	s17 =	sshll.u32 s0, $0xA;
	s2 =	sadd.s32 s3, s2  }
0x8d: {  	s2 =	sadd.s32 s2, s17  }
0x8e: {  	[smem:$0x3FC3] =	sst s2  }
0x8f: {  	_ = 	snop  }
0x90: {  	s2 =	sld [smem:$0x3FD0];
	(tm) =	ssettm $0x1  }
0x91: {  	s18 =	sld [smem:$0x3FFB];
	_ =	sdelay $0x3  }
0x92: {  	_ =	strace s18  }
0x93: {  	s3 =	sld [smem:$0x3FFC];
	_ =	sdelay $0x3  }
0x94: {  	_ =	strace s3  }
0x95: {  	s3 =	sld [smem:$0x3FFD];
	_ =	sdelay $0x3  }
0x96: {  	_ =	strace s3  }
0x97: {  	_ =	strace $0x8FFFFFFF  }
0x98: {  	s19 =	sld [smem:$0x3FDB];
	_ =	sdelay $0x1  }
0x99: {  	s4 =	simm.s32 $_scs_section_size  }
0x9a: {  	s5 =	simm.s32 $_size__tile_overlayer_lowered;
	s6 =	simm.s32 $_tile_overlayer_lowered  }
0x9b: {  	s22 =	simm.s32 $0x1BFF;
	s21 =	sshll.u32 s6, $0x1;
	s3 =	sadd.s32 s4, s19  }
0x9c: {  	s7 =	simm.s32 $0x0;
	s20 =	sshll.u32 s5, $0x1;
	s5 =	sadd.s32 s21, s3  }
0x9d: {  	[timem:s7], [sflag:s22] =	dma.local [hbm:s5], s20  }
0x9e: {  	_ =	swait.ge [sflag:s22], s20  }
0x9f: {  	s4 =	ssub.s32 $0x0, s20;
	[sflag:s22] =	ssyncset.done $0x0  }
0xa0: {  	[sflag:s22] =	ssyncadd.s32 s4;
	_ =	sdelay $0x1  }
0xa1: {  	s23 =	simm.s32 $0x1B8B  }
0xa2: {  	_ =	swait.ge [sflag:s23], $0x1  }
0xa3: {  	[sflag:s23] =	ssyncset.done $0x0  }
0xa4: {  	s25 =	simm.s32 $0x1B8E;
	s24 =	sld [smem:$0x3FFE];
	[sflag:s23] =	ssyncadd.s32 $0xFFFFFFFF  }
0xa5: {  	s26 =	simm.s32 $execute0_lowered;
	[smem:$0x3FD2] =	sst s25  }
0xa6: {  	s5 =	sshll.u32 s26, $0x1;
	_ =	strace $0x80000049;
	[dreg:$0x1] =	wrdreg $0xFFFFFFFF  }
0xa7: {  	s28 =	simm.s32 $_size_execute0_lowered;
	s3 =	sadd.s32 s3, s5;
	[dreg:$0x0] =	wrdreg $0x0  }
0xa8: {  	s5 =	sshll.u32 s28, $0x1;
	[dreg:$0x2] =	wrdreg s3  }
0xa9: {  	[dreg:$0x3] =	wrdreg s5  }
0xaa: {  	[dreg:$0x4] =	wrdreg $0xC0  }
0xab: {  	_ =	task [dreg:s7], $0x5FFFF  }
0xac: {  	[dreg:$0x1] =	wrdreg $0xFFFFFFFF  }
0xad: {  	[dreg:$0x0] =	wrdreg $0x60  }
0xae: {  	[dreg:$0x2] =	wrdreg s24  }
0xaf: {  	[dreg:$0x3] =	wrdreg s2  }
0xb0: {  	[dreg:$0x4] =	wrdreg $0x9  }
0xb1: {  	_ =	task.clear_ibuf [dreg:s7], $0x5FFFF;
	_ =	strace $0x90000049  }
0xb2: {  	s29 =	simm.s32 $0x9;
	_ =	strace $0x8000004B  }
0xb3: {  	_ =	swait.ge [sflag:s29], $0x1  }
0xb4: {  	[sflag:s29] =	ssyncadd.s32 $0xFFFFFFFF  }
0xb5: {  	_ =	strace $0x9000004B  }
0xb6: {  	_ =	sfence  }
0xb7: {  	s30 =	sld [smem:$0x0];
	_ =	sdelay $0x2  }
0xb8: {  	s31 =	sshll.u32 s1, $0xD;
	s1 =	sshrl.u32 s1, $0x2  }
0xb9: {  	s3 =	sand.u32 $0x4000, s31;
	s1 =	sadd.s32 s1, s30  }
0xba: {  	s0 =	sor.u32 s3, s0;
	s1 =	sshll.u32 s1, $0x11  }
0xbb: {  	s0 =	sor.u32 s1, s0  }
0xbc: {  	s0 =	sadd.s32 $0x8F2B, s0  }
0xbd: {  	[sflag:s0] =	ssyncadd.remote.s32 $0x1  }
0xbe: {  	_ =	sfence.sel $0xFFFF  }
0xbf: {  	[dreg:$0x0] =	wrdreg $0xFFFFFFFF;
	(pc) =	sbr.abs _section_cstart, $3  }
0xc0: {  	[dreg:$0x1] =	wrdreg $0xFFFFFFFF  }
0xc1: {  	_ =	task.clear_ibuf [dreg:s7], $0x2FFFF;
	_ =	strace $0x9FFFFFFF  }
0xc2: {  	(tm) =	ssettm $0x7FFFFFFF  }
0xc3: {  	_ =	shalt  }
tec
execute0_lowered:
.L_overlay_start_1:
0x0: {  	(tag) =	ssettag $0x1  }
0x1: {  	s0 =	rddreg [dreg:$0x0]  }
0x2: {  	s1 =	rddreg [dreg:$0x1]  }
0x3: {  	s2 =	srdreg.scid;
	s4 =	stileid.u32;
	s13 =	simm.s32 $0x100  }
0x4: {  	s17 =	simm.s32 $0x6100;
	s12 =	simm.s32 $0x14100;
	s14 =	simm.s32 $0x14900  }
0x5: {  	s15 =	simm.s32 $0x15100;
	s16 =	simm.s32 $0x15900;
	s18 =	simm.s32 $0x16100  }
0x6: {  	s19 =	simm.s32 $0x16900;
	s20 =	simm.s32 $0x17100;
	s21 =	simm.s32 $0x17900  }
0x7: {  	s22 =	simm.s32 $0x1;
	s23 =	simm.s32 $0x2;
	s24 =	simm.s32 $0x3  }
0x8: {  	s25 =	simm.s32 $0x4;
	s26 =	simm.s32 $0x5;
	s28 =	simm.s32 $0x0  }
0x9: {  	s3 =	sand.u32 $0x1, s2;
	s2 =	simm.s32 $0x0;
	s4 =	sshll.u32 s4, $0x4  }
0xa: {  	s5 =	sshll.u32 s3, $0x3;
	[smem:$0x7FF] =	sst s2;
	s31 =	ssub.s32 $0x2, s3  }
0xb: {  	s3 =	sadd.s32 $0x3E00, s0;
	s5 =	sor.u32 s5, s4;
	_ =	strace $0x8000004A  }
0xc: {  	s6 =	sshrl.u32 s31, $0x1;
	s7 =	smul.u32 $0x1800, s5;
	s8 =	sadd.s32 s5, s0  }
0xd: {  	s10 =	ssub.s32 s31, s6;
	s9 =	smul.u32 $0x300, s5;
	s6 =	sadd.s32 $0x3F00, s0  }
0xe: {  	v2 =	vlaneseq.u32;
	s4 =	sadd.s32 $0x3A00, s8;
	s5 =	sadd.s32 $0x3C00, s8;
	s7 =	sshrl.u32 s7, $0x3  }
0xf: {  	vm0 =	vmmov $0xffff;
	v1 =	vshrl.u32 v2, $0x3;
	s10 =	smax.u32 s10, $0x1;
	s8 =	sadd.s32 s1, s9;
	s11 =	sadd.s32 s1, s7  }
0x10: {  	v0 =	vand.u32 $0x7, v2;
	v2 =	vor.u32 $0x8, v2;
	v1 =	vmul.u32 $0x8, v1;
	s7 =	sadd.s32 $0x4000, s0;
	s9 =	sadd.s32 $0xC00, s11;
	s11 =	simm.s32 $0x6  }
.LBB2_1:
0x11: {  	[tilespmem:s2], [sflag:$0x6] =	stream.linear.gather [hbm4b:s4+s2], $0x40, $0x38;
	[tilespmem:$0x18100] =	vst v63  }
0x12: {  	_ =	swait.ge [sflag:s11], $0x40  }
0x13: {  	[sflag:s11] =	ssyncset.done $0x0  }
0x14: {  	s0 =	simm.s32 $0x80;
	[sflag:s11] =	ssyncadd.s32 $0xFFFFFFC0  }
0x15: {  	[tilespmem:s0], [sflag:$0x6] =	stream.linear.gather [hbm4b:s5+s2], $0x40, $0x38;
	[tilespmem:$0x18100] =	vst v63  }
0x16: {  	_ =	swait.ge [sflag:s11], $0x40  }
0x17: {  	[sflag:s11] =	ssyncset.done $0x0  }
0x18: {  	[sflag:s11] =	ssyncadd.s32 $0xFFFFFFC0  }
0x19: {  	v3 =	vld [tilespmem:$0x0];
	_ =	sdelay $0x4  }
0x1a: {  	v4 =	vshrl.u32 v3, $0x3  }
0x1b: {  	v4 =	vmul.u32 $0x30, v4  }
0x1c: {  	v3 =	vand.u32 $0x7, v3  }
0x1d: {  	v3 =	vor.u32 v3, v4  }
0x1e: {  	v4 =	vperm.xlane v3, v0;
	_ =	sdelay $0x1  }
0x1f: {  	v4 =	vadd.s32 v1, v4;
	_ =	sdelay $0x3  }
0x20: {  	v3 =	vperm.xlane v3, v2  }
0x21: {  	[tilespmem:s13], [sflag:$0x1] =	stream.indirect_vreg.gather [hbm4b:s3+s2], $0x80, v4, vm0, $0xb8;
	[tilespmem:$0x18100] =	vst v63  }
0x22: {  	s1 =	simm.s32 $0x900;
	v3 =	vadd.s32 v1, v3  }
0x23: {  	[tilespmem:s1], [sflag:$0x1] =	stream.indirect_vreg.gather [hbm4b:s6+s2], $0x80, v4, vm0, $0xb8;
	[tilespmem:$0x18100] =	vst v63  }
0x24: {  	s1 =	simm.s32 $0x1100  }
0x25: {  	[tilespmem:s1], [sflag:$0x1] =	stream.indirect_vreg.gather [hbm4b:s7+s2], $0x80, v4, vm0, $0xb8;
	[tilespmem:$0x18100] =	vst v63  }
0x26: {  	s1 =	simm.s32 $0x1900  }
0x27: {  	[tilespmem:s1], [sflag:$0x1] =	stream.indirect_vreg.gather [hbm4b:s3+s2], $0x80, v3, vm0, $0xb8;
	[tilespmem:$0x18100] =	vst v63  }
0x28: {  	s1 =	simm.s32 $0x2100  }
0x29: {  	[tilespmem:s1], [sflag:$0x1] =	stream.indirect_vreg.gather [hbm4b:s6+s2], $0x80, v3, vm0, $0xb8;
	[tilespmem:$0x18100] =	vst v63  }
0x2a: {  	s1 =	simm.s32 $0x2900  }
0x2b: {  	[tilespmem:s1], [sflag:$0x1] =	stream.indirect_vreg.gather [hbm4b:s7+s2], $0x80, v3, vm0, $0xb8;
	[tilespmem:$0x18100] =	vst v63  }
0x2c: {  	v3 =	vld [tilespmem:$0x10];
	_ =	sdelay $0x4  }
0x2d: {  	v4 =	vshrl.u32 v3, $0x3  }
0x2e: {  	v4 =	vmul.u32 $0x30, v4  }
0x2f: {  	v3 =	vand.u32 $0x7, v3  }
0x30: {  	v3 =	vor.u32 v3, v4  }
0x31: {  	v4 =	vperm.xlane v3, v0;
	_ =	sdelay $0x1  }
0x32: {  	v4 =	vadd.s32 v1, v4;
	_ =	sdelay $0x3  }
0x33: {  	s1 =	simm.s32 $0x3100;
	v3 =	vperm.xlane v3, v2  }
0x34: {  	[tilespmem:s1], [sflag:$0x1] =	stream.indirect_vreg.gather [hbm4b:s3+s2], $0x80, v4, vm0, $0xb8;
	[tilespmem:$0x18100] =	vst v63  }
0x35: {  	v3 =	vadd.s32 v1, v3;
	s1 =	simm.s32 $0x3900  }
0x36: {  	[tilespmem:s1], [sflag:$0x1] =	stream.indirect_vreg.gather [hbm4b:s6+s2], $0x80, v4, vm0, $0xb8;
	[tilespmem:$0x18100] =	vst v63  }
0x37: {  	s1 =	simm.s32 $0x4100  }
0x38: {  	[tilespmem:s1], [sflag:$0x1] =	stream.indirect_vreg.gather [hbm4b:s7+s2], $0x80, v4, vm0, $0xb8;
	[tilespmem:$0x18100] =	vst v63  }
0x39: {  	s1 =	simm.s32 $0x4900  }
0x3a: {  	[tilespmem:s1], [sflag:$0x1] =	stream.indirect_vreg.gather [hbm4b:s3+s2], $0x80, v3, vm0, $0xb8;
	[tilespmem:$0x18100] =	vst v63  }
0x3b: {  	s1 =	simm.s32 $0x5100  }
0x3c: {  	[tilespmem:s1], [sflag:$0x1] =	stream.indirect_vreg.gather [hbm4b:s6+s2], $0x80, v3, vm0, $0xb8;
	[tilespmem:$0x18100] =	vst v63  }
0x3d: {  	s1 =	simm.s32 $0x5900  }
0x3e: {  	[tilespmem:s1], [sflag:$0x1] =	stream.indirect_vreg.gather [hbm4b:s7+s2], $0x80, v3, vm0, $0xb8;
	[tilespmem:$0x18100] =	vst v63  }
0x3f: {  	v3 =	vld [tilespmem:$0x80];
	_ =	sdelay $0x4  }
0x40: {  	v4 =	vshrl.u32 v3, $0x3  }
0x41: {  	v4 =	vmul.u32 $0x30, v4  }
0x42: {  	v3 =	vand.u32 $0x7, v3  }
0x43: {  	v3 =	vor.u32 v3, v4  }
0x44: {  	v4 =	vperm.xlane v3, v0;
	_ =	sdelay $0x1  }
0x45: {  	v4 =	vadd.s32 v1, v4;
	_ =	sdelay $0x3  }
0x46: {  	s1 =	simm.s32 $0xC100;
	v3 =	vperm.xlane v3, v2  }
0x47: {  	[tilespmem:s1], [sflag:$0x2] =	stream.indirect_vreg.gather [hbm4b:s3+s2], $0x80, v4, vm0, $0xb8;
	[tilespmem:$0x18100] =	vst v63  }
0x48: {  	v3 =	vadd.s32 v1, v3;
	s1 =	simm.s32 $0xC900  }
0x49: {  	[tilespmem:s1], [sflag:$0x2] =	stream.indirect_vreg.gather [hbm4b:s6+s2], $0x80, v4, vm0, $0xb8;
	[tilespmem:$0x18100] =	vst v63  }
0x4a: {  	s1 =	simm.s32 $0xD100  }
0x4b: {  	[tilespmem:s1], [sflag:$0x2] =	stream.indirect_vreg.gather [hbm4b:s7+s2], $0x80, v4, vm0, $0xb8;
	[tilespmem:$0x18100] =	vst v63  }
0x4c: {  	s1 =	simm.s32 $0xD900  }
0x4d: {  	[tilespmem:s1], [sflag:$0x2] =	stream.indirect_vreg.gather [hbm4b:s3+s2], $0x80, v3, vm0, $0xb8;
	[tilespmem:$0x18100] =	vst v63  }
0x4e: {  	s1 =	simm.s32 $0xE100  }
0x4f: {  	[tilespmem:s1], [sflag:$0x2] =	stream.indirect_vreg.gather [hbm4b:s6+s2], $0x80, v3, vm0, $0xb8;
	[tilespmem:$0x18100] =	vst v63  }
0x50: {  	s1 =	simm.s32 $0xE900  }
0x51: {  	[tilespmem:s1], [sflag:$0x2] =	stream.indirect_vreg.gather [hbm4b:s7+s2], $0x80, v3, vm0, $0xb8;
	[tilespmem:$0x18100] =	vst v63  }
0x52: {  	v3 =	vld [tilespmem:$0x90];
	_ =	sdelay $0x4  }
0x53: {  	v4 =	vshrl.u32 v3, $0x3  }
0x54: {  	v4 =	vmul.u32 $0x30, v4  }
0x55: {  	v3 =	vand.u32 $0x7, v3  }
0x56: {  	v3 =	vor.u32 v3, v4  }
0x57: {  	v4 =	vperm.xlane v3, v0;
	_ =	sdelay $0x1  }
0x58: {  	v4 =	vadd.s32 v1, v4;
	_ =	sdelay $0x3  }
0x59: {  	s1 =	simm.s32 $0xF100;
	v3 =	vperm.xlane v3, v2  }
0x5a: {  	[tilespmem:s1], [sflag:$0x2] =	stream.indirect_vreg.gather [hbm4b:s3+s2], $0x80, v4, vm0, $0xb8;
	[tilespmem:$0x18100] =	vst v63  }
0x5b: {  	v3 =	vadd.s32 v1, v3;
	s1 =	simm.s32 $0xF900  }
0x5c: {  	[tilespmem:s1], [sflag:$0x2] =	stream.indirect_vreg.gather [hbm4b:s6+s2], $0x80, v4, vm0, $0xb8;
	[tilespmem:$0x18100] =	vst v63  }
0x5d: {  	s1 =	simm.s32 $0x10100  }
0x5e: {  	[tilespmem:s1], [sflag:$0x2] =	stream.indirect_vreg.gather [hbm4b:s7+s2], $0x80, v4, vm0, $0xb8;
	[tilespmem:$0x18100] =	vst v63  }
0x5f: {  	s1 =	simm.s32 $0x10900  }
0x60: {  	[tilespmem:s1], [sflag:$0x2] =	stream.indirect_vreg.gather [hbm4b:s3+s2], $0x80, v3, vm0, $0xb8;
	[tilespmem:$0x18100] =	vst v63  }
0x61: {  	s1 =	simm.s32 $0x11100  }
0x62: {  	[tilespmem:s1], [sflag:$0x2] =	stream.indirect_vreg.gather [hbm4b:s6+s2], $0x80, v3, vm0, $0xb8;
	[tilespmem:$0x18100] =	vst v63  }
0x63: {  	s1 =	simm.s32 $0x11900  }
0x64: {  	[tilespmem:s1], [sflag:$0x2] =	stream.indirect_vreg.gather [hbm4b:s7+s2], $0x80, v3, vm0, $0xb8;
	[tilespmem:$0x18100] =	vst v63  }
0x65: {  	v3 =	vld [tilespmem:$0x20];
	_ =	sdelay $0x4  }
0x66: {  	v4 =	vshrl.u32 v3, $0x3  }
0x67: {  	v4 =	vmul.u32 $0x30, v4  }
0x68: {  	v3 =	vand.u32 $0x7, v3  }
0x69: {  	v3 =	vor.u32 v3, v4  }
0x6a: {  	v4 =	vperm.xlane v3, v0;
	_ =	sdelay $0x1  }
0x6b: {  	v4 =	vadd.s32 v1, v4;
	_ =	sdelay $0x3  }
0x6c: {  	v3 =	vperm.xlane v3, v2  }
0x6d: {  	[tilespmem:s17], [sflag:$0x3] =	stream.indirect_vreg.gather [hbm4b:s3+s2], $0x80, v4, vm0, $0xb8;
	[tilespmem:$0x18100] =	vst v63  }
0x6e: {  	s1 =	simm.s32 $0x6900;
	v3 =	vadd.s32 v1, v3  }
0x6f: {  	[tilespmem:s1], [sflag:$0x3] =	stream.indirect_vreg.gather [hbm4b:s6+s2], $0x80, v4, vm0, $0xb8;
	[tilespmem:$0x18100] =	vst v63  }
0x70: {  	s1 =	simm.s32 $0x7100  }
0x71: {  	[tilespmem:s1], [sflag:$0x3] =	stream.indirect_vreg.gather [hbm4b:s7+s2], $0x80, v4, vm0, $0xb8;
	[tilespmem:$0x18100] =	vst v63  }
0x72: {  	s1 =	simm.s32 $0x7900  }
0x73: {  	[tilespmem:s1], [sflag:$0x3] =	stream.indirect_vreg.gather [hbm4b:s3+s2], $0x80, v3, vm0, $0xb8;
	[tilespmem:$0x18100] =	vst v63  }
0x74: {  	s1 =	simm.s32 $0x8100  }
0x75: {  	[tilespmem:s1], [sflag:$0x3] =	stream.indirect_vreg.gather [hbm4b:s6+s2], $0x80, v3, vm0, $0xb8;
	[tilespmem:$0x18100] =	vst v63  }
0x76: {  	s1 =	simm.s32 $0x8900  }
0x77: {  	[tilespmem:s1], [sflag:$0x3] =	stream.indirect_vreg.gather [hbm4b:s7+s2], $0x80, v3, vm0, $0xb8;
	[tilespmem:$0x18100] =	vst v63  }
0x78: {  	v3 =	vld [tilespmem:$0x30];
	_ =	sdelay $0x4  }
0x79: {  	v4 =	vshrl.u32 v3, $0x3  }
0x7a: {  	v4 =	vmul.u32 $0x30, v4  }
0x7b: {  	v3 =	vand.u32 $0x7, v3  }
0x7c: {  	v3 =	vor.u32 v3, v4  }
0x7d: {  	v4 =	vperm.xlane v3, v0;
	_ =	sdelay $0x1  }
0x7e: {  	v4 =	vadd.s32 v1, v4;
	_ =	sdelay $0x3  }
0x7f: {  	s1 =	simm.s32 $0x9100;
	v3 =	vperm.xlane v3, v2  }
0x80: {  	[tilespmem:s1], [sflag:$0x3] =	stream.indirect_vreg.gather [hbm4b:s3+s2], $0x80, v4, vm0, $0xb8;
	[tilespmem:$0x18100] =	vst v63  }
0x81: {  	v3 =	vadd.s32 v1, v3;
	s1 =	simm.s32 $0x9900  }
0x82: {  	[tilespmem:s1], [sflag:$0x3] =	stream.indirect_vreg.gather [hbm4b:s6+s2], $0x80, v4, vm0, $0xb8;
	[tilespmem:$0x18100] =	vst v63  }
0x83: {  	s1 =	simm.s32 $0xA100  }
0x84: {  	[tilespmem:s1], [sflag:$0x3] =	stream.indirect_vreg.gather [hbm4b:s7+s2], $0x80, v4, vm0, $0xb8;
	[tilespmem:$0x18100] =	vst v63  }
0x85: {  	s1 =	simm.s32 $0xA900  }
0x86: {  	[tilespmem:s1], [sflag:$0x3] =	stream.indirect_vreg.gather [hbm4b:s3+s2], $0x80, v3, vm0, $0xb8;
	[tilespmem:$0x18100] =	vst v63  }
0x87: {  	s1 =	simm.s32 $0xB100  }
0x88: {  	[tilespmem:s1], [sflag:$0x3] =	stream.indirect_vreg.gather [hbm4b:s6+s2], $0x80, v3, vm0, $0xb8;
	[tilespmem:$0x18100] =	vst v63  }
0x89: {  	s1 =	simm.s32 $0xB900  }
0x8a: {  	[tilespmem:s1], [sflag:$0x3] =	stream.indirect_vreg.gather [hbm4b:s7+s2], $0x80, v3, vm0, $0xb8;
	[tilespmem:$0x18100] =	vst v63  }
0x8b: {  	v3 =	vld [tilespmem:$0xA0];
	_ =	sdelay $0x4  }
0x8c: {  	v4 =	vshrl.u32 v3, $0x3  }
0x8d: {  	v4 =	vmul.u32 $0x30, v4  }
0x8e: {  	v3 =	vand.u32 $0x7, v3  }
0x8f: {  	v3 =	vor.u32 v3, v4  }
0x90: {  	v4 =	vperm.xlane v3, v0;
	_ =	sdelay $0x1  }
0x91: {  	v4 =	vadd.s32 v1, v4;
	_ =	sdelay $0x3  }
0x92: {  	s1 =	simm.s32 $0x12100;
	v3 =	vperm.xlane v3, v2  }
0x93: {  	[tilespmem:s1], [sflag:$0x4] =	stream.indirect_vreg.gather [hbm4b:s3+s2], $0x80, v4, vm0, $0xb8;
	[tilespmem:$0x18100] =	vst v63  }
0x94: {  	v3 =	vadd.s32 v1, v3;
	s1 =	simm.s32 $0x12900  }
0x95: {  	[tilespmem:s1], [sflag:$0x4] =	stream.indirect_vreg.gather [hbm4b:s6+s2], $0x80, v4, vm0, $0xb8;
	[tilespmem:$0x18100] =	vst v63  }
0x96: {  	s1 =	simm.s32 $0x13100  }
0x97: {  	[tilespmem:s1], [sflag:$0x4] =	stream.indirect_vreg.gather [hbm4b:s7+s2], $0x80, v4, vm0, $0xb8;
	[tilespmem:$0x18100] =	vst v63  }
0x98: {  	s1 =	simm.s32 $0x13900  }
0x99: {  	[tilespmem:s1], [sflag:$0x4] =	stream.indirect_vreg.gather [hbm4b:s3+s2], $0x80, v3, vm0, $0xb8;
	[tilespmem:$0x18100] =	vst v63  }
0x9a: {  	_ = 	snop  }
0x9b: {  	[tilespmem:s12], [sflag:$0x4] =	stream.indirect_vreg.gather [hbm4b:s6+s2], $0x80, v3, vm0, $0xb8;
	[tilespmem:$0x18100] =	vst v63  }
0x9c: {  	_ = 	snop  }
0x9d: {  	[tilespmem:s14], [sflag:$0x4] =	stream.indirect_vreg.gather [hbm4b:s7+s2], $0x80, v3, vm0, $0xb8;
	[tilespmem:$0x18100] =	vst v63  }
0x9e: {  	v3 =	vld [tilespmem:$0xB0];
	_ =	sdelay $0x4  }
0x9f: {  	v4 =	vshrl.u32 v3, $0x3  }
0xa0: {  	v4 =	vmul.u32 $0x30, v4  }
0xa1: {  	v3 =	vand.u32 $0x7, v3  }
0xa2: {  	v3 =	vor.u32 v3, v4  }
0xa3: {  	v4 =	vperm.xlane v3, v0;
	_ =	sdelay $0x1  }
0xa4: {  	v4 =	vadd.s32 v1, v4;
	_ =	sdelay $0x3  }
0xa5: {  	v3 =	vperm.xlane v3, v2  }
0xa6: {  	[tilespmem:s15], [sflag:$0x4] =	stream.indirect_vreg.gather [hbm4b:s3+s2], $0x80, v4, vm0, $0xb8;
	[tilespmem:$0x18100] =	vst v63  }
0xa7: {  	v3 =	vadd.s32 v1, v3  }
0xa8: {  	[tilespmem:s16], [sflag:$0x4] =	stream.indirect_vreg.gather [hbm4b:s6+s2], $0x80, v4, vm0, $0xb8;
	[tilespmem:$0x18100] =	vst v63  }
0xa9: {  	_ = 	snop  }
0xaa: {  	[tilespmem:s18], [sflag:$0x4] =	stream.indirect_vreg.gather [hbm4b:s7+s2], $0x80, v4, vm0, $0xb8;
	[tilespmem:$0x18100] =	vst v63  }
0xab: {  	_ = 	snop  }
0xac: {  	[tilespmem:s19], [sflag:$0x4] =	stream.indirect_vreg.gather [hbm4b:s3+s2], $0x80, v3, vm0, $0xb8;
	[tilespmem:$0x18100] =	vst v63  }
0xad: {  	_ = 	snop  }
0xae: {  	[tilespmem:s20], [sflag:$0x4] =	stream.indirect_vreg.gather [hbm4b:s6+s2], $0x80, v3, vm0, $0xb8;
	[tilespmem:$0x18100] =	vst v63  }
0xaf: {  	_ = 	snop  }
0xb0: {  	[tilespmem:s21], [sflag:$0x4] =	stream.indirect_vreg.gather [hbm4b:s7+s2], $0x80, v3, vm0, $0xb8;
	[tilespmem:$0x18100] =	vst v63  }
0xb1: {  	_ =	swait.ge [sflag:s22], $0x6000  }
0xb2: {  	[sflag:s22] =	ssyncset.done $0x0  }
0xb3: {  	s29 =	simm.s32 $0x0;
	[sflag:s22] =	ssyncadd.s32 $0xFFFFA000  }
0xb4: {  	s29 =	smul.u32 $0x1800, s29;
	_ =	swait.ge [sflag:s23], $0x6000  }
0xb5: {  	s30 =	sand.u32 $0x380, s2;
	[sflag:s23] =	ssyncset.done $0x0  }
0xb6: {  	s29 =	sor.u32 s30, s29;
	[sflag:s23] =	ssyncadd.s32 $0xFFFFA000  }
0xb7: {  	v12 =	vld [tilespmem:s29+$0xC100]  }
0xb8: {  	v13 =	vld [tilespmem:s29+$0xC110]  }
0xb9: {  	v14 =	vld [tilespmem:s29+$0xC120]  }
0xba: {  	v15 =	vld [tilespmem:s29+$0xC130]  }
0xbb: {  	v16 =	vld [tilespmem:s29+$0xC140]  }
0xbc: {  	v17 =	vld [tilespmem:s29+$0xC150]  }
0xbd: {  	v18 =	vld [tilespmem:s29+$0xC160]  }
0xbe: {  	v19 =	vld [tilespmem:s29+$0xC170]  }
0xbf: {  	v20 =	vld [tilespmem:s29+$0xC500]  }
0xc0: {  	v21 =	vld [tilespmem:s29+$0xC510]  }
0xc1: {  	v22 =	vld [tilespmem:s29+$0xC520]  }
0xc2: {  	v23 =	vld [tilespmem:s29+$0xC530]  }
0xc3: {  	v24 =	vld [tilespmem:s29+$0xC540]  }
0xc4: {  	v25 =	vld [tilespmem:s29+$0xC550]  }
0xc5: {  	v26 =	vld [tilespmem:s29+$0xC560]  }
0xc6: {  	v27 =	vld [tilespmem:s29+$0xC570]  }
0xc7: {  	v28 =	vld [tilespmem:s29+$0xC900]  }
0xc8: {  	v29 =	vld [tilespmem:s29+$0xC910]  }
0xc9: {  	v30 =	vld [tilespmem:s29+$0xC920]  }
0xca: {  	v31 =	vld [tilespmem:s29+$0xC930]  }
0xcb: {  	v32 =	vld [tilespmem:s29+$0xC940]  }
0xcc: {  	v33 =	vld [tilespmem:s29+$0xC950]  }
0xcd: {  	v34 =	vld [tilespmem:s29+$0xC960]  }
0xce: {  	v35 =	vld [tilespmem:s29+$0xC970]  }
0xcf: {  	v36 =	vld [tilespmem:s29+$0xCD00]  }
0xd0: {  	v37 =	vld [tilespmem:s29+$0xCD10]  }
0xd1: {  	v38 =	vld [tilespmem:s29+$0xCD20]  }
0xd2: {  	v39 =	vld [tilespmem:s29+$0xCD30]  }
0xd3: {  	v40 =	vld [tilespmem:s29+$0xCD40]  }
0xd4: {  	v41 =	vld [tilespmem:s29+$0xCD50]  }
0xd5: {  	v42 =	vld [tilespmem:s29+$0xCD60]  }
0xd6: {  	v43 =	vld [tilespmem:s29+$0xCD70]  }
0xd7: {  	v44 =	vld [tilespmem:s29+$0xD100]  }
0xd8: {  	v45 =	vld [tilespmem:s29+$0xD110]  }
0xd9: {  	v46 =	vld [tilespmem:s29+$0xD120]  }
0xda: {  	v47 =	vld [tilespmem:s29+$0xD130]  }
0xdb: {  	v48 =	vld [tilespmem:s29+$0xD140]  }
0xdc: {  	v49 =	vld [tilespmem:s29+$0xD150]  }
0xdd: {  	v50 =	vld [tilespmem:s29+$0xD160]  }
0xde: {  	v11 =	vld [tilespmem:s29+$0xD170]  }
0xdf: {  	v10 =	vld [tilespmem:s29+$0xD500]  }
0xe0: {  	v9 =	vld [tilespmem:s29+$0xD510]  }
0xe1: {  	v8 =	vld [tilespmem:s29+$0xD520]  }
0xe2: {  	v7 =	vld [tilespmem:s29+$0xD530]  }
0xe3: {  	v6 =	vld [tilespmem:s29+$0xD540]  }
0xe4: {  	v51 =	vld [tilespmem:s29+$0x100]  }
0xe5: {  	v52 =	vld [tilespmem:s29+$0x110]  }
0xe6: {  	v53 =	vld [tilespmem:s29+$0x120]  }
0xe7: {  	v54 =	vld [tilespmem:s29+$0x130]  }
0xe8: {  	v55 =	vld [tilespmem:s29+$0x140]  }
0xe9: {  	v62 =	vld [tilespmem:s29+$0x150];
	v12 =	vadd.f32 v12, v51  }
0xea: {  	v63 =	vld [tilespmem:s29+$0x160];
	v13 =	vadd.f32 v13, v52  }
0xeb: {  	[tilespmem:s29+$0x100] =	vst v12;
	v12 =	vadd.f32 v14, v53;
	v14 =	vld [tilespmem:s29+$0x170]  }
0xec: {  	[tilespmem:s29+$0x110] =	vst v13;
	v13 =	vadd.f32 v15, v54;
	v15 =	vld [tilespmem:s29+$0x500]  }
0xed: {  	[tilespmem:s29+$0x120] =	vst v12;
	v12 =	vadd.f32 v16, v55;
	v16 =	vld [tilespmem:s29+$0x510]  }
0xee: {  	[tilespmem:s29+$0x130] =	vst v13;
	v13 =	vadd.f32 v17, v62;
	v17 =	vld [tilespmem:s29+$0x520]  }
0xef: {  	v5 =	vld [tilespmem:s29+$0xD550]  }
0xf0: {  	[tilespmem:s29+$0x140] =	vst v12;
	v12 =	vadd.f32 v18, v63;
	v18 =	vld [tilespmem:s29+$0x570]  }
0xf1: {  	[tilespmem:s29+$0x150] =	vst v13;
	v13 =	vadd.f32 v19, v14;
	v14 =	vld [tilespmem:s29+$0x530]  }
0xf2: {  	[tilespmem:s29+$0x160] =	vst v12;
	v12 =	vadd.f32 v20, v15;
	v15 =	vld [tilespmem:s29+$0x540]  }
0xf3: {  	[tilespmem:s29+$0x170] =	vst v13;
	v13 =	vadd.f32 v21, v16;
	v16 =	vadd.f32 v22, v17;
	v17 =	vld [tilespmem:s29+$0x560]  }
0xf4: {  	[tilespmem:s29+$0x500] =	vst v12;
	v12 =	vld [tilespmem:s29+$0x550]  }
0xf5: {  	[tilespmem:s29+$0x510] =	vst v13;
	v13 =	vld [tilespmem:s29+$0x900];
	v18 =	vadd.f32 v27, v18  }
0xf6: {  	[tilespmem:s29+$0x520] =	vst v16;
	v16 =	vld [tilespmem:s29+$0x910];
	v14 =	vadd.f32 v23, v14  }
0xf7: {  	v4 =	vld [tilespmem:s29+$0xD560];
	v15 =	vadd.f32 v24, v15;
	[tilespmem:s29+$0x570] =	vst v18  }
0xf8: {  	[tilespmem:s29+$0x530] =	vst v14;
	v14 =	vld [tilespmem:s29+$0x920];
	v17 =	vadd.f32 v26, v17  }
0xf9: {  	v12 =	vadd.f32 v25, v12;
	[tilespmem:s29+$0x540] =	vst v15;
	v15 =	vld [tilespmem:s29+$0x930]  }
0xfa: {  	v18 =	vld [tilespmem:s29+$0x970];
	[tilespmem:s29+$0x560] =	vst v17;
	v13 =	vadd.f32 v28, v13  }
0xfb: {  	v16 =	vadd.f32 v29, v16;
	[tilespmem:s29+$0x550] =	vst v12;
	v12 =	vld [tilespmem:s29+$0x940]  }
0xfc: {  	v17 =	vld [tilespmem:s29+$0x950];
	[tilespmem:s29+$0x900] =	vst v13  }
0xfd: {  	[tilespmem:s29+$0x910] =	vst v16;
	v16 =	vld [tilespmem:s29+$0x960];
	v13 =	vadd.f32 v30, v14  }
0xfe: {  	v14 =	vld [tilespmem:s29+$0xD00];
	v15 =	vadd.f32 v31, v15  }
0xff: {  	[tilespmem:s29+$0x920] =	vst v13;
	v13 =	vld [tilespmem:s29+$0xD10]  }
0x100: {  	v12 =	vadd.f32 v32, v12;
	[tilespmem:s29+$0x930] =	vst v15;
	v15 =	vld [tilespmem:s29+$0xD20]  }
0x101: {  	v3 =	vld [tilespmem:s29+$0xD570];
	v17 =	vadd.f32 v33, v17  }
0x102: {  	v16 =	vadd.f32 v34, v16;
	[tilespmem:s29+$0x940] =	vst v12;
	v12 =	vld [tilespmem:s29+$0xD30]  }
0x103: {  	[tilespmem:s29+$0x950] =	vst v17;
	v17 =	vld [tilespmem:s29+$0xD40];
	v14 =	vadd.f32 v36, v14  }
0x104: {  	v18 =	vadd.f32 v35, v18;
	[tilespmem:s29+$0x960] =	vst v16;
	v16 =	vld [tilespmem:s29+$0xD50]  }
0x105: {  	v13 =	vadd.f32 v37, v13;
	[tilespmem:s29+$0xD00] =	vst v14;
	v14 =	vadd.f32 v38, v15;
	v15 =	vld [tilespmem:s29+$0xD60]  }
0x106: {  	[tilespmem:s29+$0x970] =	vst v18;
	v18 =	vld [tilespmem:s29+$0xD70]  }
0x107: {  	[tilespmem:s29+$0xD10] =	vst v13;
	v13 =	vld [tilespmem:s29+$0x1100];
	v12 =	vadd.f32 v39, v12  }
0x108: {  	v17 =	vadd.f32 v40, v17;
	[tilespmem:s29+$0xD20] =	vst v14;
	v14 =	vld [tilespmem:s29+$0x1110]  }
0x109: {  	v16 =	vadd.f32 v41, v16;
	[tilespmem:s29+$0xD30] =	vst v12;
	v12 =	vld [tilespmem:s29+$0x1120]  }
0x10a: {  	[tilespmem:s29+$0xD40] =	vst v17;
	v17 =	vld [tilespmem:s29+$0x1130];
	v15 =	vadd.f32 v42, v15  }
0x10b: {  	v19 =	vld [tilespmem:s29+$0x1140];
	[tilespmem:s29+$0xD50] =	vst v16;
	v16 =	vadd.f32 v43, v18  }
0x10c: {  	v18 =	vld [tilespmem:s29+$0x1150];
	v13 =	vadd.f32 v44, v13;
	[tilespmem:s29+$0xD60] =	vst v15  }
0x10d: {  	v20 =	vld [tilespmem:s29+$0x1160];
	[tilespmem:s29+$0xD70] =	vst v16;
	v14 =	vadd.f32 v45, v14  }
0x10e: {  	v16 =	vld [tilespmem:s29+$0x1170];
	[tilespmem:s29+$0x1100] =	vst v13;
	v12 =	vadd.f32 v46, v12  }
0x10f: {  	v15 =	vld [tilespmem:s29+$0x1500];
	v13 =	vadd.f32 v47, v17;
	[tilespmem:s29+$0x1110] =	vst v14  }
0x110: {  	v14 =	vld [tilespmem:s29+$0x1510];
	[tilespmem:s29+$0x1120] =	vst v12;
	v12 =	vadd.f32 v48, v19  }
0x111: {  	[tilespmem:s29+$0x1130] =	vst v13;
	v13 =	vld [tilespmem:s29+$0x1520];
	v18 =	vadd.f32 v49, v18  }
0x112: {  	s31 =	simm.s32 $0x0;
	s30 =	simm.s32 $0x1;
	v17 =	vadd.f32 v50, v20;
	[tilespmem:s29+$0x1140] =	vst v12;
	v12 =	vld [tilespmem:s29+$0x1530]  }
.LBB2_2:
0x113: {  	s0 =	sshrl.u32 s30, $0x3;
	p0 =	sne.s32 s30, $0x1F;
	[tilespmem:s29+$0x1150] =	vst v18;
	v11 =	vadd.f32 v11, v16;
	v16 =	vld [tilespmem:s29+$0x1540]  }
0x114: {  	s31 =	sadd.s32 $0x80, s31;
	s0 =	smul.u32 $0x1800, s0;
	[tilespmem:s29+$0x1160] =	vst v17;
	v10 =	vadd.f32 v10, v15;
	v15 =	vld [tilespmem:s29+$0x1550]  }
0x115: {  	s1 =	sand.u32 $0x380, s31;
	[tilespmem:s29+$0x1170] =	vst v11;
	v9 =	vadd.f32 v9, v14;
	v11 =	vld [tilespmem:s29+$0x1560]  }
0x116: {  	s0 =	sor.u32 s1, s0;
	[tilespmem:s29+$0x1500] =	vst v10;
	v8 =	vadd.f32 v8, v13;
	v10 =	vld [tilespmem:s29+$0x1570]  }
0x117: {  	v39 =	vld [tilespmem:s0+$0xC100];
	[tilespmem:s29+$0x1510] =	vst v9;
	v7 =	vadd.f32 v7, v12  }
0x118: {  	v40 =	vld [tilespmem:s0+$0xC110];
	[tilespmem:s29+$0x1520] =	vst v8;
	v6 =	vadd.f32 v6, v16  }
0x119: {  	v41 =	vld [tilespmem:s0+$0xC120];
	[tilespmem:s29+$0x1530] =	vst v7;
	v5 =	vadd.f32 v5, v15  }
0x11a: {  	v42 =	vld [tilespmem:s0+$0xC130];
	[tilespmem:s29+$0x1540] =	vst v6;
	v4 =	vadd.f32 v4, v11  }
0x11b: {  	v43 =	vld [tilespmem:s0+$0xC140];
	[tilespmem:s29+$0x1550] =	vst v5;
	v3 =	vadd.f32 v3, v10  }
0x11c: {  	v44 =	vld [tilespmem:s0+$0xC150];
	[tilespmem:s29+$0x1560] =	vst v4  }
0x11d: {  	v45 =	vld [tilespmem:s0+$0xC160];
	[tilespmem:s29+$0x1570] =	vst v3;
	s29 =	smov.u32 s0  }
0x11e: {  	v46 =	vld [tilespmem:s29+$0xC170]  }
0x11f: {  	v47 =	vld [tilespmem:s29+$0xC500]  }
0x120: {  	v48 =	vld [tilespmem:s29+$0xC510]  }
0x121: {  	v49 =	vld [tilespmem:s29+$0xC520]  }
0x122: {  	v50 =	vld [tilespmem:s29+$0xC530]  }
0x123: {  	v38 =	vld [tilespmem:s29+$0xC540]  }
0x124: {  	v37 =	vld [tilespmem:s29+$0xC550]  }
0x125: {  	v36 =	vld [tilespmem:s29+$0xC560]  }
0x126: {  	v35 =	vld [tilespmem:s29+$0xC570]  }
0x127: {  	v34 =	vld [tilespmem:s29+$0xC900]  }
0x128: {  	v33 =	vld [tilespmem:s29+$0xC910]  }
0x129: {  	v32 =	vld [tilespmem:s29+$0xC920]  }
0x12a: {  	v31 =	vld [tilespmem:s29+$0xC930]  }
0x12b: {  	v30 =	vld [tilespmem:s29+$0xC940]  }
0x12c: {  	v29 =	vld [tilespmem:s29+$0xC950]  }
0x12d: {  	v28 =	vld [tilespmem:s29+$0xC960]  }
0x12e: {  	v27 =	vld [tilespmem:s29+$0xC970]  }
0x12f: {  	v26 =	vld [tilespmem:s29+$0xCD00]  }
0x130: {  	v25 =	vld [tilespmem:s29+$0xCD10]  }
0x131: {  	v24 =	vld [tilespmem:s29+$0xCD20]  }
0x132: {  	v23 =	vld [tilespmem:s29+$0xCD30]  }
0x133: {  	v22 =	vld [tilespmem:s29+$0xCD40]  }
0x134: {  	v21 =	vld [tilespmem:s29+$0xCD50]  }
0x135: {  	v20 =	vld [tilespmem:s29+$0xCD60]  }
0x136: {  	v19 =	vld [tilespmem:s29+$0xCD70]  }
0x137: {  	v18 =	vld [tilespmem:s29+$0xD100]  }
0x138: {  	v17 =	vld [tilespmem:s29+$0xD110]  }
0x139: {  	v16 =	vld [tilespmem:s29+$0xD120]  }
0x13a: {  	v15 =	vld [tilespmem:s29+$0xD130]  }
0x13b: {  	v14 =	vld [tilespmem:s29+$0xD140]  }
0x13c: {  	v13 =	vld [tilespmem:s29+$0xD150]  }
0x13d: {  	v12 =	vld [tilespmem:s29+$0xD160]  }
0x13e: {  	v11 =	vld [tilespmem:s29+$0xD170]  }
0x13f: {  	v10 =	vld [tilespmem:s29+$0xD500]  }
0x140: {  	v9 =	vld [tilespmem:s29+$0xD510]  }
0x141: {  	v8 =	vld [tilespmem:s29+$0xD520]  }
0x142: {  	v7 =	vld [tilespmem:s29+$0xD530]  }
0x143: {  	v6 =	vld [tilespmem:s29+$0xD540]  }
0x144: {  	v5 =	vld [tilespmem:s29+$0xD550]  }
0x145: {  	v4 =	vld [tilespmem:s29+$0xD560]  }
0x146: {  	v3 =	vld [tilespmem:s29+$0xD570]  }
0x147: {  	v51 =	vld [tilespmem:s29+$0x100]  }
0x148: {  	v52 =	vld [tilespmem:s29+$0x110]  }
0x149: {  	v53 =	vld [tilespmem:s29+$0x120]  }
0x14a: {  	v54 =	vld [tilespmem:s29+$0x130]  }
0x14b: {  	v55 =	vld [tilespmem:s29+$0x140]  }
0x14c: {  	v39 =	vadd.f32 v39, v51;
	v51 =	vld [tilespmem:s29+$0x150]  }
0x14d: {  	v40 =	vadd.f32 v40, v52;
	v52 =	vld [tilespmem:s29+$0x160]  }
0x14e: {  	[tilespmem:s29+$0x100] =	vst v39;
	v39 =	vadd.f32 v41, v53;
	v41 =	vld [tilespmem:s29+$0x170]  }
0x14f: {  	[tilespmem:s29+$0x110] =	vst v40;
	v40 =	vadd.f32 v42, v54;
	v42 =	vld [tilespmem:s29+$0x500]  }
0x150: {  	[tilespmem:s29+$0x120] =	vst v39;
	v39 =	vadd.f32 v43, v55;
	v43 =	vld [tilespmem:s29+$0x510]  }
0x151: {  	[tilespmem:s29+$0x130] =	vst v40;
	v40 =	vadd.f32 v44, v51;
	v44 =	vld [tilespmem:s29+$0x520]  }
0x152: {  	[tilespmem:s29+$0x140] =	vst v39;
	v39 =	vadd.f32 v45, v52;
	v45 =	vld [tilespmem:s29+$0x530]  }
0x153: {  	[tilespmem:s29+$0x150] =	vst v40;
	v40 =	vadd.f32 v46, v41;
	v41 =	vld [tilespmem:s29+$0x540]  }
0x154: {  	[tilespmem:s29+$0x160] =	vst v39;
	v39 =	vadd.f32 v47, v42;
	v42 =	vld [tilespmem:s29+$0x550]  }
0x155: {  	[tilespmem:s29+$0x170] =	vst v40;
	v40 =	vadd.f32 v48, v43;
	v43 =	vld [tilespmem:s29+$0x560]  }
0x156: {  	[tilespmem:s29+$0x500] =	vst v39;
	v39 =	vadd.f32 v49, v44;
	v44 =	vld [tilespmem:s29+$0x570]  }
0x157: {  	[tilespmem:s29+$0x510] =	vst v40;
	v40 =	vadd.f32 v50, v45;
	v45 =	vld [tilespmem:s29+$0x900]  }
0x158: {  	[tilespmem:s29+$0x520] =	vst v39;
	v38 =	vadd.f32 v38, v41;
	v39 =	vld [tilespmem:s29+$0x910]  }
0x159: {  	[tilespmem:s29+$0x530] =	vst v40;
	v37 =	vadd.f32 v37, v42;
	v40 =	vld [tilespmem:s29+$0x920]  }
0x15a: {  	[tilespmem:s29+$0x540] =	vst v38;
	v36 =	vadd.f32 v36, v43;
	v38 =	vld [tilespmem:s29+$0x930]  }
0x15b: {  	[tilespmem:s29+$0x550] =	vst v37;
	v35 =	vadd.f32 v35, v44;
	v37 =	vld [tilespmem:s29+$0x940]  }
0x15c: {  	[tilespmem:s29+$0x560] =	vst v36;
	v34 =	vadd.f32 v34, v45;
	v36 =	vld [tilespmem:s29+$0x950]  }
0x15d: {  	[tilespmem:s29+$0x570] =	vst v35;
	v33 =	vadd.f32 v33, v39;
	v35 =	vld [tilespmem:s29+$0x960]  }
0x15e: {  	[tilespmem:s29+$0x900] =	vst v34;
	v32 =	vadd.f32 v32, v40;
	v34 =	vld [tilespmem:s29+$0x970]  }
0x15f: {  	[tilespmem:s29+$0x910] =	vst v33;
	v31 =	vadd.f32 v31, v38;
	v33 =	vld [tilespmem:s29+$0xD00]  }
0x160: {  	[tilespmem:s29+$0x920] =	vst v32;
	v30 =	vadd.f32 v30, v37;
	v32 =	vld [tilespmem:s29+$0xD10]  }
0x161: {  	[tilespmem:s29+$0x930] =	vst v31;
	v29 =	vadd.f32 v29, v36;
	v31 =	vld [tilespmem:s29+$0xD20]  }
0x162: {  	[tilespmem:s29+$0x940] =	vst v30;
	v28 =	vadd.f32 v28, v35;
	v30 =	vld [tilespmem:s29+$0xD30]  }
0x163: {  	[tilespmem:s29+$0x950] =	vst v29;
	v27 =	vadd.f32 v27, v34;
	v29 =	vld [tilespmem:s29+$0xD40]  }
0x164: {  	[tilespmem:s29+$0x960] =	vst v28;
	v26 =	vadd.f32 v26, v33;
	v28 =	vld [tilespmem:s29+$0xD50]  }
0x165: {  	[tilespmem:s29+$0x970] =	vst v27;
	v25 =	vadd.f32 v25, v32;
	v27 =	vld [tilespmem:s29+$0xD60]  }
0x166: {  	[tilespmem:s29+$0xD00] =	vst v26;
	v24 =	vadd.f32 v24, v31;
	v26 =	vld [tilespmem:s29+$0xD70]  }
0x167: {  	[tilespmem:s29+$0xD10] =	vst v25;
	v23 =	vadd.f32 v23, v30;
	v25 =	vld [tilespmem:s29+$0x1100]  }
0x168: {  	[tilespmem:s29+$0xD20] =	vst v24;
	v22 =	vadd.f32 v22, v29;
	v24 =	vld [tilespmem:s29+$0x1110]  }
0x169: {  	[tilespmem:s29+$0xD30] =	vst v23;
	v21 =	vadd.f32 v21, v28;
	v23 =	vld [tilespmem:s29+$0x1120]  }
0x16a: {  	[tilespmem:s29+$0xD40] =	vst v22;
	v20 =	vadd.f32 v20, v27;
	v22 =	vld [tilespmem:s29+$0x1130]  }
0x16b: {  	[tilespmem:s29+$0xD50] =	vst v21;
	v19 =	vadd.f32 v19, v26;
	v21 =	vld [tilespmem:s29+$0x1140]  }
0x16c: {  	[tilespmem:s29+$0xD60] =	vst v20;
	v18 =	vadd.f32 v18, v25;
	v20 =	vld [tilespmem:s29+$0x1150]  }
0x16d: {  	[tilespmem:s29+$0xD70] =	vst v19;
	v17 =	vadd.f32 v17, v24;
	v19 =	vld [tilespmem:s29+$0x1160]  }
.Ltmp0:
0x16e: {  	[tilespmem:s29+$0x1100] =	vst v18;
	v18 =	vadd.f32 v16, v23;
	v16 =	vld [tilespmem:s29+$0x1170];
	(pc) =	sbr.rel @p0 .LBB2_2-.Ltmp0, $4  }
0x16f: {  	[tilespmem:s29+$0x1110] =	vst v17;
	v17 =	vadd.f32 v15, v22;
	v15 =	vld [tilespmem:s29+$0x1500]  }
0x170: {  	[tilespmem:s29+$0x1120] =	vst v18;
	v21 =	vadd.f32 v14, v21;
	v14 =	vld [tilespmem:s29+$0x1510]  }
0x171: {  	[tilespmem:s29+$0x1130] =	vst v17;
	v18 =	vadd.f32 v13, v20;
	v13 =	vld [tilespmem:s29+$0x1520]  }
0x172: {  	s30 =	sadd.s32 $0x1, s30;
	[tilespmem:s29+$0x1140] =	vst v21;
	v17 =	vadd.f32 v12, v19;
	v12 =	vld [tilespmem:s29+$0x1530]  }
0x173: {  	[tilespmem:s29+$0x1150] =	vst v18;
	v18 =	vld [tilespmem:s29+$0x1540];
	v11 =	vadd.f32 v11, v16  }
0x174: {  	v16 =	vld [tilespmem:s29+$0x1550];
	[tilespmem:s29+$0x1160] =	vst v17;
	v10 =	vadd.f32 v10, v15  }
0x175: {  	[tilespmem:s29+$0x1170] =	vst v11;
	v9 =	vadd.f32 v9, v14;
	v11 =	vld [tilespmem:s29+$0x1560]  }
0x176: {  	[tilespmem:s29+$0x1500] =	vst v10;
	v8 =	vadd.f32 v8, v13;
	v10 =	vld [tilespmem:s29+$0x1570]  }
0x177: {  	[tilespmem:s29+$0x1510] =	vst v9;
	v7 =	vadd.f32 v7, v12  }
0x178: {  	[tilespmem:s29+$0x1520] =	vst v8;
	v6 =	vadd.f32 v6, v18  }
0x179: {  	v5 =	vadd.f32 v5, v16;
	[tilespmem:s29+$0x1530] =	vst v7  }
0x17a: {  	[tilespmem:s29+$0x1540] =	vst v6;
	v4 =	vadd.f32 v4, v11  }
0x17b: {  	[tilespmem:s29+$0x1550] =	vst v5;
	v3 =	vadd.f32 v3, v10  }
0x17c: {  	[tilespmem:s29+$0x1560] =	vst v4  }
0x17d: {  	s30 =	simm.s32 $0x0;
	[tilespmem:s29+$0x1570] =	vst v3  }
0x17e: {  	[hbm4b:s8+s30] =	stream.linear.scatter [tilespmem:s13], [sflag:$0x5], $0x6000, $0x38;
	[tilespmem:$0x18100] =	vst v63  }
0x17f: {  	_ =	swait.ge [sflag:s24], $0x6000  }
0x180: {  	[sflag:s24] =	ssyncset.done $0x0  }
0x181: {  	s0 =	simm.s32 $0x0;
	[sflag:s24] =	ssyncadd.s32 $0xFFFFA000  }
0x182: {  	s0 =	smul.u32 $0x1800, s0;
	_ =	swait.ge [sflag:s25], $0x6000  }
0x183: {  	s1 =	sand.u32 $0x380, s30;
	[sflag:s25] =	ssyncset.done $0x0  }
0x184: {  	s29 =	sor.u32 s1, s0;
	[sflag:s25] =	ssyncadd.s32 $0xFFFFA000  }
0x185: {  	v12 =	vld [tilespmem:s29+$0x12100]  }
0x186: {  	v13 =	vld [tilespmem:s29+$0x12110]  }
0x187: {  	v14 =	vld [tilespmem:s29+$0x12120]  }
0x188: {  	v15 =	vld [tilespmem:s29+$0x12130]  }
0x189: {  	v16 =	vld [tilespmem:s29+$0x12140]  }
0x18a: {  	v17 =	vld [tilespmem:s29+$0x12150]  }
0x18b: {  	v18 =	vld [tilespmem:s29+$0x12160]  }
0x18c: {  	v19 =	vld [tilespmem:s29+$0x12170]  }
0x18d: {  	v20 =	vld [tilespmem:s29+$0x12500]  }
0x18e: {  	v21 =	vld [tilespmem:s29+$0x12510]  }
0x18f: {  	v22 =	vld [tilespmem:s29+$0x12520]  }
0x190: {  	v23 =	vld [tilespmem:s29+$0x12530]  }
0x191: {  	v24 =	vld [tilespmem:s29+$0x12540]  }
0x192: {  	v25 =	vld [tilespmem:s29+$0x12550]  }
0x193: {  	v26 =	vld [tilespmem:s29+$0x12560]  }
0x194: {  	v27 =	vld [tilespmem:s29+$0x12570]  }
0x195: {  	v28 =	vld [tilespmem:s29+$0x12900]  }
0x196: {  	v29 =	vld [tilespmem:s29+$0x12910]  }
0x197: {  	v30 =	vld [tilespmem:s29+$0x12920]  }
0x198: {  	v31 =	vld [tilespmem:s29+$0x12930]  }
0x199: {  	v32 =	vld [tilespmem:s29+$0x12940]  }
0x19a: {  	v33 =	vld [tilespmem:s29+$0x12950]  }
0x19b: {  	v34 =	vld [tilespmem:s29+$0x12960]  }
0x19c: {  	v35 =	vld [tilespmem:s29+$0x12970]  }
0x19d: {  	v36 =	vld [tilespmem:s29+$0x12D00]  }
0x19e: {  	v37 =	vld [tilespmem:s29+$0x12D10]  }
0x19f: {  	v38 =	vld [tilespmem:s29+$0x12D20]  }
0x1a0: {  	v39 =	vld [tilespmem:s29+$0x12D30]  }
0x1a1: {  	v40 =	vld [tilespmem:s29+$0x12D40]  }
0x1a2: {  	v41 =	vld [tilespmem:s29+$0x12D50]  }
0x1a3: {  	v42 =	vld [tilespmem:s29+$0x12D60]  }
0x1a4: {  	v43 =	vld [tilespmem:s29+$0x12D70]  }
0x1a5: {  	v44 =	vld [tilespmem:s29+$0x13100]  }
0x1a6: {  	v45 =	vld [tilespmem:s29+$0x13110]  }
0x1a7: {  	v46 =	vld [tilespmem:s29+$0x13120]  }
0x1a8: {  	v47 =	vld [tilespmem:s29+$0x13130]  }
0x1a9: {  	v48 =	vld [tilespmem:s29+$0x13140]  }
0x1aa: {  	v49 =	vld [tilespmem:s29+$0x13150]  }
0x1ab: {  	v50 =	vld [tilespmem:s29+$0x13160]  }
0x1ac: {  	v11 =	vld [tilespmem:s29+$0x13170]  }
0x1ad: {  	v10 =	vld [tilespmem:s29+$0x13500]  }
0x1ae: {  	v9 =	vld [tilespmem:s29+$0x13510]  }
0x1af: {  	v8 =	vld [tilespmem:s29+$0x13520]  }
0x1b0: {  	v7 =	vld [tilespmem:s29+$0x13530]  }
0x1b1: {  	v6 =	vld [tilespmem:s29+$0x13540]  }
0x1b2: {  	v51 =	vld [tilespmem:s29+$0x6100]  }
0x1b3: {  	v52 =	vld [tilespmem:s29+$0x6110]  }
0x1b4: {  	v53 =	vld [tilespmem:s29+$0x6120]  }
0x1b5: {  	v54 =	vld [tilespmem:s29+$0x6130]  }
0x1b6: {  	v55 =	vld [tilespmem:s29+$0x6140]  }
0x1b7: {  	v62 =	vld [tilespmem:s29+$0x6150];
	v12 =	vadd.f32 v12, v51  }
0x1b8: {  	v63 =	vld [tilespmem:s29+$0x6160];
	v13 =	vadd.f32 v13, v52  }
0x1b9: {  	[tilespmem:s29+$0x6100] =	vst v12;
	v12 =	vadd.f32 v14, v53;
	v14 =	vld [tilespmem:s29+$0x6170]  }
0x1ba: {  	[tilespmem:s29+$0x6110] =	vst v13;
	v13 =	vadd.f32 v15, v54;
	v15 =	vld [tilespmem:s29+$0x6500]  }
0x1bb: {  	[tilespmem:s29+$0x6120] =	vst v12;
	v12 =	vadd.f32 v16, v55;
	v16 =	vld [tilespmem:s29+$0x6510]  }
0x1bc: {  	[tilespmem:s29+$0x6130] =	vst v13;
	v13 =	vadd.f32 v17, v62;
	v17 =	vld [tilespmem:s29+$0x6520]  }
0x1bd: {  	v5 =	vld [tilespmem:s29+$0x13550]  }
0x1be: {  	[tilespmem:s29+$0x6140] =	vst v12;
	v12 =	vadd.f32 v18, v63;
	v18 =	vld [tilespmem:s29+$0x6570]  }
0x1bf: {  	[tilespmem:s29+$0x6150] =	vst v13;
	v13 =	vadd.f32 v19, v14;
	v14 =	vld [tilespmem:s29+$0x6530]  }
0x1c0: {  	[tilespmem:s29+$0x6160] =	vst v12;
	v12 =	vadd.f32 v20, v15;
	v15 =	vld [tilespmem:s29+$0x6540]  }
0x1c1: {  	[tilespmem:s29+$0x6170] =	vst v13;
	v13 =	vadd.f32 v21, v16;
	v16 =	vadd.f32 v22, v17;
	v17 =	vld [tilespmem:s29+$0x6560]  }
0x1c2: {  	[tilespmem:s29+$0x6500] =	vst v12;
	v12 =	vld [tilespmem:s29+$0x6550]  }
0x1c3: {  	[tilespmem:s29+$0x6510] =	vst v13;
	v13 =	vld [tilespmem:s29+$0x6900];
	v18 =	vadd.f32 v27, v18  }
0x1c4: {  	[tilespmem:s29+$0x6520] =	vst v16;
	v16 =	vld [tilespmem:s29+$0x6910];
	v14 =	vadd.f32 v23, v14  }
0x1c5: {  	v4 =	vld [tilespmem:s29+$0x13560];
	v15 =	vadd.f32 v24, v15;
	[tilespmem:s29+$0x6570] =	vst v18  }
0x1c6: {  	[tilespmem:s29+$0x6530] =	vst v14;
	v14 =	vld [tilespmem:s29+$0x6920];
	v17 =	vadd.f32 v26, v17  }
0x1c7: {  	v12 =	vadd.f32 v25, v12;
	[tilespmem:s29+$0x6540] =	vst v15;
	v15 =	vld [tilespmem:s29+$0x6930]  }
0x1c8: {  	v18 =	vld [tilespmem:s29+$0x6970];
	[tilespmem:s29+$0x6560] =	vst v17;
	v13 =	vadd.f32 v28, v13  }
0x1c9: {  	v16 =	vadd.f32 v29, v16;
	[tilespmem:s29+$0x6550] =	vst v12;
	v12 =	vld [tilespmem:s29+$0x6940]  }
0x1ca: {  	v17 =	vld [tilespmem:s29+$0x6950];
	[tilespmem:s29+$0x6900] =	vst v13  }
0x1cb: {  	[tilespmem:s29+$0x6910] =	vst v16;
	v16 =	vld [tilespmem:s29+$0x6960];
	v13 =	vadd.f32 v30, v14  }
0x1cc: {  	v14 =	vld [tilespmem:s29+$0x6D00];
	v15 =	vadd.f32 v31, v15  }
0x1cd: {  	[tilespmem:s29+$0x6920] =	vst v13;
	v13 =	vld [tilespmem:s29+$0x6D10]  }
0x1ce: {  	v12 =	vadd.f32 v32, v12;
	[tilespmem:s29+$0x6930] =	vst v15;
	v15 =	vld [tilespmem:s29+$0x6D20]  }
0x1cf: {  	v3 =	vld [tilespmem:s29+$0x13570];
	v17 =	vadd.f32 v33, v17  }
0x1d0: {  	v16 =	vadd.f32 v34, v16;
	[tilespmem:s29+$0x6940] =	vst v12;
	v12 =	vld [tilespmem:s29+$0x6D30]  }
0x1d1: {  	[tilespmem:s29+$0x6950] =	vst v17;
	v17 =	vld [tilespmem:s29+$0x6D40];
	v14 =	vadd.f32 v36, v14  }
0x1d2: {  	v18 =	vadd.f32 v35, v18;
	[tilespmem:s29+$0x6960] =	vst v16;
	v16 =	vld [tilespmem:s29+$0x6D50]  }
0x1d3: {  	v13 =	vadd.f32 v37, v13;
	[tilespmem:s29+$0x6D00] =	vst v14;
	v14 =	vadd.f32 v38, v15;
	v15 =	vld [tilespmem:s29+$0x6D60]  }
0x1d4: {  	[tilespmem:s29+$0x6970] =	vst v18;
	v18 =	vld [tilespmem:s29+$0x6D70]  }
0x1d5: {  	[tilespmem:s29+$0x6D10] =	vst v13;
	v13 =	vld [tilespmem:s29+$0x7100];
	v12 =	vadd.f32 v39, v12  }
0x1d6: {  	v17 =	vadd.f32 v40, v17;
	[tilespmem:s29+$0x6D20] =	vst v14;
	v14 =	vld [tilespmem:s29+$0x7110]  }
0x1d7: {  	v16 =	vadd.f32 v41, v16;
	[tilespmem:s29+$0x6D30] =	vst v12;
	v12 =	vld [tilespmem:s29+$0x7120]  }
0x1d8: {  	[tilespmem:s29+$0x6D40] =	vst v17;
	v17 =	vld [tilespmem:s29+$0x7130];
	v15 =	vadd.f32 v42, v15  }
0x1d9: {  	v19 =	vld [tilespmem:s29+$0x7140];
	[tilespmem:s29+$0x6D50] =	vst v16;
	v16 =	vadd.f32 v43, v18  }
0x1da: {  	v18 =	vld [tilespmem:s29+$0x7150];
	v13 =	vadd.f32 v44, v13;
	[tilespmem:s29+$0x6D60] =	vst v15  }
0x1db: {  	v20 =	vld [tilespmem:s29+$0x7160];
	[tilespmem:s29+$0x6D70] =	vst v16;
	v14 =	vadd.f32 v45, v14  }
0x1dc: {  	v16 =	vld [tilespmem:s29+$0x7170];
	[tilespmem:s29+$0x7100] =	vst v13;
	v12 =	vadd.f32 v46, v12  }
0x1dd: {  	v15 =	vld [tilespmem:s29+$0x7500];
	v13 =	vadd.f32 v47, v17;
	[tilespmem:s29+$0x7110] =	vst v14  }
0x1de: {  	v14 =	vld [tilespmem:s29+$0x7510];
	[tilespmem:s29+$0x7120] =	vst v12;
	v12 =	vadd.f32 v48, v19  }
0x1df: {  	[tilespmem:s29+$0x7130] =	vst v13;
	v13 =	vld [tilespmem:s29+$0x7520];
	v18 =	vadd.f32 v49, v18  }
0x1e0: {  	s31 =	simm.s32 $0x1;
	v17 =	vadd.f32 v50, v20;
	[tilespmem:s29+$0x7140] =	vst v12;
	v12 =	vld [tilespmem:s29+$0x7530]  }
.LBB2_4:
0x1e1: {  	s0 =	sshrl.u32 s31, $0x3;
	p0 =	sne.s32 s31, $0x1F;
	[tilespmem:s29+$0x7150] =	vst v18;
	v11 =	vadd.f32 v11, v16;
	v16 =	vld [tilespmem:s29+$0x7540]  }
0x1e2: {  	s30 =	sadd.s32 $0x80, s30;
	s0 =	smul.u32 $0x1800, s0;
	[tilespmem:s29+$0x7160] =	vst v17;
	v10 =	vadd.f32 v10, v15;
	v15 =	vld [tilespmem:s29+$0x7550]  }
0x1e3: {  	s1 =	sand.u32 $0x380, s30;
	[tilespmem:s29+$0x7170] =	vst v11;
	v9 =	vadd.f32 v9, v14;
	v11 =	vld [tilespmem:s29+$0x7560]  }
0x1e4: {  	s0 =	sor.u32 s1, s0;
	[tilespmem:s29+$0x7500] =	vst v10;
	v8 =	vadd.f32 v8, v13;
	v10 =	vld [tilespmem:s29+$0x7570]  }
0x1e5: {  	v39 =	vld [tilespmem:s0+$0x12100];
	[tilespmem:s29+$0x7510] =	vst v9;
	v7 =	vadd.f32 v7, v12  }
0x1e6: {  	v40 =	vld [tilespmem:s0+$0x12110];
	[tilespmem:s29+$0x7520] =	vst v8;
	v6 =	vadd.f32 v6, v16  }
0x1e7: {  	v41 =	vld [tilespmem:s0+$0x12120];
	[tilespmem:s29+$0x7530] =	vst v7;
	v5 =	vadd.f32 v5, v15  }
0x1e8: {  	v42 =	vld [tilespmem:s0+$0x12130];
	[tilespmem:s29+$0x7540] =	vst v6;
	v4 =	vadd.f32 v4, v11  }
0x1e9: {  	v43 =	vld [tilespmem:s0+$0x12140];
	[tilespmem:s29+$0x7550] =	vst v5;
	v3 =	vadd.f32 v3, v10  }
0x1ea: {  	v44 =	vld [tilespmem:s0+$0x12150];
	[tilespmem:s29+$0x7560] =	vst v4  }
0x1eb: {  	v45 =	vld [tilespmem:s0+$0x12160];
	[tilespmem:s29+$0x7570] =	vst v3;
	s29 =	smov.u32 s0  }
0x1ec: {  	v46 =	vld [tilespmem:s29+$0x12170]  }
0x1ed: {  	v47 =	vld [tilespmem:s29+$0x12500]  }
0x1ee: {  	v48 =	vld [tilespmem:s29+$0x12510]  }
0x1ef: {  	v49 =	vld [tilespmem:s29+$0x12520]  }
0x1f0: {  	v50 =	vld [tilespmem:s29+$0x12530]  }
0x1f1: {  	v38 =	vld [tilespmem:s29+$0x12540]  }
0x1f2: {  	v37 =	vld [tilespmem:s29+$0x12550]  }
0x1f3: {  	v36 =	vld [tilespmem:s29+$0x12560]  }
0x1f4: {  	v35 =	vld [tilespmem:s29+$0x12570]  }
0x1f5: {  	v34 =	vld [tilespmem:s29+$0x12900]  }
0x1f6: {  	v33 =	vld [tilespmem:s29+$0x12910]  }
0x1f7: {  	v32 =	vld [tilespmem:s29+$0x12920]  }
0x1f8: {  	v31 =	vld [tilespmem:s29+$0x12930]  }
0x1f9: {  	v30 =	vld [tilespmem:s29+$0x12940]  }
0x1fa: {  	v29 =	vld [tilespmem:s29+$0x12950]  }
0x1fb: {  	v28 =	vld [tilespmem:s29+$0x12960]  }
0x1fc: {  	v27 =	vld [tilespmem:s29+$0x12970]  }
0x1fd: {  	v26 =	vld [tilespmem:s29+$0x12D00]  }
0x1fe: {  	v25 =	vld [tilespmem:s29+$0x12D10]  }
0x1ff: {  	v24 =	vld [tilespmem:s29+$0x12D20]  }
0x200: {  	v23 =	vld [tilespmem:s29+$0x12D30]  }
0x201: {  	v22 =	vld [tilespmem:s29+$0x12D40]  }
0x202: {  	v21 =	vld [tilespmem:s29+$0x12D50]  }
0x203: {  	v20 =	vld [tilespmem:s29+$0x12D60]  }
0x204: {  	v19 =	vld [tilespmem:s29+$0x12D70]  }
0x205: {  	v18 =	vld [tilespmem:s29+$0x13100]  }
0x206: {  	v17 =	vld [tilespmem:s29+$0x13110]  }
0x207: {  	v16 =	vld [tilespmem:s29+$0x13120]  }
0x208: {  	v15 =	vld [tilespmem:s29+$0x13130]  }
0x209: {  	v14 =	vld [tilespmem:s29+$0x13140]  }
0x20a: {  	v13 =	vld [tilespmem:s29+$0x13150]  }
0x20b: {  	v12 =	vld [tilespmem:s29+$0x13160]  }
0x20c: {  	v11 =	vld [tilespmem:s29+$0x13170]  }
0x20d: {  	v10 =	vld [tilespmem:s29+$0x13500]  }
0x20e: {  	v9 =	vld [tilespmem:s29+$0x13510]  }
0x20f: {  	v8 =	vld [tilespmem:s29+$0x13520]  }
0x210: {  	v7 =	vld [tilespmem:s29+$0x13530]  }
0x211: {  	v6 =	vld [tilespmem:s29+$0x13540]  }
0x212: {  	v5 =	vld [tilespmem:s29+$0x13550]  }
0x213: {  	v4 =	vld [tilespmem:s29+$0x13560]  }
0x214: {  	v3 =	vld [tilespmem:s29+$0x13570]  }
0x215: {  	v51 =	vld [tilespmem:s29+$0x6100]  }
0x216: {  	v52 =	vld [tilespmem:s29+$0x6110]  }
0x217: {  	v53 =	vld [tilespmem:s29+$0x6120]  }
0x218: {  	v54 =	vld [tilespmem:s29+$0x6130]  }
0x219: {  	v55 =	vld [tilespmem:s29+$0x6140]  }
0x21a: {  	v39 =	vadd.f32 v39, v51;
	v51 =	vld [tilespmem:s29+$0x6150]  }
0x21b: {  	v40 =	vadd.f32 v40, v52;
	v52 =	vld [tilespmem:s29+$0x6160]  }
0x21c: {  	[tilespmem:s29+$0x6100] =	vst v39;
	v39 =	vadd.f32 v41, v53;
	v41 =	vld [tilespmem:s29+$0x6170]  }
0x21d: {  	[tilespmem:s29+$0x6110] =	vst v40;
	v40 =	vadd.f32 v42, v54;
	v42 =	vld [tilespmem:s29+$0x6500]  }
0x21e: {  	[tilespmem:s29+$0x6120] =	vst v39;
	v39 =	vadd.f32 v43, v55;
	v43 =	vld [tilespmem:s29+$0x6510]  }
0x21f: {  	[tilespmem:s29+$0x6130] =	vst v40;
	v40 =	vadd.f32 v44, v51;
	v44 =	vld [tilespmem:s29+$0x6520]  }
0x220: {  	[tilespmem:s29+$0x6140] =	vst v39;
	v39 =	vadd.f32 v45, v52;
	v45 =	vld [tilespmem:s29+$0x6530]  }
0x221: {  	[tilespmem:s29+$0x6150] =	vst v40;
	v40 =	vadd.f32 v46, v41;
	v41 =	vld [tilespmem:s29+$0x6540]  }
0x222: {  	[tilespmem:s29+$0x6160] =	vst v39;
	v39 =	vadd.f32 v47, v42;
	v42 =	vld [tilespmem:s29+$0x6550]  }
0x223: {  	[tilespmem:s29+$0x6170] =	vst v40;
	v40 =	vadd.f32 v48, v43;
	v43 =	vld [tilespmem:s29+$0x6560]  }
0x224: {  	[tilespmem:s29+$0x6500] =	vst v39;
	v39 =	vadd.f32 v49, v44;
	v44 =	vld [tilespmem:s29+$0x6570]  }
0x225: {  	[tilespmem:s29+$0x6510] =	vst v40;
	v40 =	vadd.f32 v50, v45;
	v45 =	vld [tilespmem:s29+$0x6900]  }
0x226: {  	[tilespmem:s29+$0x6520] =	vst v39;
	v38 =	vadd.f32 v38, v41;
	v39 =	vld [tilespmem:s29+$0x6910]  }
0x227: {  	[tilespmem:s29+$0x6530] =	vst v40;
	v37 =	vadd.f32 v37, v42;
	v40 =	vld [tilespmem:s29+$0x6920]  }
0x228: {  	[tilespmem:s29+$0x6540] =	vst v38;
	v36 =	vadd.f32 v36, v43;
	v38 =	vld [tilespmem:s29+$0x6930]  }
0x229: {  	[tilespmem:s29+$0x6550] =	vst v37;
	v35 =	vadd.f32 v35, v44;
	v37 =	vld [tilespmem:s29+$0x6940]  }
0x22a: {  	[tilespmem:s29+$0x6560] =	vst v36;
	v34 =	vadd.f32 v34, v45;
	v36 =	vld [tilespmem:s29+$0x6950]  }
0x22b: {  	[tilespmem:s29+$0x6570] =	vst v35;
	v33 =	vadd.f32 v33, v39;
	v35 =	vld [tilespmem:s29+$0x6960]  }
0x22c: {  	[tilespmem:s29+$0x6900] =	vst v34;
	v32 =	vadd.f32 v32, v40;
	v34 =	vld [tilespmem:s29+$0x6970]  }
0x22d: {  	[tilespmem:s29+$0x6910] =	vst v33;
	v31 =	vadd.f32 v31, v38;
	v33 =	vld [tilespmem:s29+$0x6D00]  }
0x22e: {  	[tilespmem:s29+$0x6920] =	vst v32;
	v30 =	vadd.f32 v30, v37;
	v32 =	vld [tilespmem:s29+$0x6D10]  }
0x22f: {  	[tilespmem:s29+$0x6930] =	vst v31;
	v29 =	vadd.f32 v29, v36;
	v31 =	vld [tilespmem:s29+$0x6D20]  }
0x230: {  	[tilespmem:s29+$0x6940] =	vst v30;
	v28 =	vadd.f32 v28, v35;
	v30 =	vld [tilespmem:s29+$0x6D30]  }
0x231: {  	[tilespmem:s29+$0x6950] =	vst v29;
	v27 =	vadd.f32 v27, v34;
	v29 =	vld [tilespmem:s29+$0x6D40]  }
0x232: {  	[tilespmem:s29+$0x6960] =	vst v28;
	v26 =	vadd.f32 v26, v33;
	v28 =	vld [tilespmem:s29+$0x6D50]  }
0x233: {  	[tilespmem:s29+$0x6970] =	vst v27;
	v25 =	vadd.f32 v25, v32;
	v27 =	vld [tilespmem:s29+$0x6D60]  }
0x234: {  	[tilespmem:s29+$0x6D00] =	vst v26;
	v24 =	vadd.f32 v24, v31;
	v26 =	vld [tilespmem:s29+$0x6D70]  }
0x235: {  	[tilespmem:s29+$0x6D10] =	vst v25;
	v23 =	vadd.f32 v23, v30;
	v25 =	vld [tilespmem:s29+$0x7100]  }
0x236: {  	[tilespmem:s29+$0x6D20] =	vst v24;
	v22 =	vadd.f32 v22, v29;
	v24 =	vld [tilespmem:s29+$0x7110]  }
0x237: {  	[tilespmem:s29+$0x6D30] =	vst v23;
	v21 =	vadd.f32 v21, v28;
	v23 =	vld [tilespmem:s29+$0x7120]  }
0x238: {  	[tilespmem:s29+$0x6D40] =	vst v22;
	v20 =	vadd.f32 v20, v27;
	v22 =	vld [tilespmem:s29+$0x7130]  }
0x239: {  	[tilespmem:s29+$0x6D50] =	vst v21;
	v19 =	vadd.f32 v19, v26;
	v21 =	vld [tilespmem:s29+$0x7140]  }
0x23a: {  	[tilespmem:s29+$0x6D60] =	vst v20;
	v18 =	vadd.f32 v18, v25;
	v20 =	vld [tilespmem:s29+$0x7150]  }
0x23b: {  	[tilespmem:s29+$0x6D70] =	vst v19;
	v17 =	vadd.f32 v17, v24;
	v19 =	vld [tilespmem:s29+$0x7160]  }
.Ltmp1:
0x23c: {  	[tilespmem:s29+$0x7100] =	vst v18;
	v18 =	vadd.f32 v16, v23;
	v16 =	vld [tilespmem:s29+$0x7170];
	(pc) =	sbr.rel @p0 .LBB2_4-.Ltmp1, $4  }
0x23d: {  	[tilespmem:s29+$0x7110] =	vst v17;
	v17 =	vadd.f32 v15, v22;
	v15 =	vld [tilespmem:s29+$0x7500]  }
0x23e: {  	[tilespmem:s29+$0x7120] =	vst v18;
	v21 =	vadd.f32 v14, v21;
	v14 =	vld [tilespmem:s29+$0x7510]  }
0x23f: {  	[tilespmem:s29+$0x7130] =	vst v17;
	v18 =	vadd.f32 v13, v20;
	v13 =	vld [tilespmem:s29+$0x7520]  }
0x240: {  	s31 =	sadd.s32 $0x1, s31;
	[tilespmem:s29+$0x7140] =	vst v21;
	v17 =	vadd.f32 v12, v19;
	v12 =	vld [tilespmem:s29+$0x7530]  }
0x241: {  	[tilespmem:s29+$0x7150] =	vst v18;
	v60 =	vld [tilespmem:s29+$0x7540];
	v11 =	vadd.f32 v11, v16  }
0x242: {  	v61 =	vld [tilespmem:s29+$0x7550];
	[tilespmem:s29+$0x7160] =	vst v17;
	v10 =	vadd.f32 v10, v15  }
0x243: {  	v62 =	vld [tilespmem:s29+$0x7560];
	[tilespmem:s29+$0x7170] =	vst v11;
	v9 =	vadd.f32 v9, v14  }
0x244: {  	v63 =	vld [tilespmem:s29+$0x7570];
	[tilespmem:s29+$0x7500] =	vst v10;
	v8 =	vadd.f32 v8, v13  }
0x245: {  	[tilespmem:s29+$0x7510] =	vst v9;
	v7 =	vadd.f32 v7, v12  }
0x246: {  	[tilespmem:s29+$0x7520] =	vst v8;
	v6 =	vadd.f32 v6, v60  }
0x247: {  	v5 =	vadd.f32 v5, v61;
	[tilespmem:s29+$0x7530] =	vst v7  }
0x248: {  	v4 =	vadd.f32 v4, v62;
	[tilespmem:s29+$0x7540] =	vst v6  }
0x249: {  	v3 =	vadd.f32 v3, v63;
	[tilespmem:s29+$0x7550] =	vst v5  }
0x24a: {  	[tilespmem:s29+$0x7560] =	vst v4  }
0x24b: {  	s28 =	sadd.s32 $0x1, s28;
	[tilespmem:s29+$0x7570] =	vst v3  }
0x24c: {  	[hbm4b:s9+s2] =	stream.linear.scatter [tilespmem:s17], [sflag:$0x5], $0x6000, $0x38;
	[tilespmem:$0x18100] =	vst v63  }
0x24d: {  	p0 =	sne.s32 s28, s10;
	_ =	swait.ge [sflag:s26], $0x6000  }
.Ltmp2:
0x24e: {  	[sflag:s26] =	ssyncset.done $0x0;
	(pc) =	sbr.rel @p0 .LBB2_1-.Ltmp2, $4  }
0x24f: {  	[sflag:s26] =	ssyncadd.s32 $0xFFFFA000  }
0x250: {  	_ =	swait.ge [sflag:s26], $0x6000  }
0x251: {  	[sflag:s26] =	ssyncset.done $0x0  }
0x252: {  	[sflag:s26] =	ssyncadd.s32 $0xFFFFA000  }
0x253: {  	_ =	sfence.sel $0x180000  }
0x254: {  	[bflag:$0x0] =	sbarrier.arrive $0xFFFF  }
0x255: {  	_ =	strace $0x9000004A  }
0x256: {  	s0 =	stileid.u32;
	[bflag:$0x2] =	sbarrier.arrive $0xFFFF  }
0x257: {  	p0 =	sne.s32 s0, $0x0;
	s0 =	rddreg [dreg:$0x2]  }
0x258: {  	s0 =	sadd.s32 @!p0 $0x100000, s0  }
0x259: {  	[sflag:s0] =	ssyncadd.tile.s32 @!p0 $0x1;
	_ =	shalt  }
.Lfunc_end2:
_tile_overlayer_lowered:
.L_overlay_start_2:
0x25a: {  	(tag) =	ssettag $0x2  }
0x25b: {  	s0 =	rddreg [dreg:$0x0];
	s2 =	stileid.u32  }
0x25c: {  	s1 =	rddreg [dreg:$0x1];
	p0 =	sne.s32 s2, $0x0  }
0x25d: {  	s3 =	rddreg [dreg:$0x2];
	[bflag:$0x3] =	sbarrier.arrive $0xFFFF;
	s2 =	simm.s32 @!p0 $0x1C06  }
0x25e: {  	[timem:s3], [sflag:s2] =	dma.local @!p0 [hbm:s0], s1  }
0x25f: {  	s0 =	simm.s32 @!p0 $0x6  }
0x260: {  	_ =	swait.ge @!p0 [sflag:s0], s1  }
0x261: {  	s1 =	ssub.s32 @!p0 $0x0, s1;
	[sflag:s0] =	ssyncset.done @!p0 $0x0  }
0x262: {  	[sflag:s0] =	ssyncadd.s32 @!p0 s1  }
0x263: {  	[bflag:$0x3] =	sbarrier.arrive $0xFFFF  }
0x264: {  	_ =	shalt  }

</sc_bundles>
